<compile_context>
chip_gen: v7x
topology: tpu7x:2x2x1
jax: 0.10.2.dev20260603
libtpu: 0.0.44.dev20260713+nightly
codegen_flags: <defaults>
</compile_context>

<pallas_src>
import functools

import jax
import jax.numpy as jnp
from jax import lax
from jax.experimental import pallas as pl
from jax.experimental.pallas import tpu as pltpu
from jax.experimental.pallas import tpu_sc as plsc

B = 16384
NEG = 16
D = 64
L = 16
NC = 2
NS = 16
NW = NC * NS
PER_W = B // NW
CHUNK = 16
DP = 128
NCHUNK = PER_W // CHUNK
NROWS = CHUNK * NEG
NBUF = 2
PITCH = 17


def _body(ent_hbm, rel_hbm, h_hbm, r_hbm, t_hbm, tn_hbm, pos_hbm, neg_hbm,
          h_idx, r_idx, t_idx, n_idx, h_rows, r_rows, t_rows, n_rows,
          pos_all, neg_all, pscr, tscr, sems):
    wid = lax.axis_index("s") * NC + lax.axis_index("c")
    base = pl.multiple_of(wid * PER_W, PER_W)
    nbase = pl.multiple_of(base * NEG, PER_W * NEG)

    pltpu.sync_copy(h_hbm.at[pl.ds(base, PER_W)], h_idx)
    pltpu.sync_copy(r_hbm.at[pl.ds(base, PER_W)], r_idx)
    pltpu.sync_copy(t_hbm.at[pl.ds(base, PER_W)], t_idx)
    pltpu.sync_copy(tn_hbm.at[pl.ds(nbase, PER_W * NEG)], n_idx)

    iota = lax.iota(jnp.int32, L)
    iota_p = iota * PITCH
    slices = [pl.ds(dl * L, L) for dl in range(D // L)]

    def fire(c, b):
        sl = pl.ds(pl.multiple_of(c * CHUNK, CHUNK), CHUNK)
        nsl = pl.ds(pl.multiple_of(c * NROWS, NROWS), NROWS)
        pltpu.async_copy(ent_hbm.at[h_idx.at[sl]], h_rows.at[b], sems.at[b])
        pltpu.async_copy(rel_hbm.at[r_idx.at[sl]], r_rows.at[b], sems.at[b])
        pltpu.async_copy(ent_hbm.at[t_idx.at[sl]], t_rows.at[b], sems.at[b])
        pltpu.async_copy(ent_hbm.at[n_idx.at[nsl]], n_rows.at[b], sems.at[b])

    def wait_buf(b):
        sl = pl.ds(0, CHUNK)
        nsl = pl.ds(0, NROWS)
        pltpu.make_async_copy(ent_hbm.at[h_idx.at[sl]], h_rows.at[b], sems.at[b]).wait()
        pltpu.make_async_copy(rel_hbm.at[r_idx.at[sl]], r_rows.at[b], sems.at[b]).wait()
        pltpu.make_async_copy(ent_hbm.at[t_idx.at[sl]], t_rows.at[b], sems.at[b]).wait()
        pltpu.make_async_copy(ent_hbm.at[n_idx.at[nsl]], n_rows.at[b], sems.at[b]).wait()

    def l1_acc(hr, ref, row):
        acc = None
        for dl in range(D // L):
            term = jnp.abs(hr[dl] - ref[row, slices[dl]])
            acc = term if acc is None else acc + term
        return acc

    def col_sum(scr):
        acc = None
        for l in range(L):
            col = plsc.load_gather(scr, [iota_p + l])
            acc = col if acc is None else acc + col
        return acc

    def compute(c, b):
        hb, rb, tb, nb = h_rows.at[b], r_rows.at[b], t_rows.at[b], n_rows.at[b]
        for g in range(CHUNK // L):

            def item_body(j, carry):
                li = g * L + j
                hr = [hb[li, sl] + rb[li, sl] for sl in slices]
                plsc.store_scatter(pscr, [iota + j * PITCH], l1_acc(hr, tb, li))
                for n in range(NEG):
                    plsc.store_scatter(
                        tscr, [iota + n * PITCH], l1_acc(hr, nb, li * NEG + n))
                neg_all[c * CHUNK + li, :] = col_sum(tscr)
                return carry

            lax.fori_loop(0, L, item_body, 0)
            pos_all[pl.ds(pl.multiple_of(c * CHUNK + g * L, L), L)] = col_sum(pscr)

    fire(0, 0)

    def pair_body(k, carry):
        c0 = k * 2
        fire(c0 + 1, 1)
        wait_buf(0)
        compute(c0, 0)

        @pl.when(k < NCHUNK // 2 - 1)
        def _():
            fire(c0 + 2, 0)

        wait_buf(1)
        compute(c0 + 1, 1)
        return carry

    lax.fori_loop(0, NCHUNK // 2, pair_body, 0)

    pltpu.sync_copy(pos_all, pos_hbm.at[pl.ds(base, PER_W)])
    pltpu.sync_copy(neg_all, neg_hbm.at[pl.ds(base, PER_W)])


@jax.jit
def _transe(h_ids, r_ids, t_ids, tn_flat, entity_emb, relation_emb):
    mesh = plsc.VectorSubcoreMesh(core_axis_name="c", subcore_axis_name="s")
    run = functools.partial(
        pl.kernel,
        mesh=mesh,
        compiler_params=pltpu.CompilerParams(
            needs_layout_passes=False, use_tc_tiling_on_sc=False),
        out_type=[
            jax.ShapeDtypeStruct((B,), jnp.float32),
            jax.ShapeDtypeStruct((B, NEG), jnp.float32),
        ],
        scratch_types=[
            pltpu.VMEM((PER_W,), jnp.int32),
            pltpu.VMEM((PER_W,), jnp.int32),
            pltpu.VMEM((PER_W,), jnp.int32),
            pltpu.VMEM((PER_W * NEG,), jnp.int32),
            pltpu.VMEM((NBUF, CHUNK, DP), jnp.float32),
            pltpu.VMEM((NBUF, CHUNK, DP), jnp.float32),
            pltpu.VMEM((NBUF, CHUNK, DP), jnp.float32),
            pltpu.VMEM((NBUF, NROWS, DP), jnp.float32),
            pltpu.VMEM((PER_W,), jnp.float32),
            pltpu.VMEM((PER_W, NEG), jnp.float32),
            pltpu.VMEM((L * PITCH,), jnp.float32),
            pltpu.VMEM((L * PITCH,), jnp.float32),
            pltpu.SemaphoreType.DMA((NBUF,)),
        ],
    )(_body)
    return run(entity_emb, relation_emb, h_ids, r_ids, t_ids, tn_flat)


def kernel(h_ids, r_ids, t_ids, t_neg_ids, entity_emb, relation_emb):
    tn_flat = t_neg_ids.astype(jnp.int32).reshape(B * NEG)
    ent_pad = jnp.pad(entity_emb, ((0, 0), (0, DP - D)))
    rel_pad = jnp.pad(relation_emb, ((0, 0), (0, DP - D)))
    pos, neg = _transe(h_ids.astype(jnp.int32), r_ids.astype(jnp.int32),
                       t_ids.astype(jnp.int32), tn_flat,
                       ent_pad, rel_pad)
    return pos, neg

# --- scband reference (transcript-rebuilt; emitter-appended) ---
"""Pipeline reference for scband-trans-e-38697655336995 (READ-ONLY COPY).

The authoritative reference and input builder live on the scoring server;
editing this copy changes nothing except your own understanding.
"""

import jax, jax.numpy as jnp
import numpy as np

NUM_ENTITIES = 1000000
NUM_RELATIONS = 1000
EMBED_DIM = 64
BATCH = 16384
NEG = 16


def setup_inputs(seed: int = 0) -> dict:
    key = jax.random.key(seed)
    k1, k2, k3, k4, k5, k6 = jax.random.split(key, 6)
    h_ids = jax.random.randint(k1, (BATCH,), 0, NUM_ENTITIES, dtype=jnp.int64 if jax.config.jax_enable_x64 else jnp.int32)
    r_ids = jax.random.randint(k2, (BATCH,), 0, NUM_RELATIONS, dtype=jnp.int64 if jax.config.jax_enable_x64 else jnp.int32)
    t_ids = jax.random.randint(k3, (BATCH,), 0, NUM_ENTITIES, dtype=jnp.int64 if jax.config.jax_enable_x64 else jnp.int32)
    t_neg_ids = jax.random.randint(k4, (BATCH, NEG), 0, NUM_ENTITIES, dtype=jnp.int64 if jax.config.jax_enable_x64 else jnp.int32)
    # xavier_uniform: bound = sqrt(6/(fan_in+fan_out))
    bound_e = float(np.sqrt(6.0 / (NUM_ENTITIES + EMBED_DIM)))
    bound_r = float(np.sqrt(6.0 / (NUM_RELATIONS + EMBED_DIM)))
    entity_emb = jax.random.uniform(k5, (NUM_ENTITIES, EMBED_DIM), minval=-bound_e, maxval=bound_e, dtype=jnp.float32)
    relation_emb = jax.random.uniform(k6, (NUM_RELATIONS, EMBED_DIM), minval=-bound_r, maxval=bound_r, dtype=jnp.float32)
    return {"h_ids": h_ids, "r_ids": r_ids, "t_ids": t_ids, "t_neg_ids": t_neg_ids,
            "entity_emb": entity_emb, "relation_emb": relation_emb}


def reference(h_ids, r_ids, t_ids, t_neg_ids, entity_emb, relation_emb):
    h = jnp.take(entity_emb, h_ids, axis=0)          # [B, D]
    r = jnp.take(relation_emb, r_ids, axis=0)        # [B, D]
    t = jnp.take(entity_emb, t_ids, axis=0)          # [B, D]
    pos_score = jnp.sum(jnp.abs(h + r - t), axis=1)  # L1 norm, [B]
    batch_size, neg_samples = t_neg_ids.shape
    h_expanded = jnp.broadcast_to(h[:, None, :], (batch_size, neg_samples, EMBED_DIM)).reshape(-1, EMBED_DIM)
    r_expanded = jnp.broadcast_to(r[:, None, :], (batch_size, neg_samples, EMBED_DIM)).reshape(-1, EMBED_DIM)
    t_neg = jnp.take(entity_emb, t_neg_ids.reshape(-1), axis=0)
    neg_score = jnp.sum(jnp.abs(h_expanded + r_expanded - t_neg), axis=1)
    neg_score = neg_score.reshape(batch_size, neg_samples)
    return (pos_score, neg_score)

if __name__ == "__main__":
    import jax
    _d = setup_inputs()
    print(jax.jit(kernel)(*tuple(_d.values())))

</pallas_src>

<mosaic_0001>
#map = affine_map<(d0, d1) -> (0, 0)>
#map1 = affine_map<(d0, d1) -> (0)>
module attributes {stable_mosaic.version = 14 : i64} {
  func.func @_body(%arg0: i32, %arg1: i32, %arg2: memref<1000000x128xf32, #tpu.memory_space<hbm>>, %arg3: memref<1000x128xf32, #tpu.memory_space<hbm>>, %arg4: memref<16384xi32, #tpu.memory_space<hbm>>, %arg5: memref<16384xi32, #tpu.memory_space<hbm>>, %arg6: memref<16384xi32, #tpu.memory_space<hbm>>, %arg7: memref<262144xi32, #tpu.memory_space<hbm>>, %arg8: memref<16384xf32, #tpu.memory_space<hbm>>, %arg9: memref<16384x16xf32, #tpu.memory_space<hbm>>, %arg10: memref<512xi32, #tpu.memory_space<vmem>>, %arg11: memref<512xi32, #tpu.memory_space<vmem>>, %arg12: memref<512xi32, #tpu.memory_space<vmem>>, %arg13: memref<8192xi32, #tpu.memory_space<vmem>>, %arg14: memref<2x16x128xf32, #tpu.memory_space<vmem>>, %arg15: memref<2x16x128xf32, #tpu.memory_space<vmem>>, %arg16: memref<2x16x128xf32, #tpu.memory_space<vmem>>, %arg17: memref<2x256x128xf32, #tpu.memory_space<vmem>>, %arg18: memref<512xf32, #tpu.memory_space<vmem>>, %arg19: memref<512x16xf32, #tpu.memory_space<vmem>>, %arg20: memref<272xf32, #tpu.memory_space<vmem>>, %arg21: memref<272xf32, #tpu.memory_space<vmem>>, %arg22: memref<2x!tpu.dma_semaphore, #tpu.memory_space<semaphore_mem>>) attributes {dimension_semantics = [#tpu.dimension_semantics<core_parallel>, #tpu.dimension_semantics<subcore_parallel>], iteration_bounds = array<i64: 2, 16>, scalar_prefetch = 0 : i64, scratch_operands = 13 : i64, tpu.core_type = #tpu.core_type<sc_vector_subcore>, window_params = [{transform_indices = #map}, {transform_indices = #map}, {transform_indices = #map1}, {transform_indices = #map1}, {transform_indices = #map1}, {transform_indices = #map1}, {transform_indices = #map1}, {transform_indices = #map}]} {
    %mul3A = arith.constant 2 : i32
    %mul3A_0 = arith.muli %arg1, %mul3A : i32
    %add3A = arith.addi %mul3A_0, %arg0 : i32
    %mul3A_1 = arith.constant 512 : i32
    %mul3A_2 = arith.muli %add3A, %mul3A_1 : i32
    %multiple_of3A = tpu.assume_multiple %mul3A_2, 512 : i32
    %mul3A_3 = arith.constant 16 : i32
    %mul3A_4 = arith.muli %multiple_of3A, %mul3A_3 : i32
    %multiple_of3A_5 = tpu.assume_multiple %mul3A_4, 8192 : i32
    "tpu.region"() ({
      %run_scoped3A = tpu.sem_alloc : memref<!tpu.dma_semaphore, #tpu.memory_space<semaphore_mem>>
      %dma_start3A_65 = tpu.memref_slice %arg4[%multiple_of3A] : memref<16384xi32, #tpu.memory_space<hbm>> -> memref<512xi32, #tpu.memory_space<hbm>>
      %dma_start3A_66 = tpu.memref_slice %arg4[%multiple_of3A] : memref<16384xi32, #tpu.memory_space<hbm>> -> memref<512xi32, #tpu.memory_space<hbm>>
      tpu.enqueue_dma source(%dma_start3A_66 : memref<512xi32, #tpu.memory_space<hbm>>) target(%arg10 : memref<512xi32, #tpu.memory_space<vmem>>) target_semaphore(%run_scoped3A : memref<!tpu.dma_semaphore, #tpu.memory_space<semaphore_mem>>)
      %dma_wait3A = tpu.memref_slice %arg4[%multiple_of3A] : memref<16384xi32, #tpu.memory_space<hbm>> -> memref<512xi32, #tpu.memory_space<hbm>>
      %dma_wait3A_67 = tpu.memref_slice %arg4[%multiple_of3A] : memref<16384xi32, #tpu.memory_space<hbm>> -> memref<512xi32, #tpu.memory_space<hbm>>
      tpu.wait_dma2 semaphore(%run_scoped3A : memref<!tpu.dma_semaphore, #tpu.memory_space<semaphore_mem>>) src(%dma_wait3A_67 : memref<512xi32, #tpu.memory_space<hbm>>) dst(%arg10 : memref<512xi32, #tpu.memory_space<vmem>>)
      tpu.yield
    }) : () -> ()
    "tpu.region"() ({
      %run_scoped3A = tpu.sem_alloc : memref<!tpu.dma_semaphore, #tpu.memory_space<semaphore_mem>>
      %dma_start3A_65 = tpu.memref_slice %arg5[%multiple_of3A] : memref<16384xi32, #tpu.memory_space<hbm>> -> memref<512xi32, #tpu.memory_space<hbm>>
      %dma_start3A_66 = tpu.memref_slice %arg5[%multiple_of3A] : memref<16384xi32, #tpu.memory_space<hbm>> -> memref<512xi32, #tpu.memory_space<hbm>>
      tpu.enqueue_dma source(%dma_start3A_66 : memref<512xi32, #tpu.memory_space<hbm>>) target(%arg11 : memref<512xi32, #tpu.memory_space<vmem>>) target_semaphore(%run_scoped3A : memref<!tpu.dma_semaphore, #tpu.memory_space<semaphore_mem>>)
      %dma_wait3A = tpu.memref_slice %arg5[%multiple_of3A] : memref<16384xi32, #tpu.memory_space<hbm>> -> memref<512xi32, #tpu.memory_space<hbm>>
      %dma_wait3A_67 = tpu.memref_slice %arg5[%multiple_of3A] : memref<16384xi32, #tpu.memory_space<hbm>> -> memref<512xi32, #tpu.memory_space<hbm>>
      tpu.wait_dma2 semaphore(%run_scoped3A : memref<!tpu.dma_semaphore, #tpu.memory_space<semaphore_mem>>) src(%dma_wait3A_67 : memref<512xi32, #tpu.memory_space<hbm>>) dst(%arg11 : memref<512xi32, #tpu.memory_space<vmem>>)
      tpu.yield
    }) : () -> ()
    "tpu.region"() ({
      %run_scoped3A = tpu.sem_alloc : memref<!tpu.dma_semaphore, #tpu.memory_space<semaphore_mem>>
      %dma_start3A_65 = tpu.memref_slice %arg6[%multiple_of3A] : memref<16384xi32, #tpu.memory_space<hbm>> -> memref<512xi32, #tpu.memory_space<hbm>>
      %dma_start3A_66 = tpu.memref_slice %arg6[%multiple_of3A] : memref<16384xi32, #tpu.memory_space<hbm>> -> memref<512xi32, #tpu.memory_space<hbm>>
      tpu.enqueue_dma source(%dma_start3A_66 : memref<512xi32, #tpu.memory_space<hbm>>) target(%arg12 : memref<512xi32, #tpu.memory_space<vmem>>) target_semaphore(%run_scoped3A : memref<!tpu.dma_semaphore, #tpu.memory_space<semaphore_mem>>)
      %dma_wait3A = tpu.memref_slice %arg6[%multiple_of3A] : memref<16384xi32, #tpu.memory_space<hbm>> -> memref<512xi32, #tpu.memory_space<hbm>>
      %dma_wait3A_67 = tpu.memref_slice %arg6[%multiple_of3A] : memref<16384xi32, #tpu.memory_space<hbm>> -> memref<512xi32, #tpu.memory_space<hbm>>
      tpu.wait_dma2 semaphore(%run_scoped3A : memref<!tpu.dma_semaphore, #tpu.memory_space<semaphore_mem>>) src(%dma_wait3A_67 : memref<512xi32, #tpu.memory_space<hbm>>) dst(%arg12 : memref<512xi32, #tpu.memory_space<vmem>>)
      tpu.yield
    }) : () -> ()
    "tpu.region"() ({
      %run_scoped3A = tpu.sem_alloc : memref<!tpu.dma_semaphore, #tpu.memory_space<semaphore_mem>>
      %dma_start3A_65 = tpu.memref_slice %arg7[%multiple_of3A_5] : memref<262144xi32, #tpu.memory_space<hbm>> -> memref<8192xi32, #tpu.memory_space<hbm>>
      %dma_start3A_66 = tpu.memref_slice %arg7[%multiple_of3A_5] : memref<262144xi32, #tpu.memory_space<hbm>> -> memref<8192xi32, #tpu.memory_space<hbm>>
      tpu.enqueue_dma source(%dma_start3A_66 : memref<8192xi32, #tpu.memory_space<hbm>>) target(%arg13 : memref<8192xi32, #tpu.memory_space<vmem>>) target_semaphore(%run_scoped3A : memref<!tpu.dma_semaphore, #tpu.memory_space<semaphore_mem>>)
      %dma_wait3A = tpu.memref_slice %arg7[%multiple_of3A_5] : memref<262144xi32, #tpu.memory_space<hbm>> -> memref<8192xi32, #tpu.memory_space<hbm>>
      %dma_wait3A_67 = tpu.memref_slice %arg7[%multiple_of3A_5] : memref<262144xi32, #tpu.memory_space<hbm>> -> memref<8192xi32, #tpu.memory_space<hbm>>
      tpu.wait_dma2 semaphore(%run_scoped3A : memref<!tpu.dma_semaphore, #tpu.memory_space<semaphore_mem>>) src(%dma_wait3A_67 : memref<8192xi32, #tpu.memory_space<hbm>>) dst(%arg13 : memref<8192xi32, #tpu.memory_space<vmem>>)
      tpu.yield
    }) : () -> ()
    %iota3A = tpu.iota {dimensions = array<i32: 0>} : vector<16xi32>
    %mul3A_6 = arith.constant 17 : i32
    %mul3A_7 = vector.broadcast %mul3A_6 : i32 to vector<16xi32>
    %mul3A_8 = arith.muli %iota3A, %mul3A_7 : vector<16xi32>
    %multiple_of3A_9 = arith.constant 0 : i32
    %multiple_of3A_10 = tpu.assume_multiple %multiple_of3A_9, 16 : i32
    %multiple_of3A_11 = arith.constant 0 : i32
    %multiple_of3A_12 = tpu.assume_multiple %multiple_of3A_11, 256 : i32
    %dma_start3A = arith.constant 0 : i32
    %dma_start3A_13 = arith.constant 0 : i32
    %dma_start3A_14 = arith.constant 0 : i32
    %dma_start3A_15 = arith.constant 0 : i32
    %dma_start3A_16 = tpu.memref_slice %arg14[%dma_start3A, %dma_start3A_14, %dma_start3A_15] : memref<2x16x128xf32, #tpu.memory_space<vmem>> -> memref<1x16x128xf32, #tpu.memory_space<vmem>>
    %dma_start3A_17 = tpu.memref_squeeze %dma_start3A_16 : memref<1x16x128xf32, #tpu.memory_space<vmem>> -> memref<16x128xf32, #tpu.memory_space<vmem>>
    %dma_start3A_18 = tpu.memref_slice %arg10[%multiple_of3A_10] : memref<512xi32, #tpu.memory_space<vmem>> -> memref<16xi32, #tpu.memory_space<vmem>>
    %dma_start3A_19 = arith.constant 0 : i32
    %dma_start3A_20 = arith.constant 0 : i32
    %dma_start3A_21 = tpu.memref_slice %arg2[%dma_start3A_19, %dma_start3A_20] : memref<1000000x128xf32, #tpu.memory_space<hbm>> -> memref<1000000x128xf32, #tpu.memory_space<hbm>>
    %dma_start3A_22 = tpu.memref_slice %arg22[%dma_start3A_13] : memref<2x!tpu.dma_semaphore, #tpu.memory_space<semaphore_mem>> -> memref<1x!tpu.dma_semaphore, #tpu.memory_space<semaphore_mem>>
    %dma_start3A_23 = tpu.memref_squeeze %dma_start3A_22 : memref<1x!tpu.dma_semaphore, #tpu.memory_space<semaphore_mem>> -> memref<!tpu.dma_semaphore, #tpu.memory_space<semaphore_mem>>
    tpu.enqueue_indirect_dma source(%dma_start3A_21 : memref<1000000x128xf32, #tpu.memory_space<hbm>>) target(%dma_start3A_17 : memref<16x128xf32, #tpu.memory_space<vmem>>) offsets(%dma_start3A_18 : memref<16xi32, #tpu.memory_space<vmem>>) semaphore(%dma_start3A_23 : memref<!tpu.dma_semaphore, #tpu.memory_space<semaphore_mem>>)
    %dma_start3A_24 = arith.constant 0 : i32
    %dma_start3A_25 = arith.constant 0 : i32
    %dma_start3A_26 = arith.constant 0 : i32
    %dma_start3A_27 = arith.constant 0 : i32
    %dma_start3A_28 = tpu.memref_slice %arg15[%dma_start3A_24, %dma_start3A_26, %dma_start3A_27] : memref<2x16x128xf32, #tpu.memory_space<vmem>> -> memref<1x16x128xf32, #tpu.memory_space<vmem>>
    %dma_start3A_29 = tpu.memref_squeeze %dma_start3A_28 : memref<1x16x128xf32, #tpu.memory_space<vmem>> -> memref<16x128xf32, #tpu.memory_space<vmem>>
    %dma_start3A_30 = tpu.memref_slice %arg11[%multiple_of3A_10] : memref<512xi32, #tpu.memory_space<vmem>> -> memref<16xi32, #tpu.memory_space<vmem>>
    %dma_start3A_31 = arith.constant 0 : i32
    %dma_start3A_32 = arith.constant 0 : i32
    %dma_start3A_33 = tpu.memref_slice %arg3[%dma_start3A_31, %dma_start3A_32] : memref<1000x128xf32, #tpu.memory_space<hbm>> -> memref<1000x128xf32, #tpu.memory_space<hbm>>
    %dma_start3A_34 = tpu.memref_slice %arg22[%dma_start3A_25] : memref<2x!tpu.dma_semaphore, #tpu.memory_space<semaphore_mem>> -> memref<1x!tpu.dma_semaphore, #tpu.memory_space<semaphore_mem>>
    %dma_start3A_35 = tpu.memref_squeeze %dma_start3A_34 : memref<1x!tpu.dma_semaphore, #tpu.memory_space<semaphore_mem>> -> memref<!tpu.dma_semaphore, #tpu.memory_space<semaphore_mem>>
    tpu.enqueue_indirect_dma source(%dma_start3A_33 : memref<1000x128xf32, #tpu.memory_space<hbm>>) target(%dma_start3A_29 : memref<16x128xf32, #tpu.memory_space<vmem>>) offsets(%dma_start3A_30 : memref<16xi32, #tpu.memory_space<vmem>>) semaphore(%dma_start3A_35 : memref<!tpu.dma_semaphore, #tpu.memory_space<semaphore_mem>>)
    %dma_start3A_36 = arith.constant 0 : i32
    %dma_start3A_37 = arith.constant 0 : i32
    %dma_start3A_38 = arith.constant 0 : i32
    %dma_start3A_39 = arith.constant 0 : i32
    %dma_start3A_40 = tpu.memref_slice %arg16[%dma_start3A_36, %dma_start3A_38, %dma_start3A_39] : memref<2x16x128xf32, #tpu.memory_space<vmem>> -> memref<1x16x128xf32, #tpu.memory_space<vmem>>
    %dma_start3A_41 = tpu.memref_squeeze %dma_start3A_40 : memref<1x16x128xf32, #tpu.memory_space<vmem>> -> memref<16x128xf32, #tpu.memory_space<vmem>>
    %dma_start3A_42 = tpu.memref_slice %arg12[%multiple_of3A_10] : memref<512xi32, #tpu.memory_space<vmem>> -> memref<16xi32, #tpu.memory_space<vmem>>
    %dma_start3A_43 = arith.constant 0 : i32
    %dma_start3A_44 = arith.constant 0 : i32
    %dma_start3A_45 = tpu.memref_slice %arg2[%dma_start3A_43, %dma_start3A_44] : memref<1000000x128xf32, #tpu.memory_space<hbm>> -> memref<1000000x128xf32, #tpu.memory_space<hbm>>
    %dma_start3A_46 = tpu.memref_slice %arg22[%dma_start3A_37] : memref<2x!tpu.dma_semaphore, #tpu.memory_space<semaphore_mem>> -> memref<1x!tpu.dma_semaphore, #tpu.memory_space<semaphore_mem>>
    %dma_start3A_47 = tpu.memref_squeeze %dma_start3A_46 : memref<1x!tpu.dma_semaphore, #tpu.memory_space<semaphore_mem>> -> memref<!tpu.dma_semaphore, #tpu.memory_space<semaphore_mem>>
    tpu.enqueue_indirect_dma source(%dma_start3A_45 : memref<1000000x128xf32, #tpu.memory_space<hbm>>) target(%dma_start3A_41 : memref<16x128xf32, #tpu.memory_space<vmem>>) offsets(%dma_start3A_42 : memref<16xi32, #tpu.memory_space<vmem>>) semaphore(%dma_start3A_47 : memref<!tpu.dma_semaphore, #tpu.memory_space<semaphore_mem>>)
    %dma_start3A_48 = arith.constant 0 : i32
    %dma_start3A_49 = arith.constant 0 : i32
    %dma_start3A_50 = arith.constant 0 : i32
    %dma_start3A_51 = arith.constant 0 : i32
    %dma_start3A_52 = tpu.memref_slice %arg17[%dma_start3A_48, %dma_start3A_50, %dma_start3A_51] : memref<2x256x128xf32, #tpu.memory_space<vmem>> -> memref<1x256x128xf32, #tpu.memory_space<vmem>>
    %dma_start3A_53 = tpu.memref_squeeze %dma_start3A_52 : memref<1x256x128xf32, #tpu.memory_space<vmem>> -> memref<256x128xf32, #tpu.memory_space<vmem>>
    %dma_start3A_54 = tpu.memref_slice %arg13[%multiple_of3A_12] : memref<8192xi32, #tpu.memory_space<vmem>> -> memref<256xi32, #tpu.memory_space<vmem>>
    %dma_start3A_55 = arith.constant 0 : i32
    %dma_start3A_56 = arith.constant 0 : i32
    %dma_start3A_57 = tpu.memref_slice %arg2[%dma_start3A_55, %dma_start3A_56] : memref<1000000x128xf32, #tpu.memory_space<hbm>> -> memref<1000000x128xf32, #tpu.memory_space<hbm>>
    %dma_start3A_58 = tpu.memref_slice %arg22[%dma_start3A_49] : memref<2x!tpu.dma_semaphore, #tpu.memory_space<semaphore_mem>> -> memref<1x!tpu.dma_semaphore, #tpu.memory_space<semaphore_mem>>
    %dma_start3A_59 = tpu.memref_squeeze %dma_start3A_58 : memref<1x!tpu.dma_semaphore, #tpu.memory_space<semaphore_mem>> -> memref<!tpu.dma_semaphore, #tpu.memory_space<semaphore_mem>>
    tpu.enqueue_indirect_dma source(%dma_start3A_57 : memref<1000000x128xf32, #tpu.memory_space<hbm>>) target(%dma_start3A_53 : memref<256x128xf32, #tpu.memory_space<vmem>>) offsets(%dma_start3A_54 : memref<256xi32, #tpu.memory_space<vmem>>) semaphore(%dma_start3A_59 : memref<!tpu.dma_semaphore, #tpu.memory_space<semaphore_mem>>)
    %scan3A = arith.constant 0 : i32
    %scan3A_60 = arith.constant 0 : i32
    %scan3A_61 = arith.constant 16 : i32
    %scan3A_62 = arith.addi %scan3A_60, %scan3A_61 : i32
    %scan3A_63 = arith.constant 1 : i32
    scf.for %scan3A_65 = %scan3A_60 to %scan3A_62 step %scan3A_63  : i32 {
      %mul3A_66 = arith.constant 2 : i32
      %mul3A_67 = arith.muli %scan3A_65, %mul3A_66 : i32
      %add3A_68 = arith.constant 1 : i32
      %add3A_69 = arith.addi %mul3A_67, %add3A_68 : i32
      %mul3A_70 = arith.constant 16 : i32
      %mul3A_71 = arith.muli %add3A_69, %mul3A_70 : i32
      %multiple_of3A_72 = tpu.assume_multiple %mul3A_71, 16 : i32
      %mul3A_73 = arith.constant 256 : i32
      %mul3A_74 = arith.muli %add3A_69, %mul3A_73 : i32
      %multiple_of3A_75 = tpu.assume_multiple %mul3A_74, 256 : i32
      %dma_start3A_76 = arith.constant 1 : i32
      %dma_start3A_77 = arith.constant 1 : i32
      %dma_start3A_78 = arith.constant 0 : i32
      %dma_start3A_79 = arith.constant 0 : i32
      %dma_start3A_80 = tpu.memref_slice %arg14[%dma_start3A_76, %dma_start3A_78, %dma_start3A_79] : memref<2x16x128xf32, #tpu.memory_space<vmem>> -> memref<1x16x128xf32, #tpu.memory_space<vmem>>
      %dma_start3A_81 = tpu.memref_squeeze %dma_start3A_80 : memref<1x16x128xf32, #tpu.memory_space<vmem>> -> memref<16x128xf32, #tpu.memory_space<vmem>>
      %dma_start3A_82 = tpu.memref_slice %arg10[%multiple_of3A_72] : memref<512xi32, #tpu.memory_space<vmem>> -> memref<16xi32, #tpu.memory_space<vmem>>
      %dma_start3A_83 = arith.constant 0 : i32
      %dma_start3A_84 = arith.constant 0 : i32
      %dma_start3A_85 = tpu.memref_slice %arg2[%dma_start3A_83, %dma_start3A_84] : memref<1000000x128xf32, #tpu.memory_space<hbm>> -> memref<1000000x128xf32, #tpu.memory_space<hbm>>
      %dma_start3A_86 = tpu.memref_slice %arg22[%dma_start3A_77] : memref<2x!tpu.dma_semaphore, #tpu.memory_space<semaphore_mem>> -> memref<1x!tpu.dma_semaphore, #tpu.memory_space<semaphore_mem>>
      %dma_start3A_87 = tpu.memref_squeeze %dma_start3A_86 : memref<1x!tpu.dma_semaphore, #tpu.memory_space<semaphore_mem>> -> memref<!tpu.dma_semaphore, #tpu.memory_space<semaphore_mem>>
      tpu.enqueue_indirect_dma source(%dma_start3A_85 : memref<1000000x128xf32, #tpu.memory_space<hbm>>) target(%dma_start3A_81 : memref<16x128xf32, #tpu.memory_space<vmem>>) offsets(%dma_start3A_82 : memref<16xi32, #tpu.memory_space<vmem>>) semaphore(%dma_start3A_87 : memref<!tpu.dma_semaphore, #tpu.memory_space<semaphore_mem>>)
      %dma_start3A_88 = arith.constant 1 : i32
      %dma_start3A_89 = arith.constant 1 : i32
      %dma_start3A_90 = arith.constant 0 : i32
      %dma_start3A_91 = arith.constant 0 : i32
      %dma_start3A_92 = tpu.memref_slice %arg15[%dma_start3A_88, %dma_start3A_90, %dma_start3A_91] : memref<2x16x128xf32, #tpu.memory_space<vmem>> -> memref<1x16x128xf32, #tpu.memory_space<vmem>>
      %dma_start3A_93 = tpu.memref_squeeze %dma_start3A_92 : memref<1x16x128xf32, #tpu.memory_space<vmem>> -> memref<16x128xf32, #tpu.memory_space<vmem>>
      %dma_start3A_94 = tpu.memref_slice %arg11[%multiple_of3A_72] : memref<512xi32, #tpu.memory_space<vmem>> -> memref<16xi32, #tpu.memory_space<vmem>>
      %dma_start3A_95 = arith.constant 0 : i32
      %dma_start3A_96 = arith.constant 0 : i32
      %dma_start3A_97 = tpu.memref_slice %arg3[%dma_start3A_95, %dma_start3A_96] : memref<1000x128xf32, #tpu.memory_space<hbm>> -> memref<1000x128xf32, #tpu.memory_space<hbm>>
      %dma_start3A_98 = tpu.memref_slice %arg22[%dma_start3A_89] : memref<2x!tpu.dma_semaphore, #tpu.memory_space<semaphore_mem>> -> memref<1x!tpu.dma_semaphore, #tpu.memory_space<semaphore_mem>>
      %dma_start3A_99 = tpu.memref_squeeze %dma_start3A_98 : memref<1x!tpu.dma_semaphore, #tpu.memory_space<semaphore_mem>> -> memref<!tpu.dma_semaphore, #tpu.memory_space<semaphore_mem>>
      tpu.enqueue_indirect_dma source(%dma_start3A_97 : memref<1000x128xf32, #tpu.memory_space<hbm>>) target(%dma_start3A_93 : memref<16x128xf32, #tpu.memory_space<vmem>>) offsets(%dma_start3A_94 : memref<16xi32, #tpu.memory_space<vmem>>) semaphore(%dma_start3A_99 : memref<!tpu.dma_semaphore, #tpu.memory_space<semaphore_mem>>)
      %dma_start3A_100 = arith.constant 1 : i32
      %dma_start3A_101 = arith.constant 1 : i32
      %dma_start3A_102 = arith.constant 0 : i32
      %dma_start3A_103 = arith.constant 0 : i32
      %dma_start3A_104 = tpu.memref_slice %arg16[%dma_start3A_100, %dma_start3A_102, %dma_start3A_103] : memref<2x16x128xf32, #tpu.memory_space<vmem>> -> memref<1x16x128xf32, #tpu.memory_space<vmem>>
      %dma_start3A_105 = tpu.memref_squeeze %dma_start3A_104 : memref<1x16x128xf32, #tpu.memory_space<vmem>> -> memref<16x128xf32, #tpu.memory_space<vmem>>
      %dma_start3A_106 = tpu.memref_slice %arg12[%multiple_of3A_72] : memref<512xi32, #tpu.memory_space<vmem>> -> memref<16xi32, #tpu.memory_space<vmem>>
      %dma_start3A_107 = arith.constant 0 : i32
      %dma_start3A_108 = arith.constant 0 : i32
      %dma_start3A_109 = tpu.memref_slice %arg2[%dma_start3A_107, %dma_start3A_108] : memref<1000000x128xf32, #tpu.memory_space<hbm>> -> memref<1000000x128xf32, #tpu.memory_space<hbm>>
      %dma_start3A_110 = tpu.memref_slice %arg22[%dma_start3A_101] : memref<2x!tpu.dma_semaphore, #tpu.memory_space<semaphore_mem>> -> memref<1x!tpu.dma_semaphore, #tpu.memory_space<semaphore_mem>>
      %dma_start3A_111 = tpu.memref_squeeze %dma_start3A_110 : memref<1x!tpu.dma_semaphore, #tpu.memory_space<semaphore_mem>> -> memref<!tpu.dma_semaphore, #tpu.memory_space<semaphore_mem>>
      tpu.enqueue_indirect_dma source(%dma_start3A_109 : memref<1000000x128xf32, #tpu.memory_space<hbm>>) target(%dma_start3A_105 : memref<16x128xf32, #tpu.memory_space<vmem>>) offsets(%dma_start3A_106 : memref<16xi32, #tpu.memory_space<vmem>>) semaphore(%dma_start3A_111 : memref<!tpu.dma_semaphore, #tpu.memory_space<semaphore_mem>>)
      %dma_start3A_112 = arith.constant 1 : i32
      %dma_start3A_113 = arith.constant 1 : i32
      %dma_start3A_114 = arith.constant 0 : i32
      %dma_start3A_115 = arith.constant 0 : i32
      %dma_start3A_116 = tpu.memref_slice %arg17[%dma_start3A_112, %dma_start3A_114, %dma_start3A_115] : memref<2x256x128xf32, #tpu.memory_space<vmem>> -> memref<1x256x128xf32, #tpu.memory_space<vmem>>
      %dma_start3A_117 = tpu.memref_squeeze %dma_start3A_116 : memref<1x256x128xf32, #tpu.memory_space<vmem>> -> memref<256x128xf32, #tpu.memory_space<vmem>>
      %dma_start3A_118 = tpu.memref_slice %arg13[%multiple_of3A_75] : memref<8192xi32, #tpu.memory_space<vmem>> -> memref<256xi32, #tpu.memory_space<vmem>>
      %dma_start3A_119 = arith.constant 0 : i32
      %dma_start3A_120 = arith.constant 0 : i32
      %dma_start3A_121 = tpu.memref_slice %arg2[%dma_start3A_119, %dma_start3A_120] : memref<1000000x128xf32, #tpu.memory_space<hbm>> -> memref<1000000x128xf32, #tpu.memory_space<hbm>>
      %dma_start3A_122 = tpu.memref_slice %arg22[%dma_start3A_113] : memref<2x!tpu.dma_semaphore, #tpu.memory_space<semaphore_mem>> -> memref<1x!tpu.dma_semaphore, #tpu.memory_space<semaphore_mem>>
      %dma_start3A_123 = tpu.memref_squeeze %dma_start3A_122 : memref<1x!tpu.dma_semaphore, #tpu.memory_space<semaphore_mem>> -> memref<!tpu.dma_semaphore, #tpu.memory_space<semaphore_mem>>
      tpu.enqueue_indirect_dma source(%dma_start3A_121 : memref<1000000x128xf32, #tpu.memory_space<hbm>>) target(%dma_start3A_117 : memref<256x128xf32, #tpu.memory_space<vmem>>) offsets(%dma_start3A_118 : memref<256xi32, #tpu.memory_space<vmem>>) semaphore(%dma_start3A_123 : memref<!tpu.dma_semaphore, #tpu.memory_space<semaphore_mem>>)
      %dma_wait3A = arith.constant 0 : i32
      %dma_wait3A_124 = arith.constant 0 : i32
      %dma_wait3A_125 = arith.constant 0 : i32
      %dma_wait3A_126 = arith.constant 0 : i32
      %dma_wait3A_127 = tpu.memref_slice %arg14[%dma_wait3A, %dma_wait3A_125, %dma_wait3A_126] : memref<2x16x128xf32, #tpu.memory_space<vmem>> -> memref<1x16x128xf32, #tpu.memory_space<vmem>>
      %dma_wait3A_128 = tpu.memref_squeeze %dma_wait3A_127 : memref<1x16x128xf32, #tpu.memory_space<vmem>> -> memref<16x128xf32, #tpu.memory_space<vmem>>
      %dma_wait3A_129 = arith.constant 0 : i32
      %dma_wait3A_130 = tpu.memref_slice %arg10[%dma_wait3A_129] : memref<512xi32, #tpu.memory_space<vmem>> -> memref<16xi32, #tpu.memory_space<vmem>>
      %dma_wait3A_131 = arith.constant 0 : i32
      %dma_wait3A_132 = arith.constant 0 : i32
      %dma_wait3A_133 = tpu.memref_slice %arg2[%dma_wait3A_131, %dma_wait3A_132] : memref<1000000x128xf32, #tpu.memory_space<hbm>> -> memref<1000000x128xf32, #tpu.memory_space<hbm>>
      %dma_wait3A_134 = tpu.memref_slice %arg22[%dma_wait3A_124] : memref<2x!tpu.dma_semaphore, #tpu.memory_space<semaphore_mem>> -> memref<1x!tpu.dma_semaphore, #tpu.memory_space<semaphore_mem>>
      %dma_wait3A_135 = tpu.memref_squeeze %dma_wait3A_134 : memref<1x!tpu.dma_semaphore, #tpu.memory_space<semaphore_mem>> -> memref<!tpu.dma_semaphore, #tpu.memory_space<semaphore_mem>>
      tpu.wait_indirect_dma semaphore(%dma_wait3A_135 : memref<!tpu.dma_semaphore, #tpu.memory_space<semaphore_mem>>) src(%dma_wait3A_133 : memref<1000000x128xf32, #tpu.memory_space<hbm>>) dst(%dma_wait3A_128 : memref<16x128xf32, #tpu.memory_space<vmem>>)
      %dma_wait3A_136 = arith.constant 0 : i32
      %dma_wait3A_137 = arith.constant 0 : i32
      %dma_wait3A_138 = arith.constant 0 : i32
      %dma_wait3A_139 = arith.constant 0 : i32
      %dma_wait3A_140 = tpu.memref_slice %arg15[%dma_wait3A_136, %dma_wait3A_138, %dma_wait3A_139] : memref<2x16x128xf32, #tpu.memory_space<vmem>> -> memref<1x16x128xf32, #tpu.memory_space<vmem>>
      %dma_wait3A_141 = tpu.memref_squeeze %dma_wait3A_140 : memref<1x16x128xf32, #tpu.memory_space<vmem>> -> memref<16x128xf32, #tpu.memory_space<vmem>>
      %dma_wait3A_142 = arith.constant 0 : i32
      %dma_wait3A_143 = tpu.memref_slice %arg11[%dma_wait3A_142] : memref<512xi32, #tpu.memory_space<vmem>> -> memref<16xi32, #tpu.memory_space<vmem>>
      %dma_wait3A_144 = arith.constant 0 : i32
      %dma_wait3A_145 = arith.constant 0 : i32
      %dma_wait3A_146 = tpu.memref_slice %arg3[%dma_wait3A_144, %dma_wait3A_145] : memref<1000x128xf32, #tpu.memory_space<hbm>> -> memref<1000x128xf32, #tpu.memory_space<hbm>>
      %dma_wait3A_147 = tpu.memref_slice %arg22[%dma_wait3A_137] : memref<2x!tpu.dma_semaphore, #tpu.memory_space<semaphore_mem>> -> memref<1x!tpu.dma_semaphore, #tpu.memory_space<semaphore_mem>>
      %dma_wait3A_148 = tpu.memref_squeeze %dma_wait3A_147 : memref<1x!tpu.dma_semaphore, #tpu.memory_space<semaphore_mem>> -> memref<!tpu.dma_semaphore, #tpu.memory_space<semaphore_mem>>
      tpu.wait_indirect_dma semaphore(%dma_wait3A_148 : memref<!tpu.dma_semaphore, #tpu.memory_space<semaphore_mem>>) src(%dma_wait3A_146 : memref<1000x128xf32, #tpu.memory_space<hbm>>) dst(%dma_wait3A_141 : memref<16x128xf32, #tpu.memory_space<vmem>>)
      %dma_wait3A_149 = arith.constant 0 : i32
      %dma_wait3A_150 = arith.constant 0 : i32
      %dma_wait3A_151 = arith.constant 0 : i32
      %dma_wait3A_152 = arith.constant 0 : i32
      %dma_wait3A_153 = tpu.memref_slice %arg16[%dma_wait3A_149, %dma_wait3A_151, %dma_wait3A_152] : memref<2x16x128xf32, #tpu.memory_space<vmem>> -> memref<1x16x128xf32, #tpu.memory_space<vmem>>
      %dma_wait3A_154 = tpu.memref_squeeze %dma_wait3A_153 : memref<1x16x128xf32, #tpu.memory_space<vmem>> -> memref<16x128xf32, #tpu.memory_space<vmem>>
      %dma_wait3A_155 = arith.constant 0 : i32
      %dma_wait3A_156 = tpu.memref_slice %arg12[%dma_wait3A_155] : memref<512xi32, #tpu.memory_space<vmem>> -> memref<16xi32, #tpu.memory_space<vmem>>
      %dma_wait3A_157 = arith.constant 0 : i32
      %dma_wait3A_158 = arith.constant 0 : i32
      %dma_wait3A_159 = tpu.memref_slice %arg2[%dma_wait3A_157, %dma_wait3A_158] : memref<1000000x128xf32, #tpu.memory_space<hbm>> -> memref<1000000x128xf32, #tpu.memory_space<hbm>>
      %dma_wait3A_160 = tpu.memref_slice %arg22[%dma_wait3A_150] : memref<2x!tpu.dma_semaphore, #tpu.memory_space<semaphore_mem>> -> memref<1x!tpu.dma_semaphore, #tpu.memory_space<semaphore_mem>>
      %dma_wait3A_161 = tpu.memref_squeeze %dma_wait3A_160 : memref<1x!tpu.dma_semaphore, #tpu.memory_space<semaphore_mem>> -> memref<!tpu.dma_semaphore, #tpu.memory_space<semaphore_mem>>
      tpu.wait_indirect_dma semaphore(%dma_wait3A_161 : memref<!tpu.dma_semaphore, #tpu.memory_space<semaphore_mem>>) src(%dma_wait3A_159 : memref<1000000x128xf32, #tpu.memory_space<hbm>>) dst(%dma_wait3A_154 : memref<16x128xf32, #tpu.memory_space<vmem>>)
      %dma_wait3A_162 = arith.constant 0 : i32
      %dma_wait3A_163 = arith.constant 0 : i32
      %dma_wait3A_164 = arith.constant 0 : i32
      %dma_wait3A_165 = arith.constant 0 : i32
      %dma_wait3A_166 = tpu.memref_slice %arg17[%dma_wait3A_162, %dma_wait3A_164, %dma_wait3A_165] : memref<2x256x128xf32, #tpu.memory_space<vmem>> -> memref<1x256x128xf32, #tpu.memory_space<vmem>>
      %dma_wait3A_167 = tpu.memref_squeeze %dma_wait3A_166 : memref<1x256x128xf32, #tpu.memory_space<vmem>> -> memref<256x128xf32, #tpu.memory_space<vmem>>
      %dma_wait3A_168 = arith.constant 0 : i32
      %dma_wait3A_169 = tpu.memref_slice %arg13[%dma_wait3A_168] : memref<8192xi32, #tpu.memory_space<vmem>> -> memref<256xi32, #tpu.memory_space<vmem>>
      %dma_wait3A_170 = arith.constant 0 : i32
      %dma_wait3A_171 = arith.constant 0 : i32
      %dma_wait3A_172 = tpu.memref_slice %arg2[%dma_wait3A_170, %dma_wait3A_171] : memref<1000000x128xf32, #tpu.memory_space<hbm>> -> memref<1000000x128xf32, #tpu.memory_space<hbm>>
      %dma_wait3A_173 = tpu.memref_slice %arg22[%dma_wait3A_163] : memref<2x!tpu.dma_semaphore, #tpu.memory_space<semaphore_mem>> -> memref<1x!tpu.dma_semaphore, #tpu.memory_space<semaphore_mem>>
      %dma_wait3A_174 = tpu.memref_squeeze %dma_wait3A_173 : memref<1x!tpu.dma_semaphore, #tpu.memory_space<semaphore_mem>> -> memref<!tpu.dma_semaphore, #tpu.memory_space<semaphore_mem>>
      tpu.wait_indirect_dma semaphore(%dma_wait3A_174 : memref<!tpu.dma_semaphore, #tpu.memory_space<semaphore_mem>>) src(%dma_wait3A_172 : memref<1000000x128xf32, #tpu.memory_space<hbm>>) dst(%dma_wait3A_167 : memref<256x128xf32, #tpu.memory_space<vmem>>)
      %scan3A_175 = arith.constant 0 : i32
      %scan3A_176 = arith.constant 0 : i32
      %scan3A_177 = arith.constant 0 : i32
      %scan3A_178 = arith.constant 0 : i32
      %scan3A_179 = arith.constant 0 : i32
      %scan3A_180 = arith.constant 0 : i32
      %scan3A_181 = arith.constant 16 : i32
      %scan3A_182 = arith.addi %scan3A_180, %scan3A_181 : i32
      %scan3A_183 = arith.constant 1 : i32
      scf.for %scan3A_421 = %scan3A_180 to %scan3A_182 step %scan3A_183  : i32 {
        %add3A_422 = arith.constant 0 : i32
        %add3A_423 = arith.addi %add3A_422, %scan3A_421 : i32
        %get3A = arith.constant 0 : i32
        %get3A_424 = arith.constant 0 : i32
        %get3A_425 = tpu.memref_slice %arg14[%scan3A_176, %get3A, %get3A_424] : memref<2x16x128xf32, #tpu.memory_space<vmem>> -> memref<1x16x128xf32, #tpu.memory_space<vmem>>
        %get3A_426 = tpu.memref_squeeze %get3A_425 : memref<1x16x128xf32, #tpu.memory_space<vmem>> -> memref<16x128xf32, #tpu.memory_space<vmem>>
        %get3A_427 = arith.index_cast %add3A_423 : i32 to index
        %get3A_428 = arith.constant 0 : index
        %get3A_429 = tpu.vector_load %get3A_426[%get3A_427, %get3A_428] {strides = array<i32>} : memref<16x128xf32, #tpu.memory_space<vmem>>, vector<16xf32>,
        %get3A_430 = arith.constant 0 : i32
        %get3A_431 = arith.constant 0 : i32
        %get3A_432 = tpu.memref_slice %arg15[%scan3A_177, %get3A_430, %get3A_431] : memref<2x16x128xf32, #tpu.memory_space<vmem>> -> memref<1x16x128xf32, #tpu.memory_space<vmem>>
        %get3A_433 = tpu.memref_squeeze %get3A_432 : memref<1x16x128xf32, #tpu.memory_space<vmem>> -> memref<16x128xf32, #tpu.memory_space<vmem>>
        %get3A_434 = arith.index_cast %add3A_423 : i32 to index
        %get3A_435 = arith.constant 0 : index
        %get3A_436 = tpu.vector_load %get3A_433[%get3A_434, %get3A_435] {strides = array<i32>} : memref<16x128xf32, #tpu.memory_space<vmem>>, vector<16xf32>,
        %add3A_437 = arith.addf %get3A_429, %get3A_436 : vector<16xf32>
        %get3A_438 = arith.constant 0 : i32
        %get3A_439 = arith.constant 0 : i32
        %get3A_440 = tpu.memref_slice %arg14[%scan3A_176, %get3A_438, %get3A_439] : memref<2x16x128xf32, #tpu.memory_space<vmem>> -> memref<1x16x128xf32, #tpu.memory_space<vmem>>
        %get3A_441 = tpu.memref_squeeze %get3A_440 : memref<1x16x128xf32, #tpu.memory_space<vmem>> -> memref<16x128xf32, #tpu.memory_space<vmem>>
        %get3A_442 = arith.index_cast %add3A_423 : i32 to index
        %get3A_443 = arith.constant 16 : index
        %get3A_444 = tpu.vector_load %get3A_441[%get3A_442, %get3A_443] {strides = array<i32>} : memref<16x128xf32, #tpu.memory_space<vmem>>, vector<16xf32>,
        %get3A_445 = arith.constant 0 : i32
        %get3A_446 = arith.constant 0 : i32
        %get3A_447 = tpu.memref_slice %arg15[%scan3A_177, %get3A_445, %get3A_446] : memref<2x16x128xf32, #tpu.memory_space<vmem>> -> memref<1x16x128xf32, #tpu.memory_space<vmem>>
        %get3A_448 = tpu.memref_squeeze %get3A_447 : memref<1x16x128xf32, #tpu.memory_space<vmem>> -> memref<16x128xf32, #tpu.memory_space<vmem>>
        %get3A_449 = arith.index_cast %add3A_423 : i32 to index
        %get3A_450 = arith.constant 16 : index
        %get3A_451 = tpu.vector_load %get3A_448[%get3A_449, %get3A_450] {strides = array<i32>} : memref<16x128xf32, #tpu.memory_space<vmem>>, vector<16xf32>,
        %add3A_452 = arith.addf %get3A_444, %get3A_451 : vector<16xf32>
        %get3A_453 = arith.constant 0 : i32
        %get3A_454 = arith.constant 0 : i32
        %get3A_455 = tpu.memref_slice %arg14[%scan3A_176, %get3A_453, %get3A_454] : memref<2x16x128xf32, #tpu.memory_space<vmem>> -> memref<1x16x128xf32, #tpu.memory_space<vmem>>
        %get3A_456 = tpu.memref_squeeze %get3A_455 : memref<1x16x128xf32, #tpu.memory_space<vmem>> -> memref<16x128xf32, #tpu.memory_space<vmem>>
        %get3A_457 = arith.index_cast %add3A_423 : i32 to index
        %get3A_458 = arith.constant 32 : index
        %get3A_459 = tpu.vector_load %get3A_456[%get3A_457, %get3A_458] {strides = array<i32>} : memref<16x128xf32, #tpu.memory_space<vmem>>, vector<16xf32>,
        %get3A_460 = arith.constant 0 : i32
        %get3A_461 = arith.constant 0 : i32
        %get3A_462 = tpu.memref_slice %arg15[%scan3A_177, %get3A_460, %get3A_461] : memref<2x16x128xf32, #tpu.memory_space<vmem>> -> memref<1x16x128xf32, #tpu.memory_space<vmem>>
        %get3A_463 = tpu.memref_squeeze %get3A_462 : memref<1x16x128xf32, #tpu.memory_space<vmem>> -> memref<16x128xf32, #tpu.memory_space<vmem>>
        %get3A_464 = arith.index_cast %add3A_423 : i32 to index
        %get3A_465 = arith.constant 32 : index
        %get3A_466 = tpu.vector_load %get3A_463[%get3A_464, %get3A_465] {strides = array<i32>} : memref<16x128xf32, #tpu.memory_space<vmem>>, vector<16xf32>,
        %add3A_467 = arith.addf %get3A_459, %get3A_466 : vector<16xf32>
        %get3A_468 = arith.constant 0 : i32
        %get3A_469 = arith.constant 0 : i32
        %get3A_470 = tpu.memref_slice %arg14[%scan3A_176, %get3A_468, %get3A_469] : memref<2x16x128xf32, #tpu.memory_space<vmem>> -> memref<1x16x128xf32, #tpu.memory_space<vmem>>
        %get3A_471 = tpu.memref_squeeze %get3A_470 : memref<1x16x128xf32, #tpu.memory_space<vmem>> -> memref<16x128xf32, #tpu.memory_space<vmem>>
        %get3A_472 = arith.index_cast %add3A_423 : i32 to index
        %get3A_473 = arith.constant 48 : index
        %get3A_474 = tpu.vector_load %get3A_471[%get3A_472, %get3A_473] {strides = array<i32>} : memref<16x128xf32, #tpu.memory_space<vmem>>, vector<16xf32>,
        %get3A_475 = arith.constant 0 : i32
        %get3A_476 = arith.constant 0 : i32
        %get3A_477 = tpu.memref_slice %arg15[%scan3A_177, %get3A_475, %get3A_476] : memref<2x16x128xf32, #tpu.memory_space<vmem>> -> memref<1x16x128xf32, #tpu.memory_space<vmem>>
        %get3A_478 = tpu.memref_squeeze %get3A_477 : memref<1x16x128xf32, #tpu.memory_space<vmem>> -> memref<16x128xf32, #tpu.memory_space<vmem>>
        %get3A_479 = arith.index_cast %add3A_423 : i32 to index
        %get3A_480 = arith.constant 48 : index
        %get3A_481 = tpu.vector_load %get3A_478[%get3A_479, %get3A_480] {strides = array<i32>} : memref<16x128xf32, #tpu.memory_space<vmem>>, vector<16xf32>,
        %add3A_482 = arith.addf %get3A_474, %get3A_481 : vector<16xf32>
        %mul3A_483 = arith.constant 17 : i32
        %mul3A_484 = arith.muli %scan3A_421, %mul3A_483 : i32
        %add3A_485 = vector.broadcast %mul3A_484 : i32 to vector<16xi32>
        %add3A_486 = arith.addi %iota3A, %add3A_485 : vector<16xi32>
        %get3A_487 = arith.constant 0 : i32
        %get3A_488 = arith.constant 0 : i32
        %get3A_489 = tpu.memref_slice %arg16[%scan3A_178, %get3A_487, %get3A_488] : memref<2x16x128xf32, #tpu.memory_space<vmem>> -> memref<1x16x128xf32, #tpu.memory_space<vmem>>
        %get3A_490 = tpu.memref_squeeze %get3A_489 : memref<1x16x128xf32, #tpu.memory_space<vmem>> -> memref<16x128xf32, #tpu.memory_space<vmem>>
        %get3A_491 = arith.index_cast %add3A_423 : i32 to index
        %get3A_492 = arith.constant 0 : index
        %get3A_493 = tpu.vector_load %get3A_490[%get3A_491, %get3A_492] {strides = array<i32>} : memref<16x128xf32, #tpu.memory_space<vmem>>, vector<16xf32>,
        %sub3A = arith.subf %add3A_437, %get3A_493 : vector<16xf32>
        %abs3A = math.absf %sub3A : vector<16xf32>
        %get3A_494 = arith.constant 0 : i32
        %get3A_495 = arith.constant 0 : i32
        %get3A_496 = tpu.memref_slice %arg16[%scan3A_178, %get3A_494, %get3A_495] : memref<2x16x128xf32, #tpu.memory_space<vmem>> -> memref<1x16x128xf32, #tpu.memory_space<vmem>>
        %get3A_497 = tpu.memref_squeeze %get3A_496 : memref<1x16x128xf32, #tpu.memory_space<vmem>> -> memref<16x128xf32, #tpu.memory_space<vmem>>
        %get3A_498 = arith.index_cast %add3A_423 : i32 to index
        %get3A_499 = arith.constant 16 : index
        %get3A_500 = tpu.vector_load %get3A_497[%get3A_498, %get3A_499] {strides = array<i32>} : memref<16x128xf32, #tpu.memory_space<vmem>>, vector<16xf32>,
        %sub3A_501 = arith.subf %add3A_452, %get3A_500 : vector<16xf32>
        %abs3A_502 = math.absf %sub3A_501 : vector<16xf32>
        %add3A_503 = arith.addf %abs3A, %abs3A_502 : vector<16xf32>
        %get3A_504 = arith.constant 0 : i32
        %get3A_505 = arith.constant 0 : i32
        %get3A_506 = tpu.memref_slice %arg16[%scan3A_178, %get3A_504, %get3A_505] : memref<2x16x128xf32, #tpu.memory_space<vmem>> -> memref<1x16x128xf32, #tpu.memory_space<vmem>>
        %get3A_507 = tpu.memref_squeeze %get3A_506 : memref<1x16x128xf32, #tpu.memory_space<vmem>> -> memref<16x128xf32, #tpu.memory_space<vmem>>
        %get3A_508 = arith.index_cast %add3A_423 : i32 to index
        %get3A_509 = arith.constant 32 : index
        %get3A_510 = tpu.vector_load %get3A_507[%get3A_508, %get3A_509] {strides = array<i32>} : memref<16x128xf32, #tpu.memory_space<vmem>>, vector<16xf32>,
        %sub3A_511 = arith.subf %add3A_467, %get3A_510 : vector<16xf32>
        %abs3A_512 = math.absf %sub3A_511 : vector<16xf32>
        %add3A_513 = arith.addf %add3A_503, %abs3A_512 : vector<16xf32>
        %get3A_514 = arith.constant 0 : i32
        %get3A_515 = arith.constant 0 : i32
        %get3A_516 = tpu.memref_slice %arg16[%scan3A_178, %get3A_514, %get3A_515] : memref<2x16x128xf32, #tpu.memory_space<vmem>> -> memref<1x16x128xf32, #tpu.memory_space<vmem>>
        %get3A_517 = tpu.memref_squeeze %get3A_516 : memref<1x16x128xf32, #tpu.memory_space<vmem>> -> memref<16x128xf32, #tpu.memory_space<vmem>>
        %get3A_518 = arith.index_cast %add3A_423 : i32 to index
        %get3A_519 = arith.constant 48 : index
        %get3A_520 = tpu.vector_load %get3A_517[%get3A_518, %get3A_519] {strides = array<i32>} : memref<16x128xf32, #tpu.memory_space<vmem>>, vector<16xf32>,
        %sub3A_521 = arith.subf %add3A_482, %get3A_520 : vector<16xf32>
        %abs3A_522 = math.absf %sub3A_521 : vector<16xf32>
        %add3A_523 = arith.addf %add3A_513, %abs3A_522 : vector<16xf32>
        tpu.vector_store_idx %arg20[%add3A_486], %add3A_523 : memref<272xf32, #tpu.memory_space<vmem>>[vector<16xi32>], vector<16xf32>,
        %add3A_524 = arith.constant 0 : i32
        %add3A_525 = vector.broadcast %add3A_524 : i32 to vector<16xi32>
        %add3A_526 = arith.addi %iota3A, %add3A_525 : vector<16xi32>
        %mul3A_527 = arith.constant 16 : i32
        %mul3A_528 = arith.muli %add3A_423, %mul3A_527 : i32
        %add3A_529 = arith.constant 0 : i32
        %add3A_530 = arith.addi %mul3A_528, %add3A_529 : i32
        %get3A_531 = arith.constant 0 : i32
        %get3A_532 = arith.constant 0 : i32
        %get3A_533 = tpu.memref_slice %arg17[%scan3A_179, %get3A_531, %get3A_532] : memref<2x256x128xf32, #tpu.memory_space<vmem>> -> memref<1x256x128xf32, #tpu.memory_space<vmem>>
        %get3A_534 = tpu.memref_squeeze %get3A_533 : memref<1x256x128xf32, #tpu.memory_space<vmem>> -> memref<256x128xf32, #tpu.memory_space<vmem>>
        %get3A_535 = arith.index_cast %add3A_530 : i32 to index
        %get3A_536 = arith.constant 0 : index
        %get3A_537 = tpu.vector_load %get3A_534[%get3A_535, %get3A_536] {strides = array<i32>} : memref<256x128xf32, #tpu.memory_space<vmem>>, vector<16xf32>,
        %sub3A_538 = arith.subf %add3A_437, %get3A_537 : vector<16xf32>
        %abs3A_539 = math.absf %sub3A_538 : vector<16xf32>
        %get3A_540 = arith.constant 0 : i32
        %get3A_541 = arith.constant 0 : i32
        %get3A_542 = tpu.memref_slice %arg17[%scan3A_179, %get3A_540, %get3A_541] : memref<2x256x128xf32, #tpu.memory_space<vmem>> -> memref<1x256x128xf32, #tpu.memory_space<vmem>>
        %get3A_543 = tpu.memref_squeeze %get3A_542 : memref<1x256x128xf32, #tpu.memory_space<vmem>> -> memref<256x128xf32, #tpu.memory_space<vmem>>
        %get3A_544 = arith.index_cast %add3A_530 : i32 to index
        %get3A_545 = arith.constant 16 : index
        %get3A_546 = tpu.vector_load %get3A_543[%get3A_544, %get3A_545] {strides = array<i32>} : memref<256x128xf32, #tpu.memory_space<vmem>>, vector<16xf32>,
        %sub3A_547 = arith.subf %add3A_452, %get3A_546 : vector<16xf32>
        %abs3A_548 = math.absf %sub3A_547 : vector<16xf32>
        %add3A_549 = arith.addf %abs3A_539, %abs3A_548 : vector<16xf32>
        %get3A_550 = arith.constant 0 : i32
        %get3A_551 = arith.constant 0 : i32
        %get3A_552 = tpu.memref_slice %arg17[%scan3A_179, %get3A_550, %get3A_551] : memref<2x256x128xf32, #tpu.memory_space<vmem>> -> memref<1x256x128xf32, #tpu.memory_space<vmem>>
        %get3A_553 = tpu.memref_squeeze %get3A_552 : memref<1x256x128xf32, #tpu.memory_space<vmem>> -> memref<256x128xf32, #tpu.memory_space<vmem>>
        %get3A_554 = arith.index_cast %add3A_530 : i32 to index
        %get3A_555 = arith.constant 32 : index
        %get3A_556 = tpu.vector_load %get3A_553[%get3A_554, %get3A_555] {strides = array<i32>} : memref<256x128xf32, #tpu.memory_space<vmem>>, vector<16xf32>,
        %sub3A_557 = arith.subf %add3A_467, %get3A_556 : vector<16xf32>
        %abs3A_558 = math.absf %sub3A_557 : vector<16xf32>
        %add3A_559 = arith.addf %add3A_549, %abs3A_558 : vector<16xf32>
        %get3A_560 = arith.constant 0 : i32
        %get3A_561 = arith.constant 0 : i32
        %get3A_562 = tpu.memref_slice %arg17[%scan3A_179, %get3A_560, %get3A_561] : memref<2x256x128xf32, #tpu.memory_space<vmem>> -> memref<1x256x128xf32, #tpu.memory_space<vmem>>
        %get3A_563 = tpu.memref_squeeze %get3A_562 : memref<1x256x128xf32, #tpu.memory_space<vmem>> -> memref<256x128xf32, #tpu.memory_space<vmem>>
        %get3A_564 = arith.index_cast %add3A_530 : i32 to index
        %get3A_565 = arith.constant 48 : index
        %get3A_566 = tpu.vector_load %get3A_563[%get3A_564, %get3A_565] {strides = array<i32>} : memref<256x128xf32, #tpu.memory_space<vmem>>, vector<16xf32>,
        %sub3A_567 = arith.subf %add3A_482, %get3A_566 : vector<16xf32>
        %abs3A_568 = math.absf %sub3A_567 : vector<16xf32>
        %add3A_569 = arith.addf %add3A_559, %abs3A_568 : vector<16xf32>
        tpu.vector_store_idx %arg21[%add3A_526], %add3A_569 : memref<272xf32, #tpu.memory_space<vmem>>[vector<16xi32>], vector<16xf32>,
        %add3A_570 = arith.constant 17 : i32
        %add3A_571 = vector.broadcast %add3A_570 : i32 to vector<16xi32>
        %add3A_572 = arith.addi %iota3A, %add3A_571 : vector<16xi32>
        %mul3A_573 = arith.constant 16 : i32
        %mul3A_574 = arith.muli %add3A_423, %mul3A_573 : i32
        %add3A_575 = arith.constant 1 : i32
        %add3A_576 = arith.addi %mul3A_574, %add3A_575 : i32
        %get3A_577 = arith.constant 0 : i32
        %get3A_578 = arith.constant 0 : i32
        %get3A_579 = tpu.memref_slice %arg17[%scan3A_179, %get3A_577, %get3A_578] : memref<2x256x128xf32, #tpu.memory_space<vmem>> -> memref<1x256x128xf32, #tpu.memory_space<vmem>>
        %get3A_580 = tpu.memref_squeeze %get3A_579 : memref<1x256x128xf32, #tpu.memory_space<vmem>> -> memref<256x128xf32, #tpu.memory_space<vmem>>
        %get3A_581 = arith.index_cast %add3A_576 : i32 to index
        %get3A_582 = arith.constant 0 : index
        %get3A_583 = tpu.vector_load %get3A_580[%get3A_581, %get3A_582] {strides = array<i32>} : memref<256x128xf32, #tpu.memory_space<vmem>>, vector<16xf32>,
        %sub3A_584 = arith.subf %add3A_437, %get3A_583 : vector<16xf32>
        %abs3A_585 = math.absf %sub3A_584 : vector<16xf32>
        %get3A_586 = arith.constant 0 : i32
        %get3A_587 = arith.constant 0 : i32
        %get3A_588 = tpu.memref_slice %arg17[%scan3A_179, %get3A_586, %get3A_587] : memref<2x256x128xf32, #tpu.memory_space<vmem>> -> memref<1x256x128xf32, #tpu.memory_space<vmem>>
        %get3A_589 = tpu.memref_squeeze %get3A_588 : memref<1x256x128xf32, #tpu.memory_space<vmem>> -> memref<256x128xf32, #tpu.memory_space<vmem>>
        %get3A_590 = arith.index_cast %add3A_576 : i32 to index
        %get3A_591 = arith.constant 16 : index
        %get3A_592 = tpu.vector_load %get3A_589[%get3A_590, %get3A_591] {strides = array<i32>} : memref<256x128xf32, #tpu.memory_space<vmem>>, vector<16xf32>,
        %sub3A_593 = arith.subf %add3A_452, %get3A_592 : vector<16xf32>
        %abs3A_594 = math.absf %sub3A_593 : vector<16xf32>
        %add3A_595 = arith.addf %abs3A_585, %abs3A_594 : vector<16xf32>
        %get3A_596 = arith.constant 0 : i32
        %get3A_597 = arith.constant 0 : i32
        %get3A_598 = tpu.memref_slice %arg17[%scan3A_179, %get3A_596, %get3A_597] : memref<2x256x128xf32, #tpu.memory_space<vmem>> -> memref<1x256x128xf32, #tpu.memory_space<vmem>>
        %get3A_599 = tpu.memref_squeeze %get3A_598 : memref<1x256x128xf32, #tpu.memory_space<vmem>> -> memref<256x128xf32, #tpu.memory_space<vmem>>
        %get3A_600 = arith.index_cast %add3A_576 : i32 to index
        %get3A_601 = arith.constant 32 : index
        %get3A_602 = tpu.vector_load %get3A_599[%get3A_600, %get3A_601] {strides = array<i32>} : memref<256x128xf32, #tpu.memory_space<vmem>>, vector<16xf32>,
        %sub3A_603 = arith.subf %add3A_467, %get3A_602 : vector<16xf32>
        %abs3A_604 = math.absf %sub3A_603 : vector<16xf32>
        %add3A_605 = arith.addf %add3A_595, %abs3A_604 : vector<16xf32>
        %get3A_606 = arith.constant 0 : i32
        %get3A_607 = arith.constant 0 : i32
        %get3A_608 = tpu.memref_slice %arg17[%scan3A_179, %get3A_606, %get3A_607] : memref<2x256x128xf32, #tpu.memory_space<vmem>> -> memref<1x256x128xf32, #tpu.memory_space<vmem>>
        %get3A_609 = tpu.memref_squeeze %get3A_608 : memref<1x256x128xf32, #tpu.memory_space<vmem>> -> memref<256x128xf32, #tpu.memory_space<vmem>>
        %get3A_610 = arith.index_cast %add3A_576 : i32 to index
        %get3A_611 = arith.constant 48 : index
        %get3A_612 = tpu.vector_load %get3A_609[%get3A_610, %get3A_611] {strides = array<i32>} : memref<256x128xf32, #tpu.memory_space<vmem>>, vector<16xf32>,
        %sub3A_613 = arith.subf %add3A_482, %get3A_612 : vector<16xf32>
        %abs3A_614 = math.absf %sub3A_613 : vector<16xf32>
        %add3A_615 = arith.addf %add3A_605, %abs3A_614 : vector<16xf32>
        tpu.vector_store_idx %arg21[%add3A_572], %add3A_615 : memref<272xf32, #tpu.memory_space<vmem>>[vector<16xi32>], vector<16xf32>,
        %add3A_616 = arith.constant 34 : i32
        %add3A_617 = vector.broadcast %add3A_616 : i32 to vector<16xi32>
        %add3A_618 = arith.addi %iota3A, %add3A_617 : vector<16xi32>
        %mul3A_619 = arith.constant 16 : i32
        %mul3A_620 = arith.muli %add3A_423, %mul3A_619 : i32
        %add3A_621 = arith.constant 2 : i32
        %add3A_622 = arith.addi %mul3A_620, %add3A_621 : i32
        %get3A_623 = arith.constant 0 : i32
        %get3A_624 = arith.constant 0 : i32
        %get3A_625 = tpu.memref_slice %arg17[%scan3A_179, %get3A_623, %get3A_624] : memref<2x256x128xf32, #tpu.memory_space<vmem>> -> memref<1x256x128xf32, #tpu.memory_space<vmem>>
        %get3A_626 = tpu.memref_squeeze %get3A_625 : memref<1x256x128xf32, #tpu.memory_space<vmem>> -> memref<256x128xf32, #tpu.memory_space<vmem>>
        %get3A_627 = arith.index_cast %add3A_622 : i32 to index
        %get3A_628 = arith.constant 0 : index
        %get3A_629 = tpu.vector_load %get3A_626[%get3A_627, %get3A_628] {strides = array<i32>} : memref<256x128xf32, #tpu.memory_space<vmem>>, vector<16xf32>,
        %sub3A_630 = arith.subf %add3A_437, %get3A_629 : vector<16xf32>
        %abs3A_631 = math.absf %sub3A_630 : vector<16xf32>
        %get3A_632 = arith.constant 0 : i32
        %get3A_633 = arith.constant 0 : i32
        %get3A_634 = tpu.memref_slice %arg17[%scan3A_179, %get3A_632, %get3A_633] : memref<2x256x128xf32, #tpu.memory_space<vmem>> -> memref<1x256x128xf32, #tpu.memory_space<vmem>>
        %get3A_635 = tpu.memref_squeeze %get3A_634 : memref<1x256x128xf32, #tpu.memory_space<vmem>> -> memref<256x128xf32, #tpu.memory_space<vmem>>
        %get3A_636 = arith.index_cast %add3A_622 : i32 to index
        %get3A_637 = arith.constant 16 : index
        %get3A_638 = tpu.vector_load %get3A_635[%get3A_636, %get3A_637] {strides = array<i32>} : memref<256x128xf32, #tpu.memory_space<vmem>>, vector<16xf32>,
        %sub3A_639 = arith.subf %add3A_452, %get3A_638 : vector<16xf32>
        %abs3A_640 = math.absf %sub3A_639 : vector<16xf32>
        %add3A_641 = arith.addf %abs3A_631, %abs3A_640 : vector<16xf32>
        %get3A_642 = arith.constant 0 : i32
        %get3A_643 = arith.constant 0 : i32
        %get3A_644 = tpu.memref_slice %arg17[%scan3A_179, %get3A_642, %get3A_643] : memref<2x256x128xf32, #tpu.memory_space<vmem>> -> memref<1x256x128xf32, #tpu.memory_space<vmem>>
        %get3A_645 = tpu.memref_squeeze %get3A_644 : memref<1x256x128xf32, #tpu.memory_space<vmem>> -> memref<256x128xf32, #tpu.memory_space<vmem>>
        %get3A_646 = arith.index_cast %add3A_622 : i32 to index
        %get3A_647 = arith.constant 32 : index
        %get3A_648 = tpu.vector_load %get3A_645[%get3A_646, %get3A_647] {strides = array<i32>} : memref<256x128xf32, #tpu.memory_space<vmem>>, vector<16xf32>,
        %sub3A_649 = arith.subf %add3A_467, %get3A_648 : vector<16xf32>
        %abs3A_650 = math.absf %sub3A_649 : vector<16xf32>
        %add3A_651 = arith.addf %add3A_641, %abs3A_650 : vector<16xf32>
        %get3A_652 = arith.constant 0 : i32
        %get3A_653 = arith.constant 0 : i32
        %get3A_654 = tpu.memref_slice %arg17[%scan3A_179, %get3A_652, %get3A_653] : memref<2x256x128xf32, #tpu.memory_space<vmem>> -> memref<1x256x128xf32, #tpu.memory_space<vmem>>
        %get3A_655 = tpu.memref_squeeze %get3A_654 : memref<1x256x128xf32, #tpu.memory_space<vmem>> -> memref<256x128xf32, #tpu.memory_space<vmem>>
        %get3A_656 = arith.index_cast %add3A_622 : i32 to index
        %get3A_657 = arith.constant 48 : index
        %get3A_658 = tpu.vector_load %get3A_655[%get3A_656, %get3A_657] {strides = array<i32>} : memref<256x128xf32, #tpu.memory_space<vmem>>, vector<16xf32>,
        %sub3A_659 = arith.subf %add3A_482, %get3A_658 : vector<16xf32>
        %abs3A_660 = math.absf %sub3A_659 : vector<16xf32>
        %add3A_661 = arith.addf %add3A_651, %abs3A_660 : vector<16xf32>
        tpu.vector_store_idx %arg21[%add3A_618], %add3A_661 : memref<272xf32, #tpu.memory_space<vmem>>[vector<16xi32>], vector<16xf32>,
        %add3A_662 = arith.constant 51 : i32
        %add3A_663 = vector.broadcast %add3A_662 : i32 to vector<16xi32>
        %add3A_664 = arith.addi %iota3A, %add3A_663 : vector<16xi32>
        %mul3A_665 = arith.constant 16 : i32
        %mul3A_666 = arith.muli %add3A_423, %mul3A_665 : i32
        %add3A_667 = arith.constant 3 : i32
        %add3A_668 = arith.addi %mul3A_666, %add3A_667 : i32
        %get3A_669 = arith.constant 0 : i32
        %get3A_670 = arith.constant 0 : i32
        %get3A_671 = tpu.memref_slice %arg17[%scan3A_179, %get3A_669, %get3A_670] : memref<2x256x128xf32, #tpu.memory_space<vmem>> -> memref<1x256x128xf32, #tpu.memory_space<vmem>>
        %get3A_672 = tpu.memref_squeeze %get3A_671 : memref<1x256x128xf32, #tpu.memory_space<vmem>> -> memref<256x128xf32, #tpu.memory_space<vmem>>
        %get3A_673 = arith.index_cast %add3A_668 : i32 to index
        %get3A_674 = arith.constant 0 : index
        %get3A_675 = tpu.vector_load %get3A_672[%get3A_673, %get3A_674] {strides = array<i32>} : memref<256x128xf32, #tpu.memory_space<vmem>>, vector<16xf32>,
        %sub3A_676 = arith.subf %add3A_437, %get3A_675 : vector<16xf32>
        %abs3A_677 = math.absf %sub3A_676 : vector<16xf32>
        %get3A_678 = arith.constant 0 : i32
        %get3A_679 = arith.constant 0 : i32
        %get3A_680 = tpu.memref_slice %arg17[%scan3A_179, %get3A_678, %get3A_679] : memref<2x256x128xf32, #tpu.memory_space<vmem>> -> memref<1x256x128xf32, #tpu.memory_space<vmem>>
        %get3A_681 = tpu.memref_squeeze %get3A_680 : memref<1x256x128xf32, #tpu.memory_space<vmem>> -> memref<256x128xf32, #tpu.memory_space<vmem>>
        %get3A_682 = arith.index_cast %add3A_668 : i32 to index
        %get3A_683 = arith.constant 16 : index
        %get3A_684 = tpu.vector_load %get3A_681[%get3A_682, %get3A_683] {strides = array<i32>} : memref<256x128xf32, #tpu.memory_space<vmem>>, vector<16xf32>,
        %sub3A_685 = arith.subf %add3A_452, %get3A_684 : vector<16xf32>
        %abs3A_686 = math.absf %sub3A_685 : vector<16xf32>
        %add3A_687 = arith.addf %abs3A_677, %abs3A_686 : vector<16xf32>
        %get3A_688 = arith.constant 0 : i32
        %get3A_689 = arith.constant 0 : i32
        %get3A_690 = tpu.memref_slice %arg17[%scan3A_179, %get3A_688, %get3A_689] : memref<2x256x128xf32, #tpu.memory_space<vmem>> -> memref<1x256x128xf32, #tpu.memory_space<vmem>>
        %get3A_691 = tpu.memref_squeeze %get3A_690 : memref<1x256x128xf32, #tpu.memory_space<vmem>> -> memref<256x128xf32, #tpu.memory_space<vmem>>
        %get3A_692 = arith.index_cast %add3A_668 : i32 to index
        %get3A_693 = arith.constant 32 : index
        %get3A_694 = tpu.vector_load %get3A_691[%get3A_692, %get3A_693] {strides = array<i32>} : memref<256x128xf32, #tpu.memory_space<vmem>>, vector<16xf32>,
        %sub3A_695 = arith.subf %add3A_467, %get3A_694 : vector<16xf32>
        %abs3A_696 = math.absf %sub3A_695 : vector<16xf32>
        %add3A_697 = arith.addf %add3A_687, %abs3A_696 : vector<16xf32>
        %get3A_698 = arith.constant 0 : i32
        %get3A_699 = arith.constant 0 : i32
        %get3A_700 = tpu.memref_slice %arg17[%scan3A_179, %get3A_698, %get3A_699] : memref<2x256x128xf32, #tpu.memory_space<vmem>> -> memref<1x256x128xf32, #tpu.memory_space<vmem>>
        %get3A_701 = tpu.memref_squeeze %get3A_700 : memref<1x256x128xf32, #tpu.memory_space<vmem>> -> memref<256x128xf32, #tpu.memory_space<vmem>>
        %get3A_702 = arith.index_cast %add3A_668 : i32 to index
        %get3A_703 = arith.constant 48 : index
        %get3A_704 = tpu.vector_load %get3A_701[%get3A_702, %get3A_703] {strides = array<i32>} : memref<256x128xf32, #tpu.memory_space<vmem>>, vector<16xf32>,
        %sub3A_705 = arith.subf %add3A_482, %get3A_704 : vector<16xf32>
        %abs3A_706 = math.absf %sub3A_705 : vector<16xf32>
        %add3A_707 = arith.addf %add3A_697, %abs3A_706 : vector<16xf32>
        tpu.vector_store_idx %arg21[%add3A_664], %add3A_707 : memref<272xf32, #tpu.memory_space<vmem>>[vector<16xi32>], vector<16xf32>,
        %add3A_708 = arith.constant 68 : i32
        %add3A_709 = vector.broadcast %add3A_708 : i32 to vector<16xi32>
        %add3A_710 = arith.addi %iota3A, %add3A_709 : vector<16xi32>
        %mul3A_711 = arith.constant 16 : i32
        %mul3A_712 = arith.muli %add3A_423, %mul3A_711 : i32
        %add3A_713 = arith.constant 4 : i32
        %add3A_714 = arith.addi %mul3A_712, %add3A_713 : i32
        %get3A_715 = arith.constant 0 : i32
        %get3A_716 = arith.constant 0 : i32
        %get3A_717 = tpu.memref_slice %arg17[%scan3A_179, %get3A_715, %get3A_716] : memref<2x256x128xf32, #tpu.memory_space<vmem>> -> memref<1x256x128xf32, #tpu.memory_space<vmem>>
        %get3A_718 = tpu.memref_squeeze %get3A_717 : memref<1x256x128xf32, #tpu.memory_space<vmem>> -> memref<256x128xf32, #tpu.memory_space<vmem>>
        %get3A_719 = arith.index_cast %add3A_714 : i32 to index
        %get3A_720 = arith.constant 0 : index
        %get3A_721 = tpu.vector_load %get3A_718[%get3A_719, %get3A_720] {strides = array<i32>} : memref<256x128xf32, #tpu.memory_space<vmem>>, vector<16xf32>,
        %sub3A_722 = arith.subf %add3A_437, %get3A_721 : vector<16xf32>
        %abs3A_723 = math.absf %sub3A_722 : vector<16xf32>
        %get3A_724 = arith.constant 0 : i32
        %get3A_725 = arith.constant 0 : i32
        %get3A_726 = tpu.memref_slice %arg17[%scan3A_179, %get3A_724, %get3A_725] : memref<2x256x128xf32, #tpu.memory_space<vmem>> -> memref<1x256x128xf32, #tpu.memory_space<vmem>>
        %get3A_727 = tpu.memref_squeeze %get3A_726 : memref<1x256x128xf32, #tpu.memory_space<vmem>> -> memref<256x128xf32, #tpu.memory_space<vmem>>
        %get3A_728 = arith.index_cast %add3A_714 : i32 to index
        %get3A_729 = arith.constant 16 : index
        %get3A_730 = tpu.vector_load %get3A_727[%get3A_728, %get3A_729] {strides = array<i32>} : memref<256x128xf32, #tpu.memory_space<vmem>>, vector<16xf32>,
        %sub3A_731 = arith.subf %add3A_452, %get3A_730 : vector<16xf32>
        %abs3A_732 = math.absf %sub3A_731 : vector<16xf32>
        %add3A_733 = arith.addf %abs3A_723, %abs3A_732 : vector<16xf32>
        %get3A_734 = arith.constant 0 : i32
        %get3A_735 = arith.constant 0 : i32
        %get3A_736 = tpu.memref_slice %arg17[%scan3A_179, %get3A_734, %get3A_735] : memref<2x256x128xf32, #tpu.memory_space<vmem>> -> memref<1x256x128xf32, #tpu.memory_space<vmem>>
        %get3A_737 = tpu.memref_squeeze %get3A_736 : memref<1x256x128xf32, #tpu.memory_space<vmem>> -> memref<256x128xf32, #tpu.memory_space<vmem>>
        %get3A_738 = arith.index_cast %add3A_714 : i32 to index
        %get3A_739 = arith.constant 32 : index
        %get3A_740 = tpu.vector_load %get3A_737[%get3A_738, %get3A_739] {strides = array<i32>} : memref<256x128xf32, #tpu.memory_space<vmem>>, vector<16xf32>,
        %sub3A_741 = arith.subf %add3A_467, %get3A_740 : vector<16xf32>
        %abs3A_742 = math.absf %sub3A_741 : vector<16xf32>
        %add3A_743 = arith.addf %add3A_733, %abs3A_742 : vector<16xf32>
        %get3A_744 = arith.constant 0 : i32
        %get3A_745 = arith.constant 0 : i32
        %get3A_746 = tpu.memref_slice %arg17[%scan3A_179, %get3A_744, %get3A_745] : memref<2x256x128xf32, #tpu.memory_space<vmem>> -> memref<1x256x128xf32, #tpu.memory_space<vmem>>
        %get3A_747 = tpu.memref_squeeze %get3A_746 : memref<1x256x128xf32, #tpu.memory_space<vmem>> -> memref<256x128xf32, #tpu.memory_space<vmem>>
        %get3A_748 = arith.index_cast %add3A_714 : i32 to index
        %get3A_749 = arith.constant 48 : index
        %get3A_750 = tpu.vector_load %get3A_747[%get3A_748, %get3A_749] {strides = array<i32>} : memref<256x128xf32, #tpu.memory_space<vmem>>, vector<16xf32>,
        %sub3A_751 = arith.subf %add3A_482, %get3A_750 : vector<16xf32>
        %abs3A_752 = math.absf %sub3A_751 : vector<16xf32>
        %add3A_753 = arith.addf %add3A_743, %abs3A_752 : vector<16xf32>
        tpu.vector_store_idx %arg21[%add3A_710], %add3A_753 : memref<272xf32, #tpu.memory_space<vmem>>[vector<16xi32>], vector<16xf32>,
        %add3A_754 = arith.constant 85 : i32
        %add3A_755 = vector.broadcast %add3A_754 : i32 to vector<16xi32>
        %add3A_756 = arith.addi %iota3A, %add3A_755 : vector<16xi32>
        %mul3A_757 = arith.constant 16 : i32
        %mul3A_758 = arith.muli %add3A_423, %mul3A_757 : i32
        %add3A_759 = arith.constant 5 : i32
        %add3A_760 = arith.addi %mul3A_758, %add3A_759 : i32
        %get3A_761 = arith.constant 0 : i32
        %get3A_762 = arith.constant 0 : i32
        %get3A_763 = tpu.memref_slice %arg17[%scan3A_179, %get3A_761, %get3A_762] : memref<2x256x128xf32, #tpu.memory_space<vmem>> -> memref<1x256x128xf32, #tpu.memory_space<vmem>>
        %get3A_764 = tpu.memref_squeeze %get3A_763 : memref<1x256x128xf32, #tpu.memory_space<vmem>> -> memref<256x128xf32, #tpu.memory_space<vmem>>
        %get3A_765 = arith.index_cast %add3A_760 : i32 to index
        %get3A_766 = arith.constant 0 : index
        %get3A_767 = tpu.vector_load %get3A_764[%get3A_765, %get3A_766] {strides = array<i32>} : memref<256x128xf32, #tpu.memory_space<vmem>>, vector<16xf32>,
        %sub3A_768 = arith.subf %add3A_437, %get3A_767 : vector<16xf32>
        %abs3A_769 = math.absf %sub3A_768 : vector<16xf32>
        %get3A_770 = arith.constant 0 : i32
        %get3A_771 = arith.constant 0 : i32
        %get3A_772 = tpu.memref_slice %arg17[%scan3A_179, %get3A_770, %get3A_771] : memref<2x256x128xf32, #tpu.memory_space<vmem>> -> memref<1x256x128xf32, #tpu.memory_space<vmem>>
        %get3A_773 = tpu.memref_squeeze %get3A_772 : memref<1x256x128xf32, #tpu.memory_space<vmem>> -> memref<256x128xf32, #tpu.memory_space<vmem>>
        %get3A_774 = arith.index_cast %add3A_760 : i32 to index
        %get3A_775 = arith.constant 16 : index
        %get3A_776 = tpu.vector_load %get3A_773[%get3A_774, %get3A_775] {strides = array<i32>} : memref<256x128xf32, #tpu.memory_space<vmem>>, vector<16xf32>,
        %sub3A_777 = arith.subf %add3A_452, %get3A_776 : vector<16xf32>
        %abs3A_778 = math.absf %sub3A_777 : vector<16xf32>
        %add3A_779 = arith.addf %abs3A_769, %abs3A_778 : vector<16xf32>
        %get3A_780 = arith.constant 0 : i32
        %get3A_781 = arith.constant 0 : i32
        %get3A_782 = tpu.memref_slice %arg17[%scan3A_179, %get3A_780, %get3A_781] : memref<2x256x128xf32, #tpu.memory_space<vmem>> -> memref<1x256x128xf32, #tpu.memory_space<vmem>>
        %get3A_783 = tpu.memref_squeeze %get3A_782 : memref<1x256x128xf32, #tpu.memory_space<vmem>> -> memref<256x128xf32, #tpu.memory_space<vmem>>
        %get3A_784 = arith.index_cast %add3A_760 : i32 to index
        %get3A_785 = arith.constant 32 : index
        %get3A_786 = tpu.vector_load %get3A_783[%get3A_784, %get3A_785] {strides = array<i32>} : memref<256x128xf32, #tpu.memory_space<vmem>>, vector<16xf32>,
        %sub3A_787 = arith.subf %add3A_467, %get3A_786 : vector<16xf32>
        %abs3A_788 = math.absf %sub3A_787 : vector<16xf32>
        %add3A_789 = arith.addf %add3A_779, %abs3A_788 : vector<16xf32>
        %get3A_790 = arith.constant 0 : i32
        %get3A_791 = arith.constant 0 : i32
        %get3A_792 = tpu.memref_slice %arg17[%scan3A_179, %get3A_790, %get3A_791] : memref<2x256x128xf32, #tpu.memory_space<vmem>> -> memref<1x256x128xf32, #tpu.memory_space<vmem>>
        %get3A_793 = tpu.memref_squeeze %get3A_792 : memref<1x256x128xf32, #tpu.memory_space<vmem>> -> memref<256x128xf32, #tpu.memory_space<vmem>>
        %get3A_794 = arith.index_cast %add3A_760 : i32 to index
        %get3A_795 = arith.constant 48 : index
        %get3A_796 = tpu.vector_load %get3A_793[%get3A_794, %get3A_795] {strides = array<i32>} : memref<256x128xf32, #tpu.memory_space<vmem>>, vector<16xf32>,
        %sub3A_797 = arith.subf %add3A_482, %get3A_796 : vector<16xf32>
        %abs3A_798 = math.absf %sub3A_797 : vector<16xf32>
        %add3A_799 = arith.addf %add3A_789, %abs3A_798 : vector<16xf32>
        tpu.vector_store_idx %arg21[%add3A_756], %add3A_799 : memref<272xf32, #tpu.memory_space<vmem>>[vector<16xi32>], vector<16xf32>,
        %add3A_800 = arith.constant 102 : i32
        %add3A_801 = vector.broadcast %add3A_800 : i32 to vector<16xi32>
        %add3A_802 = arith.addi %iota3A, %add3A_801 : vector<16xi32>
        %mul3A_803 = arith.constant 16 : i32
        %mul3A_804 = arith.muli %add3A_423, %mul3A_803 : i32
        %add3A_805 = arith.constant 6 : i32
        %add3A_806 = arith.addi %mul3A_804, %add3A_805 : i32
        %get3A_807 = arith.constant 0 : i32
        %get3A_808 = arith.constant 0 : i32
        %get3A_809 = tpu.memref_slice %arg17[%scan3A_179, %get3A_807, %get3A_808] : memref<2x256x128xf32, #tpu.memory_space<vmem>> -> memref<1x256x128xf32, #tpu.memory_space<vmem>>
        %get3A_810 = tpu.memref_squeeze %get3A_809 : memref<1x256x128xf32, #tpu.memory_space<vmem>> -> memref<256x128xf32, #tpu.memory_space<vmem>>
        %get3A_811 = arith.index_cast %add3A_806 : i32 to index
        %get3A_812 = arith.constant 0 : index
        %get3A_813 = tpu.vector_load %get3A_810[%get3A_811, %get3A_812] {strides = array<i32>} : memref<256x128xf32, #tpu.memory_space<vmem>>, vector<16xf32>,
        %sub3A_814 = arith.subf %add3A_437, %get3A_813 : vector<16xf32>
        %abs3A_815 = math.absf %sub3A_814 : vector<16xf32>
        %get3A_816 = arith.constant 0 : i32
        %get3A_817 = arith.constant 0 : i32
        %get3A_818 = tpu.memref_slice %arg17[%scan3A_179, %get3A_816, %get3A_817] : memref<2x256x128xf32, #tpu.memory_space<vmem>> -> memref<1x256x128xf32, #tpu.memory_space<vmem>>
        %get3A_819 = tpu.memref_squeeze %get3A_818 : memref<1x256x128xf32, #tpu.memory_space<vmem>> -> memref<256x128xf32, #tpu.memory_space<vmem>>
        %get3A_820 = arith.index_cast %add3A_806 : i32 to index
        %get3A_821 = arith.constant 16 : index
        %get3A_822 = tpu.vector_load %get3A_819[%get3A_820, %get3A_821] {strides = array<i32>} : memref<256x128xf32, #tpu.memory_space<vmem>>, vector<16xf32>,
        %sub3A_823 = arith.subf %add3A_452, %get3A_822 : vector<16xf32>
        %abs3A_824 = math.absf %sub3A_823 : vector<16xf32>
        %add3A_825 = arith.addf %abs3A_815, %abs3A_824 : vector<16xf32>
        %get3A_826 = arith.constant 0 : i32
        %get3A_827 = arith.constant 0 : i32
        %get3A_828 = tpu.memref_slice %arg17[%scan3A_179, %get3A_826, %get3A_827] : memref<2x256x128xf32, #tpu.memory_space<vmem>> -> memref<1x256x128xf32, #tpu.memory_space<vmem>>
        %get3A_829 = tpu.memref_squeeze %get3A_828 : memref<1x256x128xf32, #tpu.memory_space<vmem>> -> memref<256x128xf32, #tpu.memory_space<vmem>>
        %get3A_830 = arith.index_cast %add3A_806 : i32 to index
        %get3A_831 = arith.constant 32 : index
        %get3A_832 = tpu.vector_load %get3A_829[%get3A_830, %get3A_831] {strides = array<i32>} : memref<256x128xf32, #tpu.memory_space<vmem>>, vector<16xf32>,
        %sub3A_833 = arith.subf %add3A_467, %get3A_832 : vector<16xf32>
        %abs3A_834 = math.absf %sub3A_833 : vector<16xf32>
        %add3A_835 = arith.addf %add3A_825, %abs3A_834 : vector<16xf32>
        %get3A_836 = arith.constant 0 : i32
        %get3A_837 = arith.constant 0 : i32
        %get3A_838 = tpu.memref_slice %arg17[%scan3A_179, %get3A_836, %get3A_837] : memref<2x256x128xf32, #tpu.memory_space<vmem>> -> memref<1x256x128xf32, #tpu.memory_space<vmem>>
        %get3A_839 = tpu.memref_squeeze %get3A_838 : memref<1x256x128xf32, #tpu.memory_space<vmem>> -> memref<256x128xf32, #tpu.memory_space<vmem>>
        %get3A_840 = arith.index_cast %add3A_806 : i32 to index
        %get3A_841 = arith.constant 48 : index
        %get3A_842 = tpu.vector_load %get3A_839[%get3A_840, %get3A_841] {strides = array<i32>} : memref<256x128xf32, #tpu.memory_space<vmem>>, vector<16xf32>,
        %sub3A_843 = arith.subf %add3A_482, %get3A_842 : vector<16xf32>
        %abs3A_844 = math.absf %sub3A_843 : vector<16xf32>
        %add3A_845 = arith.addf %add3A_835, %abs3A_844 : vector<16xf32>
        tpu.vector_store_idx %arg21[%add3A_802], %add3A_845 : memref<272xf32, #tpu.memory_space<vmem>>[vector<16xi32>], vector<16xf32>,
        %add3A_846 = arith.constant 119 : i32
        %add3A_847 = vector.broadcast %add3A_846 : i32 to vector<16xi32>
        %add3A_848 = arith.addi %iota3A, %add3A_847 : vector<16xi32>
        %mul3A_849 = arith.constant 16 : i32
        %mul3A_850 = arith.muli %add3A_423, %mul3A_849 : i32
        %add3A_851 = arith.constant 7 : i32
        %add3A_852 = arith.addi %mul3A_850, %add3A_851 : i32
        %get3A_853 = arith.constant 0 : i32
        %get3A_854 = arith.constant 0 : i32
        %get3A_855 = tpu.memref_slice %arg17[%scan3A_179, %get3A_853, %get3A_854] : memref<2x256x128xf32, #tpu.memory_space<vmem>> -> memref<1x256x128xf32, #tpu.memory_space<vmem>>
        %get3A_856 = tpu.memref_squeeze %get3A_855 : memref<1x256x128xf32, #tpu.memory_space<vmem>> -> memref<256x128xf32, #tpu.memory_space<vmem>>
        %get3A_857 = arith.index_cast %add3A_852 : i32 to index
        %get3A_858 = arith.constant 0 : index
        %get3A_859 = tpu.vector_load %get3A_856[%get3A_857, %get3A_858] {strides = array<i32>} : memref<256x128xf32, #tpu.memory_space<vmem>>, vector<16xf32>,
        %sub3A_860 = arith.subf %add3A_437, %get3A_859 : vector<16xf32>
        %abs3A_861 = math.absf %sub3A_860 : vector<16xf32>
        %get3A_862 = arith.constant 0 : i32
        %get3A_863 = arith.constant 0 : i32
        %get3A_864 = tpu.memref_slice %arg17[%scan3A_179, %get3A_862, %get3A_863] : memref<2x256x128xf32, #tpu.memory_space<vmem>> -> memref<1x256x128xf32, #tpu.memory_space<vmem>>
        %get3A_865 = tpu.memref_squeeze %get3A_864 : memref<1x256x128xf32, #tpu.memory_space<vmem>> -> memref<256x128xf32, #tpu.memory_space<vmem>>
        %get3A_866 = arith.index_cast %add3A_852 : i32 to index
        %get3A_867 = arith.constant 16 : index
        %get3A_868 = tpu.vector_load %get3A_865[%get3A_866, %get3A_867] {strides = array<i32>} : memref<256x128xf32, #tpu.memory_space<vmem>>, vector<16xf32>,
        %sub3A_869 = arith.subf %add3A_452, %get3A_868 : vector<16xf32>
        %abs3A_870 = math.absf %sub3A_869 : vector<16xf32>
        %add3A_871 = arith.addf %abs3A_861, %abs3A_870 : vector<16xf32>
        %get3A_872 = arith.constant 0 : i32
        %get3A_873 = arith.constant 0 : i32
        %get3A_874 = tpu.memref_slice %arg17[%scan3A_179, %get3A_872, %get3A_873] : memref<2x256x128xf32, #tpu.memory_space<vmem>> -> memref<1x256x128xf32, #tpu.memory_space<vmem>>
        %get3A_875 = tpu.memref_squeeze %get3A_874 : memref<1x256x128xf32, #tpu.memory_space<vmem>> -> memref<256x128xf32, #tpu.memory_space<vmem>>
        %get3A_876 = arith.index_cast %add3A_852 : i32 to index
        %get3A_877 = arith.constant 32 : index
        %get3A_878 = tpu.vector_load %get3A_875[%get3A_876, %get3A_877] {strides = array<i32>} : memref<256x128xf32, #tpu.memory_space<vmem>>, vector<16xf32>,
        %sub3A_879 = arith.subf %add3A_467, %get3A_878 : vector<16xf32>
        %abs3A_880 = math.absf %sub3A_879 : vector<16xf32>
        %add3A_881 = arith.addf %add3A_871, %abs3A_880 : vector<16xf32>
        %get3A_882 = arith.constant 0 : i32
        %get3A_883 = arith.constant 0 : i32
        %get3A_884 = tpu.memref_slice %arg17[%scan3A_179, %get3A_882, %get3A_883] : memref<2x256x128xf32, #tpu.memory_space<vmem>> -> memref<1x256x128xf32, #tpu.memory_space<vmem>>
        %get3A_885 = tpu.memref_squeeze %get3A_884 : memref<1x256x128xf32, #tpu.memory_space<vmem>> -> memref<256x128xf32, #tpu.memory_space<vmem>>
        %get3A_886 = arith.index_cast %add3A_852 : i32 to index
        %get3A_887 = arith.constant 48 : index
        %get3A_888 = tpu.vector_load %get3A_885[%get3A_886, %get3A_887] {strides = array<i32>} : memref<256x128xf32, #tpu.memory_space<vmem>>, vector<16xf32>,
        %sub3A_889 = arith.subf %add3A_482, %get3A_888 : vector<16xf32>
        %abs3A_890 = math.absf %sub3A_889 : vector<16xf32>
        %add3A_891 = arith.addf %add3A_881, %abs3A_890 : vector<16xf32>
        tpu.vector_store_idx %arg21[%add3A_848], %add3A_891 : memref<272xf32, #tpu.memory_space<vmem>>[vector<16xi32>], vector<16xf32>,
        %add3A_892 = arith.constant 136 : i32
        %add3A_893 = vector.broadcast %add3A_892 : i32 to vector<16xi32>
        %add3A_894 = arith.addi %iota3A, %add3A_893 : vector<16xi32>
        %mul3A_895 = arith.constant 16 : i32
        %mul3A_896 = arith.muli %add3A_423, %mul3A_895 : i32
        %add3A_897 = arith.constant 8 : i32
        %add3A_898 = arith.addi %mul3A_896, %add3A_897 : i32
        %get3A_899 = arith.constant 0 : i32
        %get3A_900 = arith.constant 0 : i32
        %get3A_901 = tpu.memref_slice %arg17[%scan3A_179, %get3A_899, %get3A_900] : memref<2x256x128xf32, #tpu.memory_space<vmem>> -> memref<1x256x128xf32, #tpu.memory_space<vmem>>
        %get3A_902 = tpu.memref_squeeze %get3A_901 : memref<1x256x128xf32, #tpu.memory_space<vmem>> -> memref<256x128xf32, #tpu.memory_space<vmem>>
        %get3A_903 = arith.index_cast %add3A_898 : i32 to index
        %get3A_904 = arith.constant 0 : index
        %get3A_905 = tpu.vector_load %get3A_902[%get3A_903, %get3A_904] {strides = array<i32>} : memref<256x128xf32, #tpu.memory_space<vmem>>, vector<16xf32>,
        %sub3A_906 = arith.subf %add3A_437, %get3A_905 : vector<16xf32>
        %abs3A_907 = math.absf %sub3A_906 : vector<16xf32>
        %get3A_908 = arith.constant 0 : i32
        %get3A_909 = arith.constant 0 : i32
        %get3A_910 = tpu.memref_slice %arg17[%scan3A_179, %get3A_908, %get3A_909] : memref<2x256x128xf32, #tpu.memory_space<vmem>> -> memref<1x256x128xf32, #tpu.memory_space<vmem>>
        %get3A_911 = tpu.memref_squeeze %get3A_910 : memref<1x256x128xf32, #tpu.memory_space<vmem>> -> memref<256x128xf32, #tpu.memory_space<vmem>>
        %get3A_912 = arith.index_cast %add3A_898 : i32 to index
        %get3A_913 = arith.constant 16 : index
        %get3A_914 = tpu.vector_load %get3A_911[%get3A_912, %get3A_913] {strides = array<i32>} : memref<256x128xf32, #tpu.memory_space<vmem>>, vector<16xf32>,
        %sub3A_915 = arith.subf %add3A_452, %get3A_914 : vector<16xf32>
        %abs3A_916 = math.absf %sub3A_915 : vector<16xf32>
        %add3A_917 = arith.addf %abs3A_907, %abs3A_916 : vector<16xf32>
        %get3A_918 = arith.constant 0 : i32
        %get3A_919 = arith.constant 0 : i32
        %get3A_920 = tpu.memref_slice %arg17[%scan3A_179, %get3A_918, %get3A_919] : memref<2x256x128xf32, #tpu.memory_space<vmem>> -> memref<1x256x128xf32, #tpu.memory_space<vmem>>
        %get3A_921 = tpu.memref_squeeze %get3A_920 : memref<1x256x128xf32, #tpu.memory_space<vmem>> -> memref<256x128xf32, #tpu.memory_space<vmem>>
        %get3A_922 = arith.index_cast %add3A_898 : i32 to index
        %get3A_923 = arith.constant 32 : index
        %get3A_924 = tpu.vector_load %get3A_921[%get3A_922, %get3A_923] {strides = array<i32>} : memref<256x128xf32, #tpu.memory_space<vmem>>, vector<16xf32>,
        %sub3A_925 = arith.subf %add3A_467, %get3A_924 : vector<16xf32>
        %abs3A_926 = math.absf %sub3A_925 : vector<16xf32>
        %add3A_927 = arith.addf %add3A_917, %abs3A_926 : vector<16xf32>
        %get3A_928 = arith.constant 0 : i32
        %get3A_929 = arith.constant 0 : i32
        %get3A_930 = tpu.memref_slice %arg17[%scan3A_179, %get3A_928, %get3A_929] : memref<2x256x128xf32, #tpu.memory_space<vmem>> -> memref<1x256x128xf32, #tpu.memory_space<vmem>>
        %get3A_931 = tpu.memref_squeeze %get3A_930 : memref<1x256x128xf32, #tpu.memory_space<vmem>> -> memref<256x128xf32, #tpu.memory_space<vmem>>
        %get3A_932 = arith.index_cast %add3A_898 : i32 to index
        %get3A_933 = arith.constant 48 : index
        %get3A_934 = tpu.vector_load %get3A_931[%get3A_932, %get3A_933] {strides = array<i32>} : memref<256x128xf32, #tpu.memory_space<vmem>>, vector<16xf32>,
        %sub3A_935 = arith.subf %add3A_482, %get3A_934 : vector<16xf32>
        %abs3A_936 = math.absf %sub3A_935 : vector<16xf32>
        %add3A_937 = arith.addf %add3A_927, %abs3A_936 : vector<16xf32>
        tpu.vector_store_idx %arg21[%add3A_894], %add3A_937 : memref<272xf32, #tpu.memory_space<vmem>>[vector<16xi32>], vector<16xf32>,
        %add3A_938 = arith.constant 153 : i32
        %add3A_939 = vector.broadcast %add3A_938 : i32 to vector<16xi32>
        %add3A_940 = arith.addi %iota3A, %add3A_939 : vector<16xi32>
        %mul3A_941 = arith.constant 16 : i32
        %mul3A_942 = arith.muli %add3A_423, %mul3A_941 : i32
        %add3A_943 = arith.constant 9 : i32
        %add3A_944 = arith.addi %mul3A_942, %add3A_943 : i32
        %get3A_945 = arith.constant 0 : i32
        %get3A_946 = arith.constant 0 : i32
        %get3A_947 = tpu.memref_slice %arg17[%scan3A_179, %get3A_945, %get3A_946] : memref<2x256x128xf32, #tpu.memory_space<vmem>> -> memref<1x256x128xf32, #tpu.memory_space<vmem>>
        %get3A_948 = tpu.memref_squeeze %get3A_947 : memref<1x256x128xf32, #tpu.memory_space<vmem>> -> memref<256x128xf32, #tpu.memory_space<vmem>>
        %get3A_949 = arith.index_cast %add3A_944 : i32 to index
        %get3A_950 = arith.constant 0 : index
        %get3A_951 = tpu.vector_load %get3A_948[%get3A_949, %get3A_950] {strides = array<i32>} : memref<256x128xf32, #tpu.memory_space<vmem>>, vector<16xf32>,
        %sub3A_952 = arith.subf %add3A_437, %get3A_951 : vector<16xf32>
        %abs3A_953 = math.absf %sub3A_952 : vector<16xf32>
        %get3A_954 = arith.constant 0 : i32
        %get3A_955 = arith.constant 0 : i32
        %get3A_956 = tpu.memref_slice %arg17[%scan3A_179, %get3A_954, %get3A_955] : memref<2x256x128xf32, #tpu.memory_space<vmem>> -> memref<1x256x128xf32, #tpu.memory_space<vmem>>
        %get3A_957 = tpu.memref_squeeze %get3A_956 : memref<1x256x128xf32, #tpu.memory_space<vmem>> -> memref<256x128xf32, #tpu.memory_space<vmem>>
        %get3A_958 = arith.index_cast %add3A_944 : i32 to index
        %get3A_959 = arith.constant 16 : index
        %get3A_960 = tpu.vector_load %get3A_957[%get3A_958, %get3A_959] {strides = array<i32>} : memref<256x128xf32, #tpu.memory_space<vmem>>, vector<16xf32>,
        %sub3A_961 = arith.subf %add3A_452, %get3A_960 : vector<16xf32>
        %abs3A_962 = math.absf %sub3A_961 : vector<16xf32>
        %add3A_963 = arith.addf %abs3A_953, %abs3A_962 : vector<16xf32>
        %get3A_964 = arith.constant 0 : i32
        %get3A_965 = arith.constant 0 : i32
        %get3A_966 = tpu.memref_slice %arg17[%scan3A_179, %get3A_964, %get3A_965] : memref<2x256x128xf32, #tpu.memory_space<vmem>> -> memref<1x256x128xf32, #tpu.memory_space<vmem>>
        %get3A_967 = tpu.memref_squeeze %get3A_966 : memref<1x256x128xf32, #tpu.memory_space<vmem>> -> memref<256x128xf32, #tpu.memory_space<vmem>>
        %get3A_968 = arith.index_cast %add3A_944 : i32 to index
        %get3A_969 = arith.constant 32 : index
        %get3A_970 = tpu.vector_load %get3A_967[%get3A_968, %get3A_969] {strides = array<i32>} : memref<256x128xf32, #tpu.memory_space<vmem>>, vector<16xf32>,
        %sub3A_971 = arith.subf %add3A_467, %get3A_970 : vector<16xf32>
        %abs3A_972 = math.absf %sub3A_971 : vector<16xf32>
        %add3A_973 = arith.addf %add3A_963, %abs3A_972 : vector<16xf32>
        %get3A_974 = arith.constant 0 : i32
        %get3A_975 = arith.constant 0 : i32
        %get3A_976 = tpu.memref_slice %arg17[%scan3A_179, %get3A_974, %get3A_975] : memref<2x256x128xf32, #tpu.memory_space<vmem>> -> memref<1x256x128xf32, #tpu.memory_space<vmem>>
        %get3A_977 = tpu.memref_squeeze %get3A_976 : memref<1x256x128xf32, #tpu.memory_space<vmem>> -> memref<256x128xf32, #tpu.memory_space<vmem>>
        %get3A_978 = arith.index_cast %add3A_944 : i32 to index
        %get3A_979 = arith.constant 48 : index
        %get3A_980 = tpu.vector_load %get3A_977[%get3A_978, %get3A_979] {strides = array<i32>} : memref<256x128xf32, #tpu.memory_space<vmem>>, vector<16xf32>,
        %sub3A_981 = arith.subf %add3A_482, %get3A_980 : vector<16xf32>
        %abs3A_982 = math.absf %sub3A_981 : vector<16xf32>
        %add3A_983 = arith.addf %add3A_973, %abs3A_982 : vector<16xf32>
        tpu.vector_store_idx %arg21[%add3A_940], %add3A_983 : memref<272xf32, #tpu.memory_space<vmem>>[vector<16xi32>], vector<16xf32>,
        %add3A_984 = arith.constant 170 : i32
        %add3A_985 = vector.broadcast %add3A_984 : i32 to vector<16xi32>
        %add3A_986 = arith.addi %iota3A, %add3A_985 : vector<16xi32>
        %mul3A_987 = arith.constant 16 : i32
        %mul3A_988 = arith.muli %add3A_423, %mul3A_987 : i32
        %add3A_989 = arith.constant 10 : i32
        %add3A_990 = arith.addi %mul3A_988, %add3A_989 : i32
        %get3A_991 = arith.constant 0 : i32
        %get3A_992 = arith.constant 0 : i32
        %get3A_993 = tpu.memref_slice %arg17[%scan3A_179, %get3A_991, %get3A_992] : memref<2x256x128xf32, #tpu.memory_space<vmem>> -> memref<1x256x128xf32, #tpu.memory_space<vmem>>
        %get3A_994 = tpu.memref_squeeze %get3A_993 : memref<1x256x128xf32, #tpu.memory_space<vmem>> -> memref<256x128xf32, #tpu.memory_space<vmem>>
        %get3A_995 = arith.index_cast %add3A_990 : i32 to index
        %get3A_996 = arith.constant 0 : index
        %get3A_997 = tpu.vector_load %get3A_994[%get3A_995, %get3A_996] {strides = array<i32>} : memref<256x128xf32, #tpu.memory_space<vmem>>, vector<16xf32>,
        %sub3A_998 = arith.subf %add3A_437, %get3A_997 : vector<16xf32>
        %abs3A_999 = math.absf %sub3A_998 : vector<16xf32>
        %get3A_1000 = arith.constant 0 : i32
        %get3A_1001 = arith.constant 0 : i32
        %get3A_1002 = tpu.memref_slice %arg17[%scan3A_179, %get3A_1000, %get3A_1001] : memref<2x256x128xf32, #tpu.memory_space<vmem>> -> memref<1x256x128xf32, #tpu.memory_space<vmem>>
        %get3A_1003 = tpu.memref_squeeze %get3A_1002 : memref<1x256x128xf32, #tpu.memory_space<vmem>> -> memref<256x128xf32, #tpu.memory_space<vmem>>
        %get3A_1004 = arith.index_cast %add3A_990 : i32 to index
        %get3A_1005 = arith.constant 16 : index
        %get3A_1006 = tpu.vector_load %get3A_1003[%get3A_1004, %get3A_1005] {strides = array<i32>} : memref<256x128xf32, #tpu.memory_space<vmem>>, vector<16xf32>,
        %sub3A_1007 = arith.subf %add3A_452, %get3A_1006 : vector<16xf32>
        %abs3A_1008 = math.absf %sub3A_1007 : vector<16xf32>
        %add3A_1009 = arith.addf %abs3A_999, %abs3A_1008 : vector<16xf32>
        %get3A_1010 = arith.constant 0 : i32
        %get3A_1011 = arith.constant 0 : i32
        %get3A_1012 = tpu.memref_slice %arg17[%scan3A_179, %get3A_1010, %get3A_1011] : memref<2x256x128xf32, #tpu.memory_space<vmem>> -> memref<1x256x128xf32, #tpu.memory_space<vmem>>
        %get3A_1013 = tpu.memref_squeeze %get3A_1012 : memref<1x256x128xf32, #tpu.memory_space<vmem>> -> memref<256x128xf32, #tpu.memory_space<vmem>>
        %get3A_1014 = arith.index_cast %add3A_990 : i32 to index
        %get3A_1015 = arith.constant 32 : index
        %get3A_1016 = tpu.vector_load %get3A_1013[%get3A_1014, %get3A_1015] {strides = array<i32>} : memref<256x128xf32, #tpu.memory_space<vmem>>, vector<16xf32>,
        %sub3A_1017 = arith.subf %add3A_467, %get3A_1016 : vector<16xf32>
        %abs3A_1018 = math.absf %sub3A_1017 : vector<16xf32>
        %add3A_1019 = arith.addf %add3A_1009, %abs3A_1018 : vector<16xf32>
        %get3A_1020 = arith.constant 0 : i32
        %get3A_1021 = arith.constant 0 : i32
        %get3A_1022 = tpu.memref_slice %arg17[%scan3A_179, %get3A_1020, %get3A_1021] : memref<2x256x128xf32, #tpu.memory_space<vmem>> -> memref<1x256x128xf32, #tpu.memory_space<vmem>>
        %get3A_1023 = tpu.memref_squeeze %get3A_1022 : memref<1x256x128xf32, #tpu.memory_space<vmem>> -> memref<256x128xf32, #tpu.memory_space<vmem>>
        %get3A_1024 = arith.index_cast %add3A_990 : i32 to index
        %get3A_1025 = arith.constant 48 : index
        %get3A_1026 = tpu.vector_load %get3A_1023[%get3A_1024, %get3A_1025] {strides = array<i32>} : memref<256x128xf32, #tpu.memory_space<vmem>>, vector<16xf32>,
        %sub3A_1027 = arith.subf %add3A_482, %get3A_1026 : vector<16xf32>
        %abs3A_1028 = math.absf %sub3A_1027 : vector<16xf32>
        %add3A_1029 = arith.addf %add3A_1019, %abs3A_1028 : vector<16xf32>
        tpu.vector_store_idx %arg21[%add3A_986], %add3A_1029 : memref<272xf32, #tpu.memory_space<vmem>>[vector<16xi32>], vector<16xf32>,
        %add3A_1030 = arith.constant 187 : i32
        %add3A_1031 = vector.broadcast %add3A_1030 : i32 to vector<16xi32>
        %add3A_1032 = arith.addi %iota3A, %add3A_1031 : vector<16xi32>
        %mul3A_1033 = arith.constant 16 : i32
        %mul3A_1034 = arith.muli %add3A_423, %mul3A_1033 : i32
        %add3A_1035 = arith.constant 11 : i32
        %add3A_1036 = arith.addi %mul3A_1034, %add3A_1035 : i32
        %get3A_1037 = arith.constant 0 : i32
        %get3A_1038 = arith.constant 0 : i32
        %get3A_1039 = tpu.memref_slice %arg17[%scan3A_179, %get3A_1037, %get3A_1038] : memref<2x256x128xf32, #tpu.memory_space<vmem>> -> memref<1x256x128xf32, #tpu.memory_space<vmem>>
        %get3A_1040 = tpu.memref_squeeze %get3A_1039 : memref<1x256x128xf32, #tpu.memory_space<vmem>> -> memref<256x128xf32, #tpu.memory_space<vmem>>
        %get3A_1041 = arith.index_cast %add3A_1036 : i32 to index
        %get3A_1042 = arith.constant 0 : index
        %get3A_1043 = tpu.vector_load %get3A_1040[%get3A_1041, %get3A_1042] {strides = array<i32>} : memref<256x128xf32, #tpu.memory_space<vmem>>, vector<16xf32>,
        %sub3A_1044 = arith.subf %add3A_437, %get3A_1043 : vector<16xf32>
        %abs3A_1045 = math.absf %sub3A_1044 : vector<16xf32>
        %get3A_1046 = arith.constant 0 : i32
        %get3A_1047 = arith.constant 0 : i32
        %get3A_1048 = tpu.memref_slice %arg17[%scan3A_179, %get3A_1046, %get3A_1047] : memref<2x256x128xf32, #tpu.memory_space<vmem>> -> memref<1x256x128xf32, #tpu.memory_space<vmem>>
        %get3A_1049 = tpu.memref_squeeze %get3A_1048 : memref<1x256x128xf32, #tpu.memory_space<vmem>> -> memref<256x128xf32, #tpu.memory_space<vmem>>
        %get3A_1050 = arith.index_cast %add3A_1036 : i32 to index
        %get3A_1051 = arith.constant 16 : index
        %get3A_1052 = tpu.vector_load %get3A_1049[%get3A_1050, %get3A_1051] {strides = array<i32>} : memref<256x128xf32, #tpu.memory_space<vmem>>, vector<16xf32>,
        %sub3A_1053 = arith.subf %add3A_452, %get3A_1052 : vector<16xf32>
        %abs3A_1054 = math.absf %sub3A_1053 : vector<16xf32>
        %add3A_1055 = arith.addf %abs3A_1045, %abs3A_1054 : vector<16xf32>
        %get3A_1056 = arith.constant 0 : i32
        %get3A_1057 = arith.constant 0 : i32
        %get3A_1058 = tpu.memref_slice %arg17[%scan3A_179, %get3A_1056, %get3A_1057] : memref<2x256x128xf32, #tpu.memory_space<vmem>> -> memref<1x256x128xf32, #tpu.memory_space<vmem>>
        %get3A_1059 = tpu.memref_squeeze %get3A_1058 : memref<1x256x128xf32, #tpu.memory_space<vmem>> -> memref<256x128xf32, #tpu.memory_space<vmem>>
        %get3A_1060 = arith.index_cast %add3A_1036 : i32 to index
        %get3A_1061 = arith.constant 32 : index
        %get3A_1062 = tpu.vector_load %get3A_1059[%get3A_1060, %get3A_1061] {strides = array<i32>} : memref<256x128xf32, #tpu.memory_space<vmem>>, vector<16xf32>,
        %sub3A_1063 = arith.subf %add3A_467, %get3A_1062 : vector<16xf32>
        %abs3A_1064 = math.absf %sub3A_1063 : vector<16xf32>
        %add3A_1065 = arith.addf %add3A_1055, %abs3A_1064 : vector<16xf32>
        %get3A_1066 = arith.constant 0 : i32
        %get3A_1067 = arith.constant 0 : i32
        %get3A_1068 = tpu.memref_slice %arg17[%scan3A_179, %get3A_1066, %get3A_1067] : memref<2x256x128xf32, #tpu.memory_space<vmem>> -> memref<1x256x128xf32, #tpu.memory_space<vmem>>
        %get3A_1069 = tpu.memref_squeeze %get3A_1068 : memref<1x256x128xf32, #tpu.memory_space<vmem>> -> memref<256x128xf32, #tpu.memory_space<vmem>>
        %get3A_1070 = arith.index_cast %add3A_1036 : i32 to index
        %get3A_1071 = arith.constant 48 : index
        %get3A_1072 = tpu.vector_load %get3A_1069[%get3A_1070, %get3A_1071] {strides = array<i32>} : memref<256x128xf32, #tpu.memory_space<vmem>>, vector<16xf32>,
        %sub3A_1073 = arith.subf %add3A_482, %get3A_1072 : vector<16xf32>
        %abs3A_1074 = math.absf %sub3A_1073 : vector<16xf32>
        %add3A_1075 = arith.addf %add3A_1065, %abs3A_1074 : vector<16xf32>
        tpu.vector_store_idx %arg21[%add3A_1032], %add3A_1075 : memref<272xf32, #tpu.memory_space<vmem>>[vector<16xi32>], vector<16xf32>,
        %add3A_1076 = arith.constant 204 : i32
        %add3A_1077 = vector.broadcast %add3A_1076 : i32 to vector<16xi32>
        %add3A_1078 = arith.addi %iota3A, %add3A_1077 : vector<16xi32>
        %mul3A_1079 = arith.constant 16 : i32
        %mul3A_1080 = arith.muli %add3A_423, %mul3A_1079 : i32
        %add3A_1081 = arith.constant 12 : i32
        %add3A_1082 = arith.addi %mul3A_1080, %add3A_1081 : i32
        %get3A_1083 = arith.constant 0 : i32
        %get3A_1084 = arith.constant 0 : i32
        %get3A_1085 = tpu.memref_slice %arg17[%scan3A_179, %get3A_1083, %get3A_1084] : memref<2x256x128xf32, #tpu.memory_space<vmem>> -> memref<1x256x128xf32, #tpu.memory_space<vmem>>
        %get3A_1086 = tpu.memref_squeeze %get3A_1085 : memref<1x256x128xf32, #tpu.memory_space<vmem>> -> memref<256x128xf32, #tpu.memory_space<vmem>>
        %get3A_1087 = arith.index_cast %add3A_1082 : i32 to index
        %get3A_1088 = arith.constant 0 : index
        %get3A_1089 = tpu.vector_load %get3A_1086[%get3A_1087, %get3A_1088] {strides = array<i32>} : memref<256x128xf32, #tpu.memory_space<vmem>>, vector<16xf32>,
        %sub3A_1090 = arith.subf %add3A_437, %get3A_1089 : vector<16xf32>
        %abs3A_1091 = math.absf %sub3A_1090 : vector<16xf32>
        %get3A_1092 = arith.constant 0 : i32
        %get3A_1093 = arith.constant 0 : i32
        %get3A_1094 = tpu.memref_slice %arg17[%scan3A_179, %get3A_1092, %get3A_1093] : memref<2x256x128xf32, #tpu.memory_space<vmem>> -> memref<1x256x128xf32, #tpu.memory_space<vmem>>
        %get3A_1095 = tpu.memref_squeeze %get3A_1094 : memref<1x256x128xf32, #tpu.memory_space<vmem>> -> memref<256x128xf32, #tpu.memory_space<vmem>>
        %get3A_1096 = arith.index_cast %add3A_1082 : i32 to index
        %get3A_1097 = arith.constant 16 : index
        %get3A_1098 = tpu.vector_load %get3A_1095[%get3A_1096, %get3A_1097] {strides = array<i32>} : memref<256x128xf32, #tpu.memory_space<vmem>>, vector<16xf32>,
        %sub3A_1099 = arith.subf %add3A_452, %get3A_1098 : vector<16xf32>
        %abs3A_1100 = math.absf %sub3A_1099 : vector<16xf32>
        %add3A_1101 = arith.addf %abs3A_1091, %abs3A_1100 : vector<16xf32>
        %get3A_1102 = arith.constant 0 : i32
        %get3A_1103 = arith.constant 0 : i32
        %get3A_1104 = tpu.memref_slice %arg17[%scan3A_179, %get3A_1102, %get3A_1103] : memref<2x256x128xf32, #tpu.memory_space<vmem>> -> memref<1x256x128xf32, #tpu.memory_space<vmem>>
        %get3A_1105 = tpu.memref_squeeze %get3A_1104 : memref<1x256x128xf32, #tpu.memory_space<vmem>> -> memref<256x128xf32, #tpu.memory_space<vmem>>
        %get3A_1106 = arith.index_cast %add3A_1082 : i32 to index
        %get3A_1107 = arith.constant 32 : index
        %get3A_1108 = tpu.vector_load %get3A_1105[%get3A_1106, %get3A_1107] {strides = array<i32>} : memref<256x128xf32, #tpu.memory_space<vmem>>, vector<16xf32>,
        %sub3A_1109 = arith.subf %add3A_467, %get3A_1108 : vector<16xf32>
        %abs3A_1110 = math.absf %sub3A_1109 : vector<16xf32>
        %add3A_1111 = arith.addf %add3A_1101, %abs3A_1110 : vector<16xf32>
        %get3A_1112 = arith.constant 0 : i32
        %get3A_1113 = arith.constant 0 : i32
        %get3A_1114 = tpu.memref_slice %arg17[%scan3A_179, %get3A_1112, %get3A_1113] : memref<2x256x128xf32, #tpu.memory_space<vmem>> -> memref<1x256x128xf32, #tpu.memory_space<vmem>>
        %get3A_1115 = tpu.memref_squeeze %get3A_1114 : memref<1x256x128xf32, #tpu.memory_space<vmem>> -> memref<256x128xf32, #tpu.memory_space<vmem>>
        %get3A_1116 = arith.index_cast %add3A_1082 : i32 to index
        %get3A_1117 = arith.constant 48 : index
        %get3A_1118 = tpu.vector_load %get3A_1115[%get3A_1116, %get3A_1117] {strides = array<i32>} : memref<256x128xf32, #tpu.memory_space<vmem>>, vector<16xf32>,
        %sub3A_1119 = arith.subf %add3A_482, %get3A_1118 : vector<16xf32>
        %abs3A_1120 = math.absf %sub3A_1119 : vector<16xf32>
        %add3A_1121 = arith.addf %add3A_1111, %abs3A_1120 : vector<16xf32>
        tpu.vector_store_idx %arg21[%add3A_1078], %add3A_1121 : memref<272xf32, #tpu.memory_space<vmem>>[vector<16xi32>], vector<16xf32>,
        %add3A_1122 = arith.constant 221 : i32
        %add3A_1123 = vector.broadcast %add3A_1122 : i32 to vector<16xi32>
        %add3A_1124 = arith.addi %iota3A, %add3A_1123 : vector<16xi32>
        %mul3A_1125 = arith.constant 16 : i32
        %mul3A_1126 = arith.muli %add3A_423, %mul3A_1125 : i32
        %add3A_1127 = arith.constant 13 : i32
        %add3A_1128 = arith.addi %mul3A_1126, %add3A_1127 : i32
        %get3A_1129 = arith.constant 0 : i32
        %get3A_1130 = arith.constant 0 : i32
        %get3A_1131 = tpu.memref_slice %arg17[%scan3A_179, %get3A_1129, %get3A_1130] : memref<2x256x128xf32, #tpu.memory_space<vmem>> -> memref<1x256x128xf32, #tpu.memory_space<vmem>>
        %get3A_1132 = tpu.memref_squeeze %get3A_1131 : memref<1x256x128xf32, #tpu.memory_space<vmem>> -> memref<256x128xf32, #tpu.memory_space<vmem>>
        %get3A_1133 = arith.index_cast %add3A_1128 : i32 to index
        %get3A_1134 = arith.constant 0 : index
        %get3A_1135 = tpu.vector_load %get3A_1132[%get3A_1133, %get3A_1134] {strides = array<i32>} : memref<256x128xf32, #tpu.memory_space<vmem>>, vector<16xf32>,
        %sub3A_1136 = arith.subf %add3A_437, %get3A_1135 : vector<16xf32>
        %abs3A_1137 = math.absf %sub3A_1136 : vector<16xf32>
        %get3A_1138 = arith.constant 0 : i32
        %get3A_1139 = arith.constant 0 : i32
        %get3A_1140 = tpu.memref_slice %arg17[%scan3A_179, %get3A_1138, %get3A_1139] : memref<2x256x128xf32, #tpu.memory_space<vmem>> -> memref<1x256x128xf32, #tpu.memory_space<vmem>>
        %get3A_1141 = tpu.memref_squeeze %get3A_1140 : memref<1x256x128xf32, #tpu.memory_space<vmem>> -> memref<256x128xf32, #tpu.memory_space<vmem>>
        %get3A_1142 = arith.index_cast %add3A_1128 : i32 to index
        %get3A_1143 = arith.constant 16 : index
        %get3A_1144 = tpu.vector_load %get3A_1141[%get3A_1142, %get3A_1143] {strides = array<i32>} : memref<256x128xf32, #tpu.memory_space<vmem>>, vector<16xf32>,
        %sub3A_1145 = arith.subf %add3A_452, %get3A_1144 : vector<16xf32>
        %abs3A_1146 = math.absf %sub3A_1145 : vector<16xf32>
        %add3A_1147 = arith.addf %abs3A_1137, %abs3A_1146 : vector<16xf32>
        %get3A_1148 = arith.constant 0 : i32
        %get3A_1149 = arith.constant 0 : i32
        %get3A_1150 = tpu.memref_slice %arg17[%scan3A_179, %get3A_1148, %get3A_1149] : memref<2x256x128xf32, #tpu.memory_space<vmem>> -> memref<1x256x128xf32, #tpu.memory_space<vmem>>
        %get3A_1151 = tpu.memref_squeeze %get3A_1150 : memref<1x256x128xf32, #tpu.memory_space<vmem>> -> memref<256x128xf32, #tpu.memory_space<vmem>>
        %get3A_1152 = arith.index_cast %add3A_1128 : i32 to index
        %get3A_1153 = arith.constant 32 : index
        %get3A_1154 = tpu.vector_load %get3A_1151[%get3A_1152, %get3A_1153] {strides = array<i32>} : memref<256x128xf32, #tpu.memory_space<vmem>>, vector<16xf32>,
        %sub3A_1155 = arith.subf %add3A_467, %get3A_1154 : vector<16xf32>
        %abs3A_1156 = math.absf %sub3A_1155 : vector<16xf32>
        %add3A_1157 = arith.addf %add3A_1147, %abs3A_1156 : vector<16xf32>
        %get3A_1158 = arith.constant 0 : i32
        %get3A_1159 = arith.constant 0 : i32
        %get3A_1160 = tpu.memref_slice %arg17[%scan3A_179, %get3A_1158, %get3A_1159] : memref<2x256x128xf32, #tpu.memory_space<vmem>> -> memref<1x256x128xf32, #tpu.memory_space<vmem>>
        %get3A_1161 = tpu.memref_squeeze %get3A_1160 : memref<1x256x128xf32, #tpu.memory_space<vmem>> -> memref<256x128xf32, #tpu.memory_space<vmem>>
        %get3A_1162 = arith.index_cast %add3A_1128 : i32 to index
        %get3A_1163 = arith.constant 48 : index
        %get3A_1164 = tpu.vector_load %get3A_1161[%get3A_1162, %get3A_1163] {strides = array<i32>} : memref<256x128xf32, #tpu.memory_space<vmem>>, vector<16xf32>,
        %sub3A_1165 = arith.subf %add3A_482, %get3A_1164 : vector<16xf32>
        %abs3A_1166 = math.absf %sub3A_1165 : vector<16xf32>
        %add3A_1167 = arith.addf %add3A_1157, %abs3A_1166 : vector<16xf32>
        tpu.vector_store_idx %arg21[%add3A_1124], %add3A_1167 : memref<272xf32, #tpu.memory_space<vmem>>[vector<16xi32>], vector<16xf32>,
        %add3A_1168 = arith.constant 238 : i32
        %add3A_1169 = vector.broadcast %add3A_1168 : i32 to vector<16xi32>
        %add3A_1170 = arith.addi %iota3A, %add3A_1169 : vector<16xi32>
        %mul3A_1171 = arith.constant 16 : i32
        %mul3A_1172 = arith.muli %add3A_423, %mul3A_1171 : i32
        %add3A_1173 = arith.constant 14 : i32
        %add3A_1174 = arith.addi %mul3A_1172, %add3A_1173 : i32
        %get3A_1175 = arith.constant 0 : i32
        %get3A_1176 = arith.constant 0 : i32
        %get3A_1177 = tpu.memref_slice %arg17[%scan3A_179, %get3A_1175, %get3A_1176] : memref<2x256x128xf32, #tpu.memory_space<vmem>> -> memref<1x256x128xf32, #tpu.memory_space<vmem>>
        %get3A_1178 = tpu.memref_squeeze %get3A_1177 : memref<1x256x128xf32, #tpu.memory_space<vmem>> -> memref<256x128xf32, #tpu.memory_space<vmem>>
        %get3A_1179 = arith.index_cast %add3A_1174 : i32 to index
        %get3A_1180 = arith.constant 0 : index
        %get3A_1181 = tpu.vector_load %get3A_1178[%get3A_1179, %get3A_1180] {strides = array<i32>} : memref<256x128xf32, #tpu.memory_space<vmem>>, vector<16xf32>,
        %sub3A_1182 = arith.subf %add3A_437, %get3A_1181 : vector<16xf32>
        %abs3A_1183 = math.absf %sub3A_1182 : vector<16xf32>
        %get3A_1184 = arith.constant 0 : i32
        %get3A_1185 = arith.constant 0 : i32
        %get3A_1186 = tpu.memref_slice %arg17[%scan3A_179, %get3A_1184, %get3A_1185] : memref<2x256x128xf32, #tpu.memory_space<vmem>> -> memref<1x256x128xf32, #tpu.memory_space<vmem>>
        %get3A_1187 = tpu.memref_squeeze %get3A_1186 : memref<1x256x128xf32, #tpu.memory_space<vmem>> -> memref<256x128xf32, #tpu.memory_space<vmem>>
        %get3A_1188 = arith.index_cast %add3A_1174 : i32 to index
        %get3A_1189 = arith.constant 16 : index
        %get3A_1190 = tpu.vector_load %get3A_1187[%get3A_1188, %get3A_1189] {strides = array<i32>} : memref<256x128xf32, #tpu.memory_space<vmem>>, vector<16xf32>,
        %sub3A_1191 = arith.subf %add3A_452, %get3A_1190 : vector<16xf32>
        %abs3A_1192 = math.absf %sub3A_1191 : vector<16xf32>
        %add3A_1193 = arith.addf %abs3A_1183, %abs3A_1192 : vector<16xf32>
        %get3A_1194 = arith.constant 0 : i32
        %get3A_1195 = arith.constant 0 : i32
        %get3A_1196 = tpu.memref_slice %arg17[%scan3A_179, %get3A_1194, %get3A_1195] : memref<2x256x128xf32, #tpu.memory_space<vmem>> -> memref<1x256x128xf32, #tpu.memory_space<vmem>>
        %get3A_1197 = tpu.memref_squeeze %get3A_1196 : memref<1x256x128xf32, #tpu.memory_space<vmem>> -> memref<256x128xf32, #tpu.memory_space<vmem>>
        %get3A_1198 = arith.index_cast %add3A_1174 : i32 to index
        %get3A_1199 = arith.constant 32 : index
        %get3A_1200 = tpu.vector_load %get3A_1197[%get3A_1198, %get3A_1199] {strides = array<i32>} : memref<256x128xf32, #tpu.memory_space<vmem>>, vector<16xf32>,
        %sub3A_1201 = arith.subf %add3A_467, %get3A_1200 : vector<16xf32>
        %abs3A_1202 = math.absf %sub3A_1201 : vector<16xf32>
        %add3A_1203 = arith.addf %add3A_1193, %abs3A_1202 : vector<16xf32>
        %get3A_1204 = arith.constant 0 : i32
        %get3A_1205 = arith.constant 0 : i32
        %get3A_1206 = tpu.memref_slice %arg17[%scan3A_179, %get3A_1204, %get3A_1205] : memref<2x256x128xf32, #tpu.memory_space<vmem>> -> memref<1x256x128xf32, #tpu.memory_space<vmem>>
        %get3A_1207 = tpu.memref_squeeze %get3A_1206 : memref<1x256x128xf32, #tpu.memory_space<vmem>> -> memref<256x128xf32, #tpu.memory_space<vmem>>
        %get3A_1208 = arith.index_cast %add3A_1174 : i32 to index
        %get3A_1209 = arith.constant 48 : index
        %get3A_1210 = tpu.vector_load %get3A_1207[%get3A_1208, %get3A_1209] {strides = array<i32>} : memref<256x128xf32, #tpu.memory_space<vmem>>, vector<16xf32>,
        %sub3A_1211 = arith.subf %add3A_482, %get3A_1210 : vector<16xf32>
        %abs3A_1212 = math.absf %sub3A_1211 : vector<16xf32>
        %add3A_1213 = arith.addf %add3A_1203, %abs3A_1212 : vector<16xf32>
        tpu.vector_store_idx %arg21[%add3A_1170], %add3A_1213 : memref<272xf32, #tpu.memory_space<vmem>>[vector<16xi32>], vector<16xf32>,
        %add3A_1214 = arith.constant 255 : i32
        %add3A_1215 = vector.broadcast %add3A_1214 : i32 to vector<16xi32>
        %add3A_1216 = arith.addi %iota3A, %add3A_1215 : vector<16xi32>
        %mul3A_1217 = arith.constant 16 : i32
        %mul3A_1218 = arith.muli %add3A_423, %mul3A_1217 : i32
        %add3A_1219 = arith.constant 15 : i32
        %add3A_1220 = arith.addi %mul3A_1218, %add3A_1219 : i32
        %get3A_1221 = arith.constant 0 : i32
        %get3A_1222 = arith.constant 0 : i32
        %get3A_1223 = tpu.memref_slice %arg17[%scan3A_179, %get3A_1221, %get3A_1222] : memref<2x256x128xf32, #tpu.memory_space<vmem>> -> memref<1x256x128xf32, #tpu.memory_space<vmem>>
        %get3A_1224 = tpu.memref_squeeze %get3A_1223 : memref<1x256x128xf32, #tpu.memory_space<vmem>> -> memref<256x128xf32, #tpu.memory_space<vmem>>
        %get3A_1225 = arith.index_cast %add3A_1220 : i32 to index
        %get3A_1226 = arith.constant 0 : index
        %get3A_1227 = tpu.vector_load %get3A_1224[%get3A_1225, %get3A_1226] {strides = array<i32>} : memref<256x128xf32, #tpu.memory_space<vmem>>, vector<16xf32>,
        %sub3A_1228 = arith.subf %add3A_437, %get3A_1227 : vector<16xf32>
        %abs3A_1229 = math.absf %sub3A_1228 : vector<16xf32>
        %get3A_1230 = arith.constant 0 : i32
        %get3A_1231 = arith.constant 0 : i32
        %get3A_1232 = tpu.memref_slice %arg17[%scan3A_179, %get3A_1230, %get3A_1231] : memref<2x256x128xf32, #tpu.memory_space<vmem>> -> memref<1x256x128xf32, #tpu.memory_space<vmem>>
        %get3A_1233 = tpu.memref_squeeze %get3A_1232 : memref<1x256x128xf32, #tpu.memory_space<vmem>> -> memref<256x128xf32, #tpu.memory_space<vmem>>
        %get3A_1234 = arith.index_cast %add3A_1220 : i32 to index
        %get3A_1235 = arith.constant 16 : index
        %get3A_1236 = tpu.vector_load %get3A_1233[%get3A_1234, %get3A_1235] {strides = array<i32>} : memref<256x128xf32, #tpu.memory_space<vmem>>, vector<16xf32>,
        %sub3A_1237 = arith.subf %add3A_452, %get3A_1236 : vector<16xf32>
        %abs3A_1238 = math.absf %sub3A_1237 : vector<16xf32>
        %add3A_1239 = arith.addf %abs3A_1229, %abs3A_1238 : vector<16xf32>
        %get3A_1240 = arith.constant 0 : i32
        %get3A_1241 = arith.constant 0 : i32
        %get3A_1242 = tpu.memref_slice %arg17[%scan3A_179, %get3A_1240, %get3A_1241] : memref<2x256x128xf32, #tpu.memory_space<vmem>> -> memref<1x256x128xf32, #tpu.memory_space<vmem>>
        %get3A_1243 = tpu.memref_squeeze %get3A_1242 : memref<1x256x128xf32, #tpu.memory_space<vmem>> -> memref<256x128xf32, #tpu.memory_space<vmem>>
        %get3A_1244 = arith.index_cast %add3A_1220 : i32 to index
        %get3A_1245 = arith.constant 32 : index
        %get3A_1246 = tpu.vector_load %get3A_1243[%get3A_1244, %get3A_1245] {strides = array<i32>} : memref<256x128xf32, #tpu.memory_space<vmem>>, vector<16xf32>,
        %sub3A_1247 = arith.subf %add3A_467, %get3A_1246 : vector<16xf32>
        %abs3A_1248 = math.absf %sub3A_1247 : vector<16xf32>
        %add3A_1249 = arith.addf %add3A_1239, %abs3A_1248 : vector<16xf32>
        %get3A_1250 = arith.constant 0 : i32
        %get3A_1251 = arith.constant 0 : i32
        %get3A_1252 = tpu.memref_slice %arg17[%scan3A_179, %get3A_1250, %get3A_1251] : memref<2x256x128xf32, #tpu.memory_space<vmem>> -> memref<1x256x128xf32, #tpu.memory_space<vmem>>
        %get3A_1253 = tpu.memref_squeeze %get3A_1252 : memref<1x256x128xf32, #tpu.memory_space<vmem>> -> memref<256x128xf32, #tpu.memory_space<vmem>>
        %get3A_1254 = arith.index_cast %add3A_1220 : i32 to index
        %get3A_1255 = arith.constant 48 : index
        %get3A_1256 = tpu.vector_load %get3A_1253[%get3A_1254, %get3A_1255] {strides = array<i32>} : memref<256x128xf32, #tpu.memory_space<vmem>>, vector<16xf32>,
        %sub3A_1257 = arith.subf %add3A_482, %get3A_1256 : vector<16xf32>
        %abs3A_1258 = math.absf %sub3A_1257 : vector<16xf32>
        %add3A_1259 = arith.addf %add3A_1249, %abs3A_1258 : vector<16xf32>
        tpu.vector_store_idx %arg21[%add3A_1216], %add3A_1259 : memref<272xf32, #tpu.memory_space<vmem>>[vector<16xi32>], vector<16xf32>,
        %add3A_1260 = arith.constant 0 : i32
        %add3A_1261 = vector.broadcast %add3A_1260 : i32 to vector<16xi32>
        %add3A_1262 = arith.addi %mul3A_8, %add3A_1261 : vector<16xi32>
        %gather3A_1263 = tpu.vector_load_idx %arg21[%add3A_1262] : memref<272xf32, #tpu.memory_space<vmem>>[vector<16xi32>], vector<16xf32>,
        %add3A_1264 = arith.constant 1 : i32
        %add3A_1265 = vector.broadcast %add3A_1264 : i32 to vector<16xi32>
        %add3A_1266 = arith.addi %mul3A_8, %add3A_1265 : vector<16xi32>
        %gather3A_1267 = tpu.vector_load_idx %arg21[%add3A_1266] : memref<272xf32, #tpu.memory_space<vmem>>[vector<16xi32>], vector<16xf32>,
        %add3A_1268 = arith.addf %gather3A_1263, %gather3A_1267 : vector<16xf32>
        %add3A_1269 = arith.constant 2 : i32
        %add3A_1270 = vector.broadcast %add3A_1269 : i32 to vector<16xi32>
        %add3A_1271 = arith.addi %mul3A_8, %add3A_1270 : vector<16xi32>
        %gather3A_1272 = tpu.vector_load_idx %arg21[%add3A_1271] : memref<272xf32, #tpu.memory_space<vmem>>[vector<16xi32>], vector<16xf32>,
        %add3A_1273 = arith.addf %add3A_1268, %gather3A_1272 : vector<16xf32>
        %add3A_1274 = arith.constant 3 : i32
        %add3A_1275 = vector.broadcast %add3A_1274 : i32 to vector<16xi32>
        %add3A_1276 = arith.addi %mul3A_8, %add3A_1275 : vector<16xi32>
        %gather3A_1277 = tpu.vector_load_idx %arg21[%add3A_1276] : memref<272xf32, #tpu.memory_space<vmem>>[vector<16xi32>], vector<16xf32>,
        %add3A_1278 = arith.addf %add3A_1273, %gather3A_1277 : vector<16xf32>
        %add3A_1279 = arith.constant 4 : i32
        %add3A_1280 = vector.broadcast %add3A_1279 : i32 to vector<16xi32>
        %add3A_1281 = arith.addi %mul3A_8, %add3A_1280 : vector<16xi32>
        %gather3A_1282 = tpu.vector_load_idx %arg21[%add3A_1281] : memref<272xf32, #tpu.memory_space<vmem>>[vector<16xi32>], vector<16xf32>,
        %add3A_1283 = arith.addf %add3A_1278, %gather3A_1282 : vector<16xf32>
        %add3A_1284 = arith.constant 5 : i32
        %add3A_1285 = vector.broadcast %add3A_1284 : i32 to vector<16xi32>
        %add3A_1286 = arith.addi %mul3A_8, %add3A_1285 : vector<16xi32>
        %gather3A_1287 = tpu.vector_load_idx %arg21[%add3A_1286] : memref<272xf32, #tpu.memory_space<vmem>>[vector<16xi32>], vector<16xf32>,
        %add3A_1288 = arith.addf %add3A_1283, %gather3A_1287 : vector<16xf32>
        %add3A_1289 = arith.constant 6 : i32
        %add3A_1290 = vector.broadcast %add3A_1289 : i32 to vector<16xi32>
        %add3A_1291 = arith.addi %mul3A_8, %add3A_1290 : vector<16xi32>
        %gather3A_1292 = tpu.vector_load_idx %arg21[%add3A_1291] : memref<272xf32, #tpu.memory_space<vmem>>[vector<16xi32>], vector<16xf32>,
        %add3A_1293 = arith.addf %add3A_1288, %gather3A_1292 : vector<16xf32>
        %add3A_1294 = arith.constant 7 : i32
        %add3A_1295 = vector.broadcast %add3A_1294 : i32 to vector<16xi32>
        %add3A_1296 = arith.addi %mul3A_8, %add3A_1295 : vector<16xi32>
        %gather3A_1297 = tpu.vector_load_idx %arg21[%add3A_1296] : memref<272xf32, #tpu.memory_space<vmem>>[vector<16xi32>], vector<16xf32>,
        %add3A_1298 = arith.addf %add3A_1293, %gather3A_1297 : vector<16xf32>
        %add3A_1299 = arith.constant 8 : i32
        %add3A_1300 = vector.broadcast %add3A_1299 : i32 to vector<16xi32>
        %add3A_1301 = arith.addi %mul3A_8, %add3A_1300 : vector<16xi32>
        %gather3A_1302 = tpu.vector_load_idx %arg21[%add3A_1301] : memref<272xf32, #tpu.memory_space<vmem>>[vector<16xi32>], vector<16xf32>,
        %add3A_1303 = arith.addf %add3A_1298, %gather3A_1302 : vector<16xf32>
        %add3A_1304 = arith.constant 9 : i32
        %add3A_1305 = vector.broadcast %add3A_1304 : i32 to vector<16xi32>
        %add3A_1306 = arith.addi %mul3A_8, %add3A_1305 : vector<16xi32>
        %gather3A_1307 = tpu.vector_load_idx %arg21[%add3A_1306] : memref<272xf32, #tpu.memory_space<vmem>>[vector<16xi32>], vector<16xf32>,
        %add3A_1308 = arith.addf %add3A_1303, %gather3A_1307 : vector<16xf32>
        %add3A_1309 = arith.constant 10 : i32
        %add3A_1310 = vector.broadcast %add3A_1309 : i32 to vector<16xi32>
        %add3A_1311 = arith.addi %mul3A_8, %add3A_1310 : vector<16xi32>
        %gather3A_1312 = tpu.vector_load_idx %arg21[%add3A_1311] : memref<272xf32, #tpu.memory_space<vmem>>[vector<16xi32>], vector<16xf32>,
        %add3A_1313 = arith.addf %add3A_1308, %gather3A_1312 : vector<16xf32>
        %add3A_1314 = arith.constant 11 : i32
        %add3A_1315 = vector.broadcast %add3A_1314 : i32 to vector<16xi32>
        %add3A_1316 = arith.addi %mul3A_8, %add3A_1315 : vector<16xi32>
        %gather3A_1317 = tpu.vector_load_idx %arg21[%add3A_1316] : memref<272xf32, #tpu.memory_space<vmem>>[vector<16xi32>], vector<16xf32>,
        %add3A_1318 = arith.addf %add3A_1313, %gather3A_1317 : vector<16xf32>
        %add3A_1319 = arith.constant 12 : i32
        %add3A_1320 = vector.broadcast %add3A_1319 : i32 to vector<16xi32>
        %add3A_1321 = arith.addi %mul3A_8, %add3A_1320 : vector<16xi32>
        %gather3A_1322 = tpu.vector_load_idx %arg21[%add3A_1321] : memref<272xf32, #tpu.memory_space<vmem>>[vector<16xi32>], vector<16xf32>,
        %add3A_1323 = arith.addf %add3A_1318, %gather3A_1322 : vector<16xf32>
        %add3A_1324 = arith.constant 13 : i32
        %add3A_1325 = vector.broadcast %add3A_1324 : i32 to vector<16xi32>
        %add3A_1326 = arith.addi %mul3A_8, %add3A_1325 : vector<16xi32>
        %gather3A_1327 = tpu.vector_load_idx %arg21[%add3A_1326] : memref<272xf32, #tpu.memory_space<vmem>>[vector<16xi32>], vector<16xf32>,
        %add3A_1328 = arith.addf %add3A_1323, %gather3A_1327 : vector<16xf32>
        %add3A_1329 = arith.constant 14 : i32
        %add3A_1330 = vector.broadcast %add3A_1329 : i32 to vector<16xi32>
        %add3A_1331 = arith.addi %mul3A_8, %add3A_1330 : vector<16xi32>
        %gather3A_1332 = tpu.vector_load_idx %arg21[%add3A_1331] : memref<272xf32, #tpu.memory_space<vmem>>[vector<16xi32>], vector<16xf32>,
        %add3A_1333 = arith.addf %add3A_1328, %gather3A_1332 : vector<16xf32>
        %add3A_1334 = arith.constant 15 : i32
        %add3A_1335 = vector.broadcast %add3A_1334 : i32 to vector<16xi32>
        %add3A_1336 = arith.addi %mul3A_8, %add3A_1335 : vector<16xi32>
        %gather3A_1337 = tpu.vector_load_idx %arg21[%add3A_1336] : memref<272xf32, #tpu.memory_space<vmem>>[vector<16xi32>], vector<16xf32>,
        %add3A_1338 = arith.addf %add3A_1333, %gather3A_1337 : vector<16xf32>
        %mul3A_1339 = arith.constant 16 : i32
        %mul3A_1340 = arith.muli %mul3A_67, %mul3A_1339 : i32
        %add3A_1341 = arith.addi %mul3A_1340, %add3A_423 : i32
        %swap3A_1342 = arith.index_cast %add3A_1341 : i32 to index
        %swap3A_1343 = arith.constant 0 : index
        %swap3A_1344 = tpu.vector_load %arg19[%swap3A_1342, %swap3A_1343] {strides = array<i32>} : memref<512x16xf32, #tpu.memory_space<vmem>>, vector<16xf32>,
        tpu.vector_store %arg19[%swap3A_1342, %swap3A_1343], %add3A_1338 {strides = array<i32>} : memref<512x16xf32, #tpu.memory_space<vmem>>, vector<16xf32>,
      }
      %scan3A_184 = arith.constant 16 : i32
      %add3A_185 = arith.constant 0 : i32
      %add3A_186 = vector.broadcast %add3A_185 : i32 to vector<16xi32>
      %add3A_187 = arith.addi %mul3A_8, %add3A_186 : vector<16xi32>
      %gather3A = tpu.vector_load_idx %arg20[%add3A_187] : memref<272xf32, #tpu.memory_space<vmem>>[vector<16xi32>], vector<16xf32>,
      %add3A_188 = arith.constant 1 : i32
      %add3A_189 = vector.broadcast %add3A_188 : i32 to vector<16xi32>
      %add3A_190 = arith.addi %mul3A_8, %add3A_189 : vector<16xi32>
      %gather3A_191 = tpu.vector_load_idx %arg20[%add3A_190] : memref<272xf32, #tpu.memory_space<vmem>>[vector<16xi32>], vector<16xf32>,
      %add3A_192 = arith.addf %gather3A, %gather3A_191 : vector<16xf32>
      %add3A_193 = arith.constant 2 : i32
      %add3A_194 = vector.broadcast %add3A_193 : i32 to vector<16xi32>
      %add3A_195 = arith.addi %mul3A_8, %add3A_194 : vector<16xi32>
      %gather3A_196 = tpu.vector_load_idx %arg20[%add3A_195] : memref<272xf32, #tpu.memory_space<vmem>>[vector<16xi32>], vector<16xf32>,
      %add3A_197 = arith.addf %add3A_192, %gather3A_196 : vector<16xf32>
      %add3A_198 = arith.constant 3 : i32
      %add3A_199 = vector.broadcast %add3A_198 : i32 to vector<16xi32>
      %add3A_200 = arith.addi %mul3A_8, %add3A_199 : vector<16xi32>
      %gather3A_201 = tpu.vector_load_idx %arg20[%add3A_200] : memref<272xf32, #tpu.memory_space<vmem>>[vector<16xi32>], vector<16xf32>,
      %add3A_202 = arith.addf %add3A_197, %gather3A_201 : vector<16xf32>
      %add3A_203 = arith.constant 4 : i32
      %add3A_204 = vector.broadcast %add3A_203 : i32 to vector<16xi32>
      %add3A_205 = arith.addi %mul3A_8, %add3A_204 : vector<16xi32>
      %gather3A_206 = tpu.vector_load_idx %arg20[%add3A_205] : memref<272xf32, #tpu.memory_space<vmem>>[vector<16xi32>], vector<16xf32>,
      %add3A_207 = arith.addf %add3A_202, %gather3A_206 : vector<16xf32>
      %add3A_208 = arith.constant 5 : i32
      %add3A_209 = vector.broadcast %add3A_208 : i32 to vector<16xi32>
      %add3A_210 = arith.addi %mul3A_8, %add3A_209 : vector<16xi32>
      %gather3A_211 = tpu.vector_load_idx %arg20[%add3A_210] : memref<272xf32, #tpu.memory_space<vmem>>[vector<16xi32>], vector<16xf32>,
      %add3A_212 = arith.addf %add3A_207, %gather3A_211 : vector<16xf32>
      %add3A_213 = arith.constant 6 : i32
      %add3A_214 = vector.broadcast %add3A_213 : i32 to vector<16xi32>
      %add3A_215 = arith.addi %mul3A_8, %add3A_214 : vector<16xi32>
      %gather3A_216 = tpu.vector_load_idx %arg20[%add3A_215] : memref<272xf32, #tpu.memory_space<vmem>>[vector<16xi32>], vector<16xf32>,
      %add3A_217 = arith.addf %add3A_212, %gather3A_216 : vector<16xf32>
      %add3A_218 = arith.constant 7 : i32
      %add3A_219 = vector.broadcast %add3A_218 : i32 to vector<16xi32>
      %add3A_220 = arith.addi %mul3A_8, %add3A_219 : vector<16xi32>
      %gather3A_221 = tpu.vector_load_idx %arg20[%add3A_220] : memref<272xf32, #tpu.memory_space<vmem>>[vector<16xi32>], vector<16xf32>,
      %add3A_222 = arith.addf %add3A_217, %gather3A_221 : vector<16xf32>
      %add3A_223 = arith.constant 8 : i32
      %add3A_224 = vector.broadcast %add3A_223 : i32 to vector<16xi32>
      %add3A_225 = arith.addi %mul3A_8, %add3A_224 : vector<16xi32>
      %gather3A_226 = tpu.vector_load_idx %arg20[%add3A_225] : memref<272xf32, #tpu.memory_space<vmem>>[vector<16xi32>], vector<16xf32>,
      %add3A_227 = arith.addf %add3A_222, %gather3A_226 : vector<16xf32>
      %add3A_228 = arith.constant 9 : i32
      %add3A_229 = vector.broadcast %add3A_228 : i32 to vector<16xi32>
      %add3A_230 = arith.addi %mul3A_8, %add3A_229 : vector<16xi32>
      %gather3A_231 = tpu.vector_load_idx %arg20[%add3A_230] : memref<272xf32, #tpu.memory_space<vmem>>[vector<16xi32>], vector<16xf32>,
      %add3A_232 = arith.addf %add3A_227, %gather3A_231 : vector<16xf32>
      %add3A_233 = arith.constant 10 : i32
      %add3A_234 = vector.broadcast %add3A_233 : i32 to vector<16xi32>
      %add3A_235 = arith.addi %mul3A_8, %add3A_234 : vector<16xi32>
      %gather3A_236 = tpu.vector_load_idx %arg20[%add3A_235] : memref<272xf32, #tpu.memory_space<vmem>>[vector<16xi32>], vector<16xf32>,
      %add3A_237 = arith.addf %add3A_232, %gather3A_236 : vector<16xf32>
      %add3A_238 = arith.constant 11 : i32
      %add3A_239 = vector.broadcast %add3A_238 : i32 to vector<16xi32>
      %add3A_240 = arith.addi %mul3A_8, %add3A_239 : vector<16xi32>
      %gather3A_241 = tpu.vector_load_idx %arg20[%add3A_240] : memref<272xf32, #tpu.memory_space<vmem>>[vector<16xi32>], vector<16xf32>,
      %add3A_242 = arith.addf %add3A_237, %gather3A_241 : vector<16xf32>
      %add3A_243 = arith.constant 12 : i32
      %add3A_244 = vector.broadcast %add3A_243 : i32 to vector<16xi32>
      %add3A_245 = arith.addi %mul3A_8, %add3A_244 : vector<16xi32>
      %gather3A_246 = tpu.vector_load_idx %arg20[%add3A_245] : memref<272xf32, #tpu.memory_space<vmem>>[vector<16xi32>], vector<16xf32>,
      %add3A_247 = arith.addf %add3A_242, %gather3A_246 : vector<16xf32>
      %add3A_248 = arith.constant 13 : i32
      %add3A_249 = vector.broadcast %add3A_248 : i32 to vector<16xi32>
      %add3A_250 = arith.addi %mul3A_8, %add3A_249 : vector<16xi32>
      %gather3A_251 = tpu.vector_load_idx %arg20[%add3A_250] : memref<272xf32, #tpu.memory_space<vmem>>[vector<16xi32>], vector<16xf32>,
      %add3A_252 = arith.addf %add3A_247, %gather3A_251 : vector<16xf32>
      %add3A_253 = arith.constant 14 : i32
      %add3A_254 = vector.broadcast %add3A_253 : i32 to vector<16xi32>
      %add3A_255 = arith.addi %mul3A_8, %add3A_254 : vector<16xi32>
      %gather3A_256 = tpu.vector_load_idx %arg20[%add3A_255] : memref<272xf32, #tpu.memory_space<vmem>>[vector<16xi32>], vector<16xf32>,
      %add3A_257 = arith.addf %add3A_252, %gather3A_256 : vector<16xf32>
      %add3A_258 = arith.constant 15 : i32
      %add3A_259 = vector.broadcast %add3A_258 : i32 to vector<16xi32>
      %add3A_260 = arith.addi %mul3A_8, %add3A_259 : vector<16xi32>
      %gather3A_261 = tpu.vector_load_idx %arg20[%add3A_260] : memref<272xf32, #tpu.memory_space<vmem>>[vector<16xi32>], vector<16xf32>,
      %add3A_262 = arith.addf %add3A_257, %gather3A_261 : vector<16xf32>
      %mul3A_263 = arith.constant 16 : i32
      %mul3A_264 = arith.muli %mul3A_67, %mul3A_263 : i32
      %add3A_265 = arith.constant 0 : i32
      %add3A_266 = arith.addi %mul3A_264, %add3A_265 : i32
      %multiple_of3A_267 = tpu.assume_multiple %add3A_266, 16 : i32
      %swap3A = arith.index_cast %multiple_of3A_267 : i32 to index
      %swap3A_268 = tpu.vector_load %arg18[%swap3A] {strides = array<i32>} : memref<512xf32, #tpu.memory_space<vmem>>, vector<16xf32>,
      tpu.vector_store %arg18[%swap3A], %add3A_262 {strides = array<i32>} : memref<512xf32, #tpu.memory_space<vmem>>, vector<16xf32>,
      %lt3A = arith.constant 15 : i32
      %lt3A_269 = arith.cmpi slt, %scan3A_65, %lt3A : i32
      %convert_element_type3A = arith.extui %lt3A_269 : i1 to i32
      %cond3A = arith.constant 0 : i32
      %cond3A_270 = arith.cmpi ne, %convert_element_type3A, %cond3A : i32
      scf.if %cond3A_270 {
        %add3A_421 = arith.constant 2 : i32
        %add3A_422 = arith.addi %mul3A_67, %add3A_421 : i32
        %mul3A_423 = arith.constant 16 : i32
        %mul3A_424 = arith.muli %add3A_422, %mul3A_423 : i32
        %multiple_of3A_425 = tpu.assume_multiple %mul3A_424, 16 : i32
        %mul3A_426 = arith.constant 256 : i32
        %mul3A_427 = arith.muli %add3A_422, %mul3A_426 : i32
        %multiple_of3A_428 = tpu.assume_multiple %mul3A_427, 256 : i32
        %dma_start3A_429 = arith.constant 0 : i32
        %dma_start3A_430 = arith.constant 0 : i32
        %dma_start3A_431 = arith.constant 0 : i32
        %dma_start3A_432 = arith.constant 0 : i32
        %dma_start3A_433 = tpu.memref_slice %arg14[%dma_start3A_429, %dma_start3A_431, %dma_start3A_432] : memref<2x16x128xf32, #tpu.memory_space<vmem>> -> memref<1x16x128xf32, #tpu.memory_space<vmem>>
        %dma_start3A_434 = tpu.memref_squeeze %dma_start3A_433 : memref<1x16x128xf32, #tpu.memory_space<vmem>> -> memref<16x128xf32, #tpu.memory_space<vmem>>
        %dma_start3A_435 = tpu.memref_slice %arg10[%multiple_of3A_425] : memref<512xi32, #tpu.memory_space<vmem>> -> memref<16xi32, #tpu.memory_space<vmem>>
        %dma_start3A_436 = arith.constant 0 : i32
        %dma_start3A_437 = arith.constant 0 : i32
        %dma_start3A_438 = tpu.memref_slice %arg2[%dma_start3A_436, %dma_start3A_437] : memref<1000000x128xf32, #tpu.memory_space<hbm>> -> memref<1000000x128xf32, #tpu.memory_space<hbm>>
        %dma_start3A_439 = tpu.memref_slice %arg22[%dma_start3A_430] : memref<2x!tpu.dma_semaphore, #tpu.memory_space<semaphore_mem>> -> memref<1x!tpu.dma_semaphore, #tpu.memory_space<semaphore_mem>>
        %dma_start3A_440 = tpu.memref_squeeze %dma_start3A_439 : memref<1x!tpu.dma_semaphore, #tpu.memory_space<semaphore_mem>> -> memref<!tpu.dma_semaphore, #tpu.memory_space<semaphore_mem>>
        tpu.enqueue_indirect_dma source(%dma_start3A_438 : memref<1000000x128xf32, #tpu.memory_space<hbm>>) target(%dma_start3A_434 : memref<16x128xf32, #tpu.memory_space<vmem>>) offsets(%dma_start3A_435 : memref<16xi32, #tpu.memory_space<vmem>>) semaphore(%dma_start3A_440 : memref<!tpu.dma_semaphore, #tpu.memory_space<semaphore_mem>>)
        %dma_start3A_441 = arith.constant 0 : i32
        %dma_start3A_442 = arith.constant 0 : i32
        %dma_start3A_443 = arith.constant 0 : i32
        %dma_start3A_444 = arith.constant 0 : i32
        %dma_start3A_445 = tpu.memref_slice %arg15[%dma_start3A_441, %dma_start3A_443, %dma_start3A_444] : memref<2x16x128xf32, #tpu.memory_space<vmem>> -> memref<1x16x128xf32, #tpu.memory_space<vmem>>
        %dma_start3A_446 = tpu.memref_squeeze %dma_start3A_445 : memref<1x16x128xf32, #tpu.memory_space<vmem>> -> memref<16x128xf32, #tpu.memory_space<vmem>>
        %dma_start3A_447 = tpu.memref_slice %arg11[%multiple_of3A_425] : memref<512xi32, #tpu.memory_space<vmem>> -> memref<16xi32, #tpu.memory_space<vmem>>
        %dma_start3A_448 = arith.constant 0 : i32
        %dma_start3A_449 = arith.constant 0 : i32
        %dma_start3A_450 = tpu.memref_slice %arg3[%dma_start3A_448, %dma_start3A_449] : memref<1000x128xf32, #tpu.memory_space<hbm>> -> memref<1000x128xf32, #tpu.memory_space<hbm>>
        %dma_start3A_451 = tpu.memref_slice %arg22[%dma_start3A_442] : memref<2x!tpu.dma_semaphore, #tpu.memory_space<semaphore_mem>> -> memref<1x!tpu.dma_semaphore, #tpu.memory_space<semaphore_mem>>
        %dma_start3A_452 = tpu.memref_squeeze %dma_start3A_451 : memref<1x!tpu.dma_semaphore, #tpu.memory_space<semaphore_mem>> -> memref<!tpu.dma_semaphore, #tpu.memory_space<semaphore_mem>>
        tpu.enqueue_indirect_dma source(%dma_start3A_450 : memref<1000x128xf32, #tpu.memory_space<hbm>>) target(%dma_start3A_446 : memref<16x128xf32, #tpu.memory_space<vmem>>) offsets(%dma_start3A_447 : memref<16xi32, #tpu.memory_space<vmem>>) semaphore(%dma_start3A_452 : memref<!tpu.dma_semaphore, #tpu.memory_space<semaphore_mem>>)
        %dma_start3A_453 = arith.constant 0 : i32
        %dma_start3A_454 = arith.constant 0 : i32
        %dma_start3A_455 = arith.constant 0 : i32
        %dma_start3A_456 = arith.constant 0 : i32
        %dma_start3A_457 = tpu.memref_slice %arg16[%dma_start3A_453, %dma_start3A_455, %dma_start3A_456] : memref<2x16x128xf32, #tpu.memory_space<vmem>> -> memref<1x16x128xf32, #tpu.memory_space<vmem>>
        %dma_start3A_458 = tpu.memref_squeeze %dma_start3A_457 : memref<1x16x128xf32, #tpu.memory_space<vmem>> -> memref<16x128xf32, #tpu.memory_space<vmem>>
        %dma_start3A_459 = tpu.memref_slice %arg12[%multiple_of3A_425] : memref<512xi32, #tpu.memory_space<vmem>> -> memref<16xi32, #tpu.memory_space<vmem>>
        %dma_start3A_460 = arith.constant 0 : i32
        %dma_start3A_461 = arith.constant 0 : i32
        %dma_start3A_462 = tpu.memref_slice %arg2[%dma_start3A_460, %dma_start3A_461] : memref<1000000x128xf32, #tpu.memory_space<hbm>> -> memref<1000000x128xf32, #tpu.memory_space<hbm>>
        %dma_start3A_463 = tpu.memref_slice %arg22[%dma_start3A_454] : memref<2x!tpu.dma_semaphore, #tpu.memory_space<semaphore_mem>> -> memref<1x!tpu.dma_semaphore, #tpu.memory_space<semaphore_mem>>
        %dma_start3A_464 = tpu.memref_squeeze %dma_start3A_463 : memref<1x!tpu.dma_semaphore, #tpu.memory_space<semaphore_mem>> -> memref<!tpu.dma_semaphore, #tpu.memory_space<semaphore_mem>>
        tpu.enqueue_indirect_dma source(%dma_start3A_462 : memref<1000000x128xf32, #tpu.memory_space<hbm>>) target(%dma_start3A_458 : memref<16x128xf32, #tpu.memory_space<vmem>>) offsets(%dma_start3A_459 : memref<16xi32, #tpu.memory_space<vmem>>) semaphore(%dma_start3A_464 : memref<!tpu.dma_semaphore, #tpu.memory_space<semaphore_mem>>)
        %dma_start3A_465 = arith.constant 0 : i32
        %dma_start3A_466 = arith.constant 0 : i32
        %dma_start3A_467 = arith.constant 0 : i32
        %dma_start3A_468 = arith.constant 0 : i32
        %dma_start3A_469 = tpu.memref_slice %arg17[%dma_start3A_465, %dma_start3A_467, %dma_start3A_468] : memref<2x256x128xf32, #tpu.memory_space<vmem>> -> memref<1x256x128xf32, #tpu.memory_space<vmem>>
        %dma_start3A_470 = tpu.memref_squeeze %dma_start3A_469 : memref<1x256x128xf32, #tpu.memory_space<vmem>> -> memref<256x128xf32, #tpu.memory_space<vmem>>
        %dma_start3A_471 = tpu.memref_slice %arg13[%multiple_of3A_428] : memref<8192xi32, #tpu.memory_space<vmem>> -> memref<256xi32, #tpu.memory_space<vmem>>
        %dma_start3A_472 = arith.constant 0 : i32
        %dma_start3A_473 = arith.constant 0 : i32
        %dma_start3A_474 = tpu.memref_slice %arg2[%dma_start3A_472, %dma_start3A_473] : memref<1000000x128xf32, #tpu.memory_space<hbm>> -> memref<1000000x128xf32, #tpu.memory_space<hbm>>
        %dma_start3A_475 = tpu.memref_slice %arg22[%dma_start3A_466] : memref<2x!tpu.dma_semaphore, #tpu.memory_space<semaphore_mem>> -> memref<1x!tpu.dma_semaphore, #tpu.memory_space<semaphore_mem>>
        %dma_start3A_476 = tpu.memref_squeeze %dma_start3A_475 : memref<1x!tpu.dma_semaphore, #tpu.memory_space<semaphore_mem>> -> memref<!tpu.dma_semaphore, #tpu.memory_space<semaphore_mem>>
        tpu.enqueue_indirect_dma source(%dma_start3A_474 : memref<1000000x128xf32, #tpu.memory_space<hbm>>) target(%dma_start3A_470 : memref<256x128xf32, #tpu.memory_space<vmem>>) offsets(%dma_start3A_471 : memref<256xi32, #tpu.memory_space<vmem>>) semaphore(%dma_start3A_476 : memref<!tpu.dma_semaphore, #tpu.memory_space<semaphore_mem>>)
      } else {
      }
      %dma_wait3A_271 = arith.constant 1 : i32
      %dma_wait3A_272 = arith.constant 1 : i32
      %dma_wait3A_273 = arith.constant 0 : i32
      %dma_wait3A_274 = arith.constant 0 : i32
      %dma_wait3A_275 = tpu.memref_slice %arg14[%dma_wait3A_271, %dma_wait3A_273, %dma_wait3A_274] : memref<2x16x128xf32, #tpu.memory_space<vmem>> -> memref<1x16x128xf32, #tpu.memory_space<vmem>>
      %dma_wait3A_276 = tpu.memref_squeeze %dma_wait3A_275 : memref<1x16x128xf32, #tpu.memory_space<vmem>> -> memref<16x128xf32, #tpu.memory_space<vmem>>
      %dma_wait3A_277 = arith.constant 0 : i32
      %dma_wait3A_278 = tpu.memref_slice %arg10[%dma_wait3A_277] : memref<512xi32, #tpu.memory_space<vmem>> -> memref<16xi32, #tpu.memory_space<vmem>>
      %dma_wait3A_279 = arith.constant 0 : i32
      %dma_wait3A_280 = arith.constant 0 : i32
      %dma_wait3A_281 = tpu.memref_slice %arg2[%dma_wait3A_279, %dma_wait3A_280] : memref<1000000x128xf32, #tpu.memory_space<hbm>> -> memref<1000000x128xf32, #tpu.memory_space<hbm>>
      %dma_wait3A_282 = tpu.memref_slice %arg22[%dma_wait3A_272] : memref<2x!tpu.dma_semaphore, #tpu.memory_space<semaphore_mem>> -> memref<1x!tpu.dma_semaphore, #tpu.memory_space<semaphore_mem>>
      %dma_wait3A_283 = tpu.memref_squeeze %dma_wait3A_282 : memref<1x!tpu.dma_semaphore, #tpu.memory_space<semaphore_mem>> -> memref<!tpu.dma_semaphore, #tpu.memory_space<semaphore_mem>>
      tpu.wait_indirect_dma semaphore(%dma_wait3A_283 : memref<!tpu.dma_semaphore, #tpu.memory_space<semaphore_mem>>) src(%dma_wait3A_281 : memref<1000000x128xf32, #tpu.memory_space<hbm>>) dst(%dma_wait3A_276 : memref<16x128xf32, #tpu.memory_space<vmem>>)
      %dma_wait3A_284 = arith.constant 1 : i32
      %dma_wait3A_285 = arith.constant 1 : i32
      %dma_wait3A_286 = arith.constant 0 : i32
      %dma_wait3A_287 = arith.constant 0 : i32
      %dma_wait3A_288 = tpu.memref_slice %arg15[%dma_wait3A_284, %dma_wait3A_286, %dma_wait3A_287] : memref<2x16x128xf32, #tpu.memory_space<vmem>> -> memref<1x16x128xf32, #tpu.memory_space<vmem>>
      %dma_wait3A_289 = tpu.memref_squeeze %dma_wait3A_288 : memref<1x16x128xf32, #tpu.memory_space<vmem>> -> memref<16x128xf32, #tpu.memory_space<vmem>>
      %dma_wait3A_290 = arith.constant 0 : i32
      %dma_wait3A_291 = tpu.memref_slice %arg11[%dma_wait3A_290] : memref<512xi32, #tpu.memory_space<vmem>> -> memref<16xi32, #tpu.memory_space<vmem>>
      %dma_wait3A_292 = arith.constant 0 : i32
      %dma_wait3A_293 = arith.constant 0 : i32
      %dma_wait3A_294 = tpu.memref_slice %arg3[%dma_wait3A_292, %dma_wait3A_293] : memref<1000x128xf32, #tpu.memory_space<hbm>> -> memref<1000x128xf32, #tpu.memory_space<hbm>>
      %dma_wait3A_295 = tpu.memref_slice %arg22[%dma_wait3A_285] : memref<2x!tpu.dma_semaphore, #tpu.memory_space<semaphore_mem>> -> memref<1x!tpu.dma_semaphore, #tpu.memory_space<semaphore_mem>>
      %dma_wait3A_296 = tpu.memref_squeeze %dma_wait3A_295 : memref<1x!tpu.dma_semaphore, #tpu.memory_space<semaphore_mem>> -> memref<!tpu.dma_semaphore, #tpu.memory_space<semaphore_mem>>
      tpu.wait_indirect_dma semaphore(%dma_wait3A_296 : memref<!tpu.dma_semaphore, #tpu.memory_space<semaphore_mem>>) src(%dma_wait3A_294 : memref<1000x128xf32, #tpu.memory_space<hbm>>) dst(%dma_wait3A_289 : memref<16x128xf32, #tpu.memory_space<vmem>>)
      %dma_wait3A_297 = arith.constant 1 : i32
      %dma_wait3A_298 = arith.constant 1 : i32
      %dma_wait3A_299 = arith.constant 0 : i32
      %dma_wait3A_300 = arith.constant 0 : i32
      %dma_wait3A_301 = tpu.memref_slice %arg16[%dma_wait3A_297, %dma_wait3A_299, %dma_wait3A_300] : memref<2x16x128xf32, #tpu.memory_space<vmem>> -> memref<1x16x128xf32, #tpu.memory_space<vmem>>
      %dma_wait3A_302 = tpu.memref_squeeze %dma_wait3A_301 : memref<1x16x128xf32, #tpu.memory_space<vmem>> -> memref<16x128xf32, #tpu.memory_space<vmem>>
      %dma_wait3A_303 = arith.constant 0 : i32
      %dma_wait3A_304 = tpu.memref_slice %arg12[%dma_wait3A_303] : memref<512xi32, #tpu.memory_space<vmem>> -> memref<16xi32, #tpu.memory_space<vmem>>
      %dma_wait3A_305 = arith.constant 0 : i32
      %dma_wait3A_306 = arith.constant 0 : i32
      %dma_wait3A_307 = tpu.memref_slice %arg2[%dma_wait3A_305, %dma_wait3A_306] : memref<1000000x128xf32, #tpu.memory_space<hbm>> -> memref<1000000x128xf32, #tpu.memory_space<hbm>>
      %dma_wait3A_308 = tpu.memref_slice %arg22[%dma_wait3A_298] : memref<2x!tpu.dma_semaphore, #tpu.memory_space<semaphore_mem>> -> memref<1x!tpu.dma_semaphore, #tpu.memory_space<semaphore_mem>>
      %dma_wait3A_309 = tpu.memref_squeeze %dma_wait3A_308 : memref<1x!tpu.dma_semaphore, #tpu.memory_space<semaphore_mem>> -> memref<!tpu.dma_semaphore, #tpu.memory_space<semaphore_mem>>
      tpu.wait_indirect_dma semaphore(%dma_wait3A_309 : memref<!tpu.dma_semaphore, #tpu.memory_space<semaphore_mem>>) src(%dma_wait3A_307 : memref<1000000x128xf32, #tpu.memory_space<hbm>>) dst(%dma_wait3A_302 : memref<16x128xf32, #tpu.memory_space<vmem>>)
      %dma_wait3A_310 = arith.constant 1 : i32
      %dma_wait3A_311 = arith.constant 1 : i32
      %dma_wait3A_312 = arith.constant 0 : i32
      %dma_wait3A_313 = arith.constant 0 : i32
      %dma_wait3A_314 = tpu.memref_slice %arg17[%dma_wait3A_310, %dma_wait3A_312, %dma_wait3A_313] : memref<2x256x128xf32, #tpu.memory_space<vmem>> -> memref<1x256x128xf32, #tpu.memory_space<vmem>>
      %dma_wait3A_315 = tpu.memref_squeeze %dma_wait3A_314 : memref<1x256x128xf32, #tpu.memory_space<vmem>> -> memref<256x128xf32, #tpu.memory_space<vmem>>
      %dma_wait3A_316 = arith.constant 0 : i32
      %dma_wait3A_317 = tpu.memref_slice %arg13[%dma_wait3A_316] : memref<8192xi32, #tpu.memory_space<vmem>> -> memref<256xi32, #tpu.memory_space<vmem>>
      %dma_wait3A_318 = arith.constant 0 : i32
      %dma_wait3A_319 = arith.constant 0 : i32
      %dma_wait3A_320 = tpu.memref_slice %arg2[%dma_wait3A_318, %dma_wait3A_319] : memref<1000000x128xf32, #tpu.memory_space<hbm>> -> memref<1000000x128xf32, #tpu.memory_space<hbm>>
      %dma_wait3A_321 = tpu.memref_slice %arg22[%dma_wait3A_311] : memref<2x!tpu.dma_semaphore, #tpu.memory_space<semaphore_mem>> -> memref<1x!tpu.dma_semaphore, #tpu.memory_space<semaphore_mem>>
      %dma_wait3A_322 = tpu.memref_squeeze %dma_wait3A_321 : memref<1x!tpu.dma_semaphore, #tpu.memory_space<semaphore_mem>> -> memref<!tpu.dma_semaphore, #tpu.memory_space<semaphore_mem>>
      tpu.wait_indirect_dma semaphore(%dma_wait3A_322 : memref<!tpu.dma_semaphore, #tpu.memory_space<semaphore_mem>>) src(%dma_wait3A_320 : memref<1000000x128xf32, #tpu.memory_space<hbm>>) dst(%dma_wait3A_315 : memref<256x128xf32, #tpu.memory_space<vmem>>)
      %add3A_323 = arith.constant 1 : i32
      %add3A_324 = arith.addi %mul3A_67, %add3A_323 : i32
      %scan3A_325 = arith.constant 0 : i32
      %scan3A_326 = arith.constant 1 : i32
      %scan3A_327 = arith.constant 1 : i32
      %scan3A_328 = arith.constant 1 : i32
      %scan3A_329 = arith.constant 1 : i32
      %scan3A_330 = arith.constant 0 : i32
      %scan3A_331 = arith.constant 16 : i32
      %scan3A_332 = arith.addi %scan3A_330, %scan3A_331 : i32
      %scan3A_333 = arith.constant 1 : i32
      scf.for %scan3A_421 = %scan3A_330 to %scan3A_332 step %scan3A_333  : i32 {
        %add3A_422 = arith.constant 0 : i32
        %add3A_423 = arith.addi %add3A_422, %scan3A_421 : i32
        %get3A = arith.constant 0 : i32
        %get3A_424 = arith.constant 0 : i32
        %get3A_425 = tpu.memref_slice %arg14[%scan3A_326, %get3A, %get3A_424] : memref<2x16x128xf32, #tpu.memory_space<vmem>> -> memref<1x16x128xf32, #tpu.memory_space<vmem>>
        %get3A_426 = tpu.memref_squeeze %get3A_425 : memref<1x16x128xf32, #tpu.memory_space<vmem>> -> memref<16x128xf32, #tpu.memory_space<vmem>>
        %get3A_427 = arith.index_cast %add3A_423 : i32 to index
        %get3A_428 = arith.constant 0 : index
        %get3A_429 = tpu.vector_load %get3A_426[%get3A_427, %get3A_428] {strides = array<i32>} : memref<16x128xf32, #tpu.memory_space<vmem>>, vector<16xf32>,
        %get3A_430 = arith.constant 0 : i32
        %get3A_431 = arith.constant 0 : i32
        %get3A_432 = tpu.memref_slice %arg15[%scan3A_327, %get3A_430, %get3A_431] : memref<2x16x128xf32, #tpu.memory_space<vmem>> -> memref<1x16x128xf32, #tpu.memory_space<vmem>>
        %get3A_433 = tpu.memref_squeeze %get3A_432 : memref<1x16x128xf32, #tpu.memory_space<vmem>> -> memref<16x128xf32, #tpu.memory_space<vmem>>
        %get3A_434 = arith.index_cast %add3A_423 : i32 to index
        %get3A_435 = arith.constant 0 : index
        %get3A_436 = tpu.vector_load %get3A_433[%get3A_434, %get3A_435] {strides = array<i32>} : memref<16x128xf32, #tpu.memory_space<vmem>>, vector<16xf32>,
        %add3A_437 = arith.addf %get3A_429, %get3A_436 : vector<16xf32>
        %get3A_438 = arith.constant 0 : i32
        %get3A_439 = arith.constant 0 : i32
        %get3A_440 = tpu.memref_slice %arg14[%scan3A_326, %get3A_438, %get3A_439] : memref<2x16x128xf32, #tpu.memory_space<vmem>> -> memref<1x16x128xf32, #tpu.memory_space<vmem>>
        %get3A_441 = tpu.memref_squeeze %get3A_440 : memref<1x16x128xf32, #tpu.memory_space<vmem>> -> memref<16x128xf32, #tpu.memory_space<vmem>>
        %get3A_442 = arith.index_cast %add3A_423 : i32 to index
        %get3A_443 = arith.constant 16 : index
        %get3A_444 = tpu.vector_load %get3A_441[%get3A_442, %get3A_443] {strides = array<i32>} : memref<16x128xf32, #tpu.memory_space<vmem>>, vector<16xf32>,
        %get3A_445 = arith.constant 0 : i32
        %get3A_446 = arith.constant 0 : i32
        %get3A_447 = tpu.memref_slice %arg15[%scan3A_327, %get3A_445, %get3A_446] : memref<2x16x128xf32, #tpu.memory_space<vmem>> -> memref<1x16x128xf32, #tpu.memory_space<vmem>>
        %get3A_448 = tpu.memref_squeeze %get3A_447 : memref<1x16x128xf32, #tpu.memory_space<vmem>> -> memref<16x128xf32, #tpu.memory_space<vmem>>
        %get3A_449 = arith.index_cast %add3A_423 : i32 to index
        %get3A_450 = arith.constant 16 : index
        %get3A_451 = tpu.vector_load %get3A_448[%get3A_449, %get3A_450] {strides = array<i32>} : memref<16x128xf32, #tpu.memory_space<vmem>>, vector<16xf32>,
        %add3A_452 = arith.addf %get3A_444, %get3A_451 : vector<16xf32>
        %get3A_453 = arith.constant 0 : i32
        %get3A_454 = arith.constant 0 : i32
        %get3A_455 = tpu.memref_slice %arg14[%scan3A_326, %get3A_453, %get3A_454] : memref<2x16x128xf32, #tpu.memory_space<vmem>> -> memref<1x16x128xf32, #tpu.memory_space<vmem>>
        %get3A_456 = tpu.memref_squeeze %get3A_455 : memref<1x16x128xf32, #tpu.memory_space<vmem>> -> memref<16x128xf32, #tpu.memory_space<vmem>>
        %get3A_457 = arith.index_cast %add3A_423 : i32 to index
        %get3A_458 = arith.constant 32 : index
        %get3A_459 = tpu.vector_load %get3A_456[%get3A_457, %get3A_458] {strides = array<i32>} : memref<16x128xf32, #tpu.memory_space<vmem>>, vector<16xf32>,
        %get3A_460 = arith.constant 0 : i32
        %get3A_461 = arith.constant 0 : i32
        %get3A_462 = tpu.memref_slice %arg15[%scan3A_327, %get3A_460, %get3A_461] : memref<2x16x128xf32, #tpu.memory_space<vmem>> -> memref<1x16x128xf32, #tpu.memory_space<vmem>>
        %get3A_463 = tpu.memref_squeeze %get3A_462 : memref<1x16x128xf32, #tpu.memory_space<vmem>> -> memref<16x128xf32, #tpu.memory_space<vmem>>
        %get3A_464 = arith.index_cast %add3A_423 : i32 to index
        %get3A_465 = arith.constant 32 : index
        %get3A_466 = tpu.vector_load %get3A_463[%get3A_464, %get3A_465] {strides = array<i32>} : memref<16x128xf32, #tpu.memory_space<vmem>>, vector<16xf32>,
        %add3A_467 = arith.addf %get3A_459, %get3A_466 : vector<16xf32>
        %get3A_468 = arith.constant 0 : i32
        %get3A_469 = arith.constant 0 : i32
        %get3A_470 = tpu.memref_slice %arg14[%scan3A_326, %get3A_468, %get3A_469] : memref<2x16x128xf32, #tpu.memory_space<vmem>> -> memref<1x16x128xf32, #tpu.memory_space<vmem>>
        %get3A_471 = tpu.memref_squeeze %get3A_470 : memref<1x16x128xf32, #tpu.memory_space<vmem>> -> memref<16x128xf32, #tpu.memory_space<vmem>>
        %get3A_472 = arith.index_cast %add3A_423 : i32 to index
        %get3A_473 = arith.constant 48 : index
        %get3A_474 = tpu.vector_load %get3A_471[%get3A_472, %get3A_473] {strides = array<i32>} : memref<16x128xf32, #tpu.memory_space<vmem>>, vector<16xf32>,
        %get3A_475 = arith.constant 0 : i32
        %get3A_476 = arith.constant 0 : i32
        %get3A_477 = tpu.memref_slice %arg15[%scan3A_327, %get3A_475, %get3A_476] : memref<2x16x128xf32, #tpu.memory_space<vmem>> -> memref<1x16x128xf32, #tpu.memory_space<vmem>>
        %get3A_478 = tpu.memref_squeeze %get3A_477 : memref<1x16x128xf32, #tpu.memory_space<vmem>> -> memref<16x128xf32, #tpu.memory_space<vmem>>
        %get3A_479 = arith.index_cast %add3A_423 : i32 to index
        %get3A_480 = arith.constant 48 : index
        %get3A_481 = tpu.vector_load %get3A_478[%get3A_479, %get3A_480] {strides = array<i32>} : memref<16x128xf32, #tpu.memory_space<vmem>>, vector<16xf32>,
        %add3A_482 = arith.addf %get3A_474, %get3A_481 : vector<16xf32>
        %mul3A_483 = arith.constant 17 : i32
        %mul3A_484 = arith.muli %scan3A_421, %mul3A_483 : i32
        %add3A_485 = vector.broadcast %mul3A_484 : i32 to vector<16xi32>
        %add3A_486 = arith.addi %iota3A, %add3A_485 : vector<16xi32>
        %get3A_487 = arith.constant 0 : i32
        %get3A_488 = arith.constant 0 : i32
        %get3A_489 = tpu.memref_slice %arg16[%scan3A_328, %get3A_487, %get3A_488] : memref<2x16x128xf32, #tpu.memory_space<vmem>> -> memref<1x16x128xf32, #tpu.memory_space<vmem>>
        %get3A_490 = tpu.memref_squeeze %get3A_489 : memref<1x16x128xf32, #tpu.memory_space<vmem>> -> memref<16x128xf32, #tpu.memory_space<vmem>>
        %get3A_491 = arith.index_cast %add3A_423 : i32 to index
        %get3A_492 = arith.constant 0 : index
        %get3A_493 = tpu.vector_load %get3A_490[%get3A_491, %get3A_492] {strides = array<i32>} : memref<16x128xf32, #tpu.memory_space<vmem>>, vector<16xf32>,
        %sub3A = arith.subf %add3A_437, %get3A_493 : vector<16xf32>
        %abs3A = math.absf %sub3A : vector<16xf32>
        %get3A_494 = arith.constant 0 : i32
        %get3A_495 = arith.constant 0 : i32
        %get3A_496 = tpu.memref_slice %arg16[%scan3A_328, %get3A_494, %get3A_495] : memref<2x16x128xf32, #tpu.memory_space<vmem>> -> memref<1x16x128xf32, #tpu.memory_space<vmem>>
        %get3A_497 = tpu.memref_squeeze %get3A_496 : memref<1x16x128xf32, #tpu.memory_space<vmem>> -> memref<16x128xf32, #tpu.memory_space<vmem>>
        %get3A_498 = arith.index_cast %add3A_423 : i32 to index
        %get3A_499 = arith.constant 16 : index
        %get3A_500 = tpu.vector_load %get3A_497[%get3A_498, %get3A_499] {strides = array<i32>} : memref<16x128xf32, #tpu.memory_space<vmem>>, vector<16xf32>,
        %sub3A_501 = arith.subf %add3A_452, %get3A_500 : vector<16xf32>
        %abs3A_502 = math.absf %sub3A_501 : vector<16xf32>
        %add3A_503 = arith.addf %abs3A, %abs3A_502 : vector<16xf32>
        %get3A_504 = arith.constant 0 : i32
        %get3A_505 = arith.constant 0 : i32
        %get3A_506 = tpu.memref_slice %arg16[%scan3A_328, %get3A_504, %get3A_505] : memref<2x16x128xf32, #tpu.memory_space<vmem>> -> memref<1x16x128xf32, #tpu.memory_space<vmem>>
        %get3A_507 = tpu.memref_squeeze %get3A_506 : memref<1x16x128xf32, #tpu.memory_space<vmem>> -> memref<16x128xf32, #tpu.memory_space<vmem>>
        %get3A_508 = arith.index_cast %add3A_423 : i32 to index
        %get3A_509 = arith.constant 32 : index
        %get3A_510 = tpu.vector_load %get3A_507[%get3A_508, %get3A_509] {strides = array<i32>} : memref<16x128xf32, #tpu.memory_space<vmem>>, vector<16xf32>,
        %sub3A_511 = arith.subf %add3A_467, %get3A_510 : vector<16xf32>
        %abs3A_512 = math.absf %sub3A_511 : vector<16xf32>
        %add3A_513 = arith.addf %add3A_503, %abs3A_512 : vector<16xf32>
        %get3A_514 = arith.constant 0 : i32
        %get3A_515 = arith.constant 0 : i32
        %get3A_516 = tpu.memref_slice %arg16[%scan3A_328, %get3A_514, %get3A_515] : memref<2x16x128xf32, #tpu.memory_space<vmem>> -> memref<1x16x128xf32, #tpu.memory_space<vmem>>
        %get3A_517 = tpu.memref_squeeze %get3A_516 : memref<1x16x128xf32, #tpu.memory_space<vmem>> -> memref<16x128xf32, #tpu.memory_space<vmem>>
        %get3A_518 = arith.index_cast %add3A_423 : i32 to index
        %get3A_519 = arith.constant 48 : index
        %get3A_520 = tpu.vector_load %get3A_517[%get3A_518, %get3A_519] {strides = array<i32>} : memref<16x128xf32, #tpu.memory_space<vmem>>, vector<16xf32>,
        %sub3A_521 = arith.subf %add3A_482, %get3A_520 : vector<16xf32>
        %abs3A_522 = math.absf %sub3A_521 : vector<16xf32>
        %add3A_523 = arith.addf %add3A_513, %abs3A_522 : vector<16xf32>
        tpu.vector_store_idx %arg20[%add3A_486], %add3A_523 : memref<272xf32, #tpu.memory_space<vmem>>[vector<16xi32>], vector<16xf32>,
        %add3A_524 = arith.constant 0 : i32
        %add3A_525 = vector.broadcast %add3A_524 : i32 to vector<16xi32>
        %add3A_526 = arith.addi %iota3A, %add3A_525 : vector<16xi32>
        %mul3A_527 = arith.constant 16 : i32
        %mul3A_528 = arith.muli %add3A_423, %mul3A_527 : i32
        %add3A_529 = arith.constant 0 : i32
        %add3A_530 = arith.addi %mul3A_528, %add3A_529 : i32
        %get3A_531 = arith.constant 0 : i32
        %get3A_532 = arith.constant 0 : i32
        %get3A_533 = tpu.memref_slice %arg17[%scan3A_329, %get3A_531, %get3A_532] : memref<2x256x128xf32, #tpu.memory_space<vmem>> -> memref<1x256x128xf32, #tpu.memory_space<vmem>>
        %get3A_534 = tpu.memref_squeeze %get3A_533 : memref<1x256x128xf32, #tpu.memory_space<vmem>> -> memref<256x128xf32, #tpu.memory_space<vmem>>
        %get3A_535 = arith.index_cast %add3A_530 : i32 to index
        %get3A_536 = arith.constant 0 : index
        %get3A_537 = tpu.vector_load %get3A_534[%get3A_535, %get3A_536] {strides = array<i32>} : memref<256x128xf32, #tpu.memory_space<vmem>>, vector<16xf32>,
        %sub3A_538 = arith.subf %add3A_437, %get3A_537 : vector<16xf32>
        %abs3A_539 = math.absf %sub3A_538 : vector<16xf32>
        %get3A_540 = arith.constant 0 : i32
        %get3A_541 = arith.constant 0 : i32
        %get3A_542 = tpu.memref_slice %arg17[%scan3A_329, %get3A_540, %get3A_541] : memref<2x256x128xf32, #tpu.memory_space<vmem>> -> memref<1x256x128xf32, #tpu.memory_space<vmem>>
        %get3A_543 = tpu.memref_squeeze %get3A_542 : memref<1x256x128xf32, #tpu.memory_space<vmem>> -> memref<256x128xf32, #tpu.memory_space<vmem>>
        %get3A_544 = arith.index_cast %add3A_530 : i32 to index
        %get3A_545 = arith.constant 16 : index
        %get3A_546 = tpu.vector_load %get3A_543[%get3A_544, %get3A_545] {strides = array<i32>} : memref<256x128xf32, #tpu.memory_space<vmem>>, vector<16xf32>,
        %sub3A_547 = arith.subf %add3A_452, %get3A_546 : vector<16xf32>
        %abs3A_548 = math.absf %sub3A_547 : vector<16xf32>
        %add3A_549 = arith.addf %abs3A_539, %abs3A_548 : vector<16xf32>
        %get3A_550 = arith.constant 0 : i32
        %get3A_551 = arith.constant 0 : i32
        %get3A_552 = tpu.memref_slice %arg17[%scan3A_329, %get3A_550, %get3A_551] : memref<2x256x128xf32, #tpu.memory_space<vmem>> -> memref<1x256x128xf32, #tpu.memory_space<vmem>>
        %get3A_553 = tpu.memref_squeeze %get3A_552 : memref<1x256x128xf32, #tpu.memory_space<vmem>> -> memref<256x128xf32, #tpu.memory_space<vmem>>
        %get3A_554 = arith.index_cast %add3A_530 : i32 to index
        %get3A_555 = arith.constant 32 : index
        %get3A_556 = tpu.vector_load %get3A_553[%get3A_554, %get3A_555] {strides = array<i32>} : memref<256x128xf32, #tpu.memory_space<vmem>>, vector<16xf32>,
        %sub3A_557 = arith.subf %add3A_467, %get3A_556 : vector<16xf32>
        %abs3A_558 = math.absf %sub3A_557 : vector<16xf32>
        %add3A_559 = arith.addf %add3A_549, %abs3A_558 : vector<16xf32>
        %get3A_560 = arith.constant 0 : i32
        %get3A_561 = arith.constant 0 : i32
        %get3A_562 = tpu.memref_slice %arg17[%scan3A_329, %get3A_560, %get3A_561] : memref<2x256x128xf32, #tpu.memory_space<vmem>> -> memref<1x256x128xf32, #tpu.memory_space<vmem>>
        %get3A_563 = tpu.memref_squeeze %get3A_562 : memref<1x256x128xf32, #tpu.memory_space<vmem>> -> memref<256x128xf32, #tpu.memory_space<vmem>>
        %get3A_564 = arith.index_cast %add3A_530 : i32 to index
        %get3A_565 = arith.constant 48 : index
        %get3A_566 = tpu.vector_load %get3A_563[%get3A_564, %get3A_565] {strides = array<i32>} : memref<256x128xf32, #tpu.memory_space<vmem>>, vector<16xf32>,
        %sub3A_567 = arith.subf %add3A_482, %get3A_566 : vector<16xf32>
        %abs3A_568 = math.absf %sub3A_567 : vector<16xf32>
        %add3A_569 = arith.addf %add3A_559, %abs3A_568 : vector<16xf32>
        tpu.vector_store_idx %arg21[%add3A_526], %add3A_569 : memref<272xf32, #tpu.memory_space<vmem>>[vector<16xi32>], vector<16xf32>,
        %add3A_570 = arith.constant 17 : i32
        %add3A_571 = vector.broadcast %add3A_570 : i32 to vector<16xi32>
        %add3A_572 = arith.addi %iota3A, %add3A_571 : vector<16xi32>
        %mul3A_573 = arith.constant 16 : i32
        %mul3A_574 = arith.muli %add3A_423, %mul3A_573 : i32
        %add3A_575 = arith.constant 1 : i32
        %add3A_576 = arith.addi %mul3A_574, %add3A_575 : i32
        %get3A_577 = arith.constant 0 : i32
        %get3A_578 = arith.constant 0 : i32
        %get3A_579 = tpu.memref_slice %arg17[%scan3A_329, %get3A_577, %get3A_578] : memref<2x256x128xf32, #tpu.memory_space<vmem>> -> memref<1x256x128xf32, #tpu.memory_space<vmem>>
        %get3A_580 = tpu.memref_squeeze %get3A_579 : memref<1x256x128xf32, #tpu.memory_space<vmem>> -> memref<256x128xf32, #tpu.memory_space<vmem>>
        %get3A_581 = arith.index_cast %add3A_576 : i32 to index
        %get3A_582 = arith.constant 0 : index
        %get3A_583 = tpu.vector_load %get3A_580[%get3A_581, %get3A_582] {strides = array<i32>} : memref<256x128xf32, #tpu.memory_space<vmem>>, vector<16xf32>,
        %sub3A_584 = arith.subf %add3A_437, %get3A_583 : vector<16xf32>
        %abs3A_585 = math.absf %sub3A_584 : vector<16xf32>
        %get3A_586 = arith.constant 0 : i32
        %get3A_587 = arith.constant 0 : i32
        %get3A_588 = tpu.memref_slice %arg17[%scan3A_329, %get3A_586, %get3A_587] : memref<2x256x128xf32, #tpu.memory_space<vmem>> -> memref<1x256x128xf32, #tpu.memory_space<vmem>>
        %get3A_589 = tpu.memref_squeeze %get3A_588 : memref<1x256x128xf32, #tpu.memory_space<vmem>> -> memref<256x128xf32, #tpu.memory_space<vmem>>
        %get3A_590 = arith.index_cast %add3A_576 : i32 to index
        %get3A_591 = arith.constant 16 : index
        %get3A_592 = tpu.vector_load %get3A_589[%get3A_590, %get3A_591] {strides = array<i32>} : memref<256x128xf32, #tpu.memory_space<vmem>>, vector<16xf32>,
        %sub3A_593 = arith.subf %add3A_452, %get3A_592 : vector<16xf32>
        %abs3A_594 = math.absf %sub3A_593 : vector<16xf32>
        %add3A_595 = arith.addf %abs3A_585, %abs3A_594 : vector<16xf32>
        %get3A_596 = arith.constant 0 : i32
        %get3A_597 = arith.constant 0 : i32
        %get3A_598 = tpu.memref_slice %arg17[%scan3A_329, %get3A_596, %get3A_597] : memref<2x256x128xf32, #tpu.memory_space<vmem>> -> memref<1x256x128xf32, #tpu.memory_space<vmem>>
        %get3A_599 = tpu.memref_squeeze %get3A_598 : memref<1x256x128xf32, #tpu.memory_space<vmem>> -> memref<256x128xf32, #tpu.memory_space<vmem>>
        %get3A_600 = arith.index_cast %add3A_576 : i32 to index
        %get3A_601 = arith.constant 32 : index
        %get3A_602 = tpu.vector_load %get3A_599[%get3A_600, %get3A_601] {strides = array<i32>} : memref<256x128xf32, #tpu.memory_space<vmem>>, vector<16xf32>,
        %sub3A_603 = arith.subf %add3A_467, %get3A_602 : vector<16xf32>
        %abs3A_604 = math.absf %sub3A_603 : vector<16xf32>
        %add3A_605 = arith.addf %add3A_595, %abs3A_604 : vector<16xf32>
        %get3A_606 = arith.constant 0 : i32
        %get3A_607 = arith.constant 0 : i32
        %get3A_608 = tpu.memref_slice %arg17[%scan3A_329, %get3A_606, %get3A_607] : memref<2x256x128xf32, #tpu.memory_space<vmem>> -> memref<1x256x128xf32, #tpu.memory_space<vmem>>
        %get3A_609 = tpu.memref_squeeze %get3A_608 : memref<1x256x128xf32, #tpu.memory_space<vmem>> -> memref<256x128xf32, #tpu.memory_space<vmem>>
        %get3A_610 = arith.index_cast %add3A_576 : i32 to index
        %get3A_611 = arith.constant 48 : index
        %get3A_612 = tpu.vector_load %get3A_609[%get3A_610, %get3A_611] {strides = array<i32>} : memref<256x128xf32, #tpu.memory_space<vmem>>, vector<16xf32>,
        %sub3A_613 = arith.subf %add3A_482, %get3A_612 : vector<16xf32>
        %abs3A_614 = math.absf %sub3A_613 : vector<16xf32>
        %add3A_615 = arith.addf %add3A_605, %abs3A_614 : vector<16xf32>
        tpu.vector_store_idx %arg21[%add3A_572], %add3A_615 : memref<272xf32, #tpu.memory_space<vmem>>[vector<16xi32>], vector<16xf32>,
        %add3A_616 = arith.constant 34 : i32
        %add3A_617 = vector.broadcast %add3A_616 : i32 to vector<16xi32>
        %add3A_618 = arith.addi %iota3A, %add3A_617 : vector<16xi32>
        %mul3A_619 = arith.constant 16 : i32
        %mul3A_620 = arith.muli %add3A_423, %mul3A_619 : i32
        %add3A_621 = arith.constant 2 : i32
        %add3A_622 = arith.addi %mul3A_620, %add3A_621 : i32
        %get3A_623 = arith.constant 0 : i32
        %get3A_624 = arith.constant 0 : i32
        %get3A_625 = tpu.memref_slice %arg17[%scan3A_329, %get3A_623, %get3A_624] : memref<2x256x128xf32, #tpu.memory_space<vmem>> -> memref<1x256x128xf32, #tpu.memory_space<vmem>>
        %get3A_626 = tpu.memref_squeeze %get3A_625 : memref<1x256x128xf32, #tpu.memory_space<vmem>> -> memref<256x128xf32, #tpu.memory_space<vmem>>
        %get3A_627 = arith.index_cast %add3A_622 : i32 to index
        %get3A_628 = arith.constant 0 : index
        %get3A_629 = tpu.vector_load %get3A_626[%get3A_627, %get3A_628] {strides = array<i32>} : memref<256x128xf32, #tpu.memory_space<vmem>>, vector<16xf32>,
        %sub3A_630 = arith.subf %add3A_437, %get3A_629 : vector<16xf32>
        %abs3A_631 = math.absf %sub3A_630 : vector<16xf32>
        %get3A_632 = arith.constant 0 : i32
        %get3A_633 = arith.constant 0 : i32
        %get3A_634 = tpu.memref_slice %arg17[%scan3A_329, %get3A_632, %get3A_633] : memref<2x256x128xf32, #tpu.memory_space<vmem>> -> memref<1x256x128xf32, #tpu.memory_space<vmem>>
        %get3A_635 = tpu.memref_squeeze %get3A_634 : memref<1x256x128xf32, #tpu.memory_space<vmem>> -> memref<256x128xf32, #tpu.memory_space<vmem>>
        %get3A_636 = arith.index_cast %add3A_622 : i32 to index
        %get3A_637 = arith.constant 16 : index
        %get3A_638 = tpu.vector_load %get3A_635[%get3A_636, %get3A_637] {strides = array<i32>} : memref<256x128xf32, #tpu.memory_space<vmem>>, vector<16xf32>,
        %sub3A_639 = arith.subf %add3A_452, %get3A_638 : vector<16xf32>
        %abs3A_640 = math.absf %sub3A_639 : vector<16xf32>
        %add3A_641 = arith.addf %abs3A_631, %abs3A_640 : vector<16xf32>
        %get3A_642 = arith.constant 0 : i32
        %get3A_643 = arith.constant 0 : i32
        %get3A_644 = tpu.memref_slice %arg17[%scan3A_329, %get3A_642, %get3A_643] : memref<2x256x128xf32, #tpu.memory_space<vmem>> -> memref<1x256x128xf32, #tpu.memory_space<vmem>>
        %get3A_645 = tpu.memref_squeeze %get3A_644 : memref<1x256x128xf32, #tpu.memory_space<vmem>> -> memref<256x128xf32, #tpu.memory_space<vmem>>
        %get3A_646 = arith.index_cast %add3A_622 : i32 to index
        %get3A_647 = arith.constant 32 : index
        %get3A_648 = tpu.vector_load %get3A_645[%get3A_646, %get3A_647] {strides = array<i32>} : memref<256x128xf32, #tpu.memory_space<vmem>>, vector<16xf32>,
        %sub3A_649 = arith.subf %add3A_467, %get3A_648 : vector<16xf32>
        %abs3A_650 = math.absf %sub3A_649 : vector<16xf32>
        %add3A_651 = arith.addf %add3A_641, %abs3A_650 : vector<16xf32>
        %get3A_652 = arith.constant 0 : i32
        %get3A_653 = arith.constant 0 : i32
        %get3A_654 = tpu.memref_slice %arg17[%scan3A_329, %get3A_652, %get3A_653] : memref<2x256x128xf32, #tpu.memory_space<vmem>> -> memref<1x256x128xf32, #tpu.memory_space<vmem>>
        %get3A_655 = tpu.memref_squeeze %get3A_654 : memref<1x256x128xf32, #tpu.memory_space<vmem>> -> memref<256x128xf32, #tpu.memory_space<vmem>>
        %get3A_656 = arith.index_cast %add3A_622 : i32 to index
        %get3A_657 = arith.constant 48 : index
        %get3A_658 = tpu.vector_load %get3A_655[%get3A_656, %get3A_657] {strides = array<i32>} : memref<256x128xf32, #tpu.memory_space<vmem>>, vector<16xf32>,
        %sub3A_659 = arith.subf %add3A_482, %get3A_658 : vector<16xf32>
        %abs3A_660 = math.absf %sub3A_659 : vector<16xf32>
        %add3A_661 = arith.addf %add3A_651, %abs3A_660 : vector<16xf32>
        tpu.vector_store_idx %arg21[%add3A_618], %add3A_661 : memref<272xf32, #tpu.memory_space<vmem>>[vector<16xi32>], vector<16xf32>,
        %add3A_662 = arith.constant 51 : i32
        %add3A_663 = vector.broadcast %add3A_662 : i32 to vector<16xi32>
        %add3A_664 = arith.addi %iota3A, %add3A_663 : vector<16xi32>
        %mul3A_665 = arith.constant 16 : i32
        %mul3A_666 = arith.muli %add3A_423, %mul3A_665 : i32
        %add3A_667 = arith.constant 3 : i32
        %add3A_668 = arith.addi %mul3A_666, %add3A_667 : i32
        %get3A_669 = arith.constant 0 : i32
        %get3A_670 = arith.constant 0 : i32
        %get3A_671 = tpu.memref_slice %arg17[%scan3A_329, %get3A_669, %get3A_670] : memref<2x256x128xf32, #tpu.memory_space<vmem>> -> memref<1x256x128xf32, #tpu.memory_space<vmem>>
        %get3A_672 = tpu.memref_squeeze %get3A_671 : memref<1x256x128xf32, #tpu.memory_space<vmem>> -> memref<256x128xf32, #tpu.memory_space<vmem>>
        %get3A_673 = arith.index_cast %add3A_668 : i32 to index
        %get3A_674 = arith.constant 0 : index
        %get3A_675 = tpu.vector_load %get3A_672[%get3A_673, %get3A_674] {strides = array<i32>} : memref<256x128xf32, #tpu.memory_space<vmem>>, vector<16xf32>,
        %sub3A_676 = arith.subf %add3A_437, %get3A_675 : vector<16xf32>
        %abs3A_677 = math.absf %sub3A_676 : vector<16xf32>
        %get3A_678 = arith.constant 0 : i32
        %get3A_679 = arith.constant 0 : i32
        %get3A_680 = tpu.memref_slice %arg17[%scan3A_329, %get3A_678, %get3A_679] : memref<2x256x128xf32, #tpu.memory_space<vmem>> -> memref<1x256x128xf32, #tpu.memory_space<vmem>>
        %get3A_681 = tpu.memref_squeeze %get3A_680 : memref<1x256x128xf32, #tpu.memory_space<vmem>> -> memref<256x128xf32, #tpu.memory_space<vmem>>
        %get3A_682 = arith.index_cast %add3A_668 : i32 to index
        %get3A_683 = arith.constant 16 : index
        %get3A_684 = tpu.vector_load %get3A_681[%get3A_682, %get3A_683] {strides = array<i32>} : memref<256x128xf32, #tpu.memory_space<vmem>>, vector<16xf32>,
        %sub3A_685 = arith.subf %add3A_452, %get3A_684 : vector<16xf32>
        %abs3A_686 = math.absf %sub3A_685 : vector<16xf32>
        %add3A_687 = arith.addf %abs3A_677, %abs3A_686 : vector<16xf32>
        %get3A_688 = arith.constant 0 : i32
        %get3A_689 = arith.constant 0 : i32
        %get3A_690 = tpu.memref_slice %arg17[%scan3A_329, %get3A_688, %get3A_689] : memref<2x256x128xf32, #tpu.memory_space<vmem>> -> memref<1x256x128xf32, #tpu.memory_space<vmem>>
        %get3A_691 = tpu.memref_squeeze %get3A_690 : memref<1x256x128xf32, #tpu.memory_space<vmem>> -> memref<256x128xf32, #tpu.memory_space<vmem>>
        %get3A_692 = arith.index_cast %add3A_668 : i32 to index
        %get3A_693 = arith.constant 32 : index
        %get3A_694 = tpu.vector_load %get3A_691[%get3A_692, %get3A_693] {strides = array<i32>} : memref<256x128xf32, #tpu.memory_space<vmem>>, vector<16xf32>,
        %sub3A_695 = arith.subf %add3A_467, %get3A_694 : vector<16xf32>
        %abs3A_696 = math.absf %sub3A_695 : vector<16xf32>
        %add3A_697 = arith.addf %add3A_687, %abs3A_696 : vector<16xf32>
        %get3A_698 = arith.constant 0 : i32
        %get3A_699 = arith.constant 0 : i32
        %get3A_700 = tpu.memref_slice %arg17[%scan3A_329, %get3A_698, %get3A_699] : memref<2x256x128xf32, #tpu.memory_space<vmem>> -> memref<1x256x128xf32, #tpu.memory_space<vmem>>
        %get3A_701 = tpu.memref_squeeze %get3A_700 : memref<1x256x128xf32, #tpu.memory_space<vmem>> -> memref<256x128xf32, #tpu.memory_space<vmem>>
        %get3A_702 = arith.index_cast %add3A_668 : i32 to index
        %get3A_703 = arith.constant 48 : index
        %get3A_704 = tpu.vector_load %get3A_701[%get3A_702, %get3A_703] {strides = array<i32>} : memref<256x128xf32, #tpu.memory_space<vmem>>, vector<16xf32>,
        %sub3A_705 = arith.subf %add3A_482, %get3A_704 : vector<16xf32>
        %abs3A_706 = math.absf %sub3A_705 : vector<16xf32>
        %add3A_707 = arith.addf %add3A_697, %abs3A_706 : vector<16xf32>
        tpu.vector_store_idx %arg21[%add3A_664], %add3A_707 : memref<272xf32, #tpu.memory_space<vmem>>[vector<16xi32>], vector<16xf32>,
        %add3A_708 = arith.constant 68 : i32
        %add3A_709 = vector.broadcast %add3A_708 : i32 to vector<16xi32>
        %add3A_710 = arith.addi %iota3A, %add3A_709 : vector<16xi32>
        %mul3A_711 = arith.constant 16 : i32
        %mul3A_712 = arith.muli %add3A_423, %mul3A_711 : i32
        %add3A_713 = arith.constant 4 : i32
        %add3A_714 = arith.addi %mul3A_712, %add3A_713 : i32
        %get3A_715 = arith.constant 0 : i32
        %get3A_716 = arith.constant 0 : i32
        %get3A_717 = tpu.memref_slice %arg17[%scan3A_329, %get3A_715, %get3A_716] : memref<2x256x128xf32, #tpu.memory_space<vmem>> -> memref<1x256x128xf32, #tpu.memory_space<vmem>>
        %get3A_718 = tpu.memref_squeeze %get3A_717 : memref<1x256x128xf32, #tpu.memory_space<vmem>> -> memref<256x128xf32, #tpu.memory_space<vmem>>
        %get3A_719 = arith.index_cast %add3A_714 : i32 to index
        %get3A_720 = arith.constant 0 : index
        %get3A_721 = tpu.vector_load %get3A_718[%get3A_719, %get3A_720] {strides = array<i32>} : memref<256x128xf32, #tpu.memory_space<vmem>>, vector<16xf32>,
        %sub3A_722 = arith.subf %add3A_437, %get3A_721 : vector<16xf32>
        %abs3A_723 = math.absf %sub3A_722 : vector<16xf32>
        %get3A_724 = arith.constant 0 : i32
        %get3A_725 = arith.constant 0 : i32
        %get3A_726 = tpu.memref_slice %arg17[%scan3A_329, %get3A_724, %get3A_725] : memref<2x256x128xf32, #tpu.memory_space<vmem>> -> memref<1x256x128xf32, #tpu.memory_space<vmem>>
        %get3A_727 = tpu.memref_squeeze %get3A_726 : memref<1x256x128xf32, #tpu.memory_space<vmem>> -> memref<256x128xf32, #tpu.memory_space<vmem>>
        %get3A_728 = arith.index_cast %add3A_714 : i32 to index
        %get3A_729 = arith.constant 16 : index
        %get3A_730 = tpu.vector_load %get3A_727[%get3A_728, %get3A_729] {strides = array<i32>} : memref<256x128xf32, #tpu.memory_space<vmem>>, vector<16xf32>,
        %sub3A_731 = arith.subf %add3A_452, %get3A_730 : vector<16xf32>
        %abs3A_732 = math.absf %sub3A_731 : vector<16xf32>
        %add3A_733 = arith.addf %abs3A_723, %abs3A_732 : vector<16xf32>
        %get3A_734 = arith.constant 0 : i32
        %get3A_735 = arith.constant 0 : i32
        %get3A_736 = tpu.memref_slice %arg17[%scan3A_329, %get3A_734, %get3A_735] : memref<2x256x128xf32, #tpu.memory_space<vmem>> -> memref<1x256x128xf32, #tpu.memory_space<vmem>>
        %get3A_737 = tpu.memref_squeeze %get3A_736 : memref<1x256x128xf32, #tpu.memory_space<vmem>> -> memref<256x128xf32, #tpu.memory_space<vmem>>
        %get3A_738 = arith.index_cast %add3A_714 : i32 to index
        %get3A_739 = arith.constant 32 : index
        %get3A_740 = tpu.vector_load %get3A_737[%get3A_738, %get3A_739] {strides = array<i32>} : memref<256x128xf32, #tpu.memory_space<vmem>>, vector<16xf32>,
        %sub3A_741 = arith.subf %add3A_467, %get3A_740 : vector<16xf32>
        %abs3A_742 = math.absf %sub3A_741 : vector<16xf32>
        %add3A_743 = arith.addf %add3A_733, %abs3A_742 : vector<16xf32>
        %get3A_744 = arith.constant 0 : i32
        %get3A_745 = arith.constant 0 : i32
        %get3A_746 = tpu.memref_slice %arg17[%scan3A_329, %get3A_744, %get3A_745] : memref<2x256x128xf32, #tpu.memory_space<vmem>> -> memref<1x256x128xf32, #tpu.memory_space<vmem>>
        %get3A_747 = tpu.memref_squeeze %get3A_746 : memref<1x256x128xf32, #tpu.memory_space<vmem>> -> memref<256x128xf32, #tpu.memory_space<vmem>>
        %get3A_748 = arith.index_cast %add3A_714 : i32 to index
        %get3A_749 = arith.constant 48 : index
        %get3A_750 = tpu.vector_load %get3A_747[%get3A_748, %get3A_749] {strides = array<i32>} : memref<256x128xf32, #tpu.memory_space<vmem>>, vector<16xf32>,
        %sub3A_751 = arith.subf %add3A_482, %get3A_750 : vector<16xf32>
        %abs3A_752 = math.absf %sub3A_751 : vector<16xf32>
        %add3A_753 = arith.addf %add3A_743, %abs3A_752 : vector<16xf32>
        tpu.vector_store_idx %arg21[%add3A_710], %add3A_753 : memref<272xf32, #tpu.memory_space<vmem>>[vector<16xi32>], vector<16xf32>,
        %add3A_754 = arith.constant 85 : i32
        %add3A_755 = vector.broadcast %add3A_754 : i32 to vector<16xi32>
        %add3A_756 = arith.addi %iota3A, %add3A_755 : vector<16xi32>
        %mul3A_757 = arith.constant 16 : i32
        %mul3A_758 = arith.muli %add3A_423, %mul3A_757 : i32
        %add3A_759 = arith.constant 5 : i32
        %add3A_760 = arith.addi %mul3A_758, %add3A_759 : i32
        %get3A_761 = arith.constant 0 : i32
        %get3A_762 = arith.constant 0 : i32
        %get3A_763 = tpu.memref_slice %arg17[%scan3A_329, %get3A_761, %get3A_762] : memref<2x256x128xf32, #tpu.memory_space<vmem>> -> memref<1x256x128xf32, #tpu.memory_space<vmem>>
        %get3A_764 = tpu.memref_squeeze %get3A_763 : memref<1x256x128xf32, #tpu.memory_space<vmem>> -> memref<256x128xf32, #tpu.memory_space<vmem>>
        %get3A_765 = arith.index_cast %add3A_760 : i32 to index
        %get3A_766 = arith.constant 0 : index
        %get3A_767 = tpu.vector_load %get3A_764[%get3A_765, %get3A_766] {strides = array<i32>} : memref<256x128xf32, #tpu.memory_space<vmem>>, vector<16xf32>,
        %sub3A_768 = arith.subf %add3A_437, %get3A_767 : vector<16xf32>
        %abs3A_769 = math.absf %sub3A_768 : vector<16xf32>
        %get3A_770 = arith.constant 0 : i32
        %get3A_771 = arith.constant 0 : i32
        %get3A_772 = tpu.memref_slice %arg17[%scan3A_329, %get3A_770, %get3A_771] : memref<2x256x128xf32, #tpu.memory_space<vmem>> -> memref<1x256x128xf32, #tpu.memory_space<vmem>>
        %get3A_773 = tpu.memref_squeeze %get3A_772 : memref<1x256x128xf32, #tpu.memory_space<vmem>> -> memref<256x128xf32, #tpu.memory_space<vmem>>
        %get3A_774 = arith.index_cast %add3A_760 : i32 to index
        %get3A_775 = arith.constant 16 : index
        %get3A_776 = tpu.vector_load %get3A_773[%get3A_774, %get3A_775] {strides = array<i32>} : memref<256x128xf32, #tpu.memory_space<vmem>>, vector<16xf32>,
        %sub3A_777 = arith.subf %add3A_452, %get3A_776 : vector<16xf32>
        %abs3A_778 = math.absf %sub3A_777 : vector<16xf32>
        %add3A_779 = arith.addf %abs3A_769, %abs3A_778 : vector<16xf32>
        %get3A_780 = arith.constant 0 : i32
        %get3A_781 = arith.constant 0 : i32
        %get3A_782 = tpu.memref_slice %arg17[%scan3A_329, %get3A_780, %get3A_781] : memref<2x256x128xf32, #tpu.memory_space<vmem>> -> memref<1x256x128xf32, #tpu.memory_space<vmem>>
        %get3A_783 = tpu.memref_squeeze %get3A_782 : memref<1x256x128xf32, #tpu.memory_space<vmem>> -> memref<256x128xf32, #tpu.memory_space<vmem>>
        %get3A_784 = arith.index_cast %add3A_760 : i32 to index
        %get3A_785 = arith.constant 32 : index
        %get3A_786 = tpu.vector_load %get3A_783[%get3A_784, %get3A_785] {strides = array<i32>} : memref<256x128xf32, #tpu.memory_space<vmem>>, vector<16xf32>,
        %sub3A_787 = arith.subf %add3A_467, %get3A_786 : vector<16xf32>
        %abs3A_788 = math.absf %sub3A_787 : vector<16xf32>
        %add3A_789 = arith.addf %add3A_779, %abs3A_788 : vector<16xf32>
        %get3A_790 = arith.constant 0 : i32
        %get3A_791 = arith.constant 0 : i32
        %get3A_792 = tpu.memref_slice %arg17[%scan3A_329, %get3A_790, %get3A_791] : memref<2x256x128xf32, #tpu.memory_space<vmem>> -> memref<1x256x128xf32, #tpu.memory_space<vmem>>
        %get3A_793 = tpu.memref_squeeze %get3A_792 : memref<1x256x128xf32, #tpu.memory_space<vmem>> -> memref<256x128xf32, #tpu.memory_space<vmem>>
        %get3A_794 = arith.index_cast %add3A_760 : i32 to index
        %get3A_795 = arith.constant 48 : index
        %get3A_796 = tpu.vector_load %get3A_793[%get3A_794, %get3A_795] {strides = array<i32>} : memref<256x128xf32, #tpu.memory_space<vmem>>, vector<16xf32>,
        %sub3A_797 = arith.subf %add3A_482, %get3A_796 : vector<16xf32>
        %abs3A_798 = math.absf %sub3A_797 : vector<16xf32>
        %add3A_799 = arith.addf %add3A_789, %abs3A_798 : vector<16xf32>
        tpu.vector_store_idx %arg21[%add3A_756], %add3A_799 : memref<272xf32, #tpu.memory_space<vmem>>[vector<16xi32>], vector<16xf32>,
        %add3A_800 = arith.constant 102 : i32
        %add3A_801 = vector.broadcast %add3A_800 : i32 to vector<16xi32>
        %add3A_802 = arith.addi %iota3A, %add3A_801 : vector<16xi32>
        %mul3A_803 = arith.constant 16 : i32
        %mul3A_804 = arith.muli %add3A_423, %mul3A_803 : i32
        %add3A_805 = arith.constant 6 : i32
        %add3A_806 = arith.addi %mul3A_804, %add3A_805 : i32
        %get3A_807 = arith.constant 0 : i32
        %get3A_808 = arith.constant 0 : i32
        %get3A_809 = tpu.memref_slice %arg17[%scan3A_329, %get3A_807, %get3A_808] : memref<2x256x128xf32, #tpu.memory_space<vmem>> -> memref<1x256x128xf32, #tpu.memory_space<vmem>>
        %get3A_810 = tpu.memref_squeeze %get3A_809 : memref<1x256x128xf32, #tpu.memory_space<vmem>> -> memref<256x128xf32, #tpu.memory_space<vmem>>
        %get3A_811 = arith.index_cast %add3A_806 : i32 to index
        %get3A_812 = arith.constant 0 : index
        %get3A_813 = tpu.vector_load %get3A_810[%get3A_811, %get3A_812] {strides = array<i32>} : memref<256x128xf32, #tpu.memory_space<vmem>>, vector<16xf32>,
        %sub3A_814 = arith.subf %add3A_437, %get3A_813 : vector<16xf32>
        %abs3A_815 = math.absf %sub3A_814 : vector<16xf32>
        %get3A_816 = arith.constant 0 : i32
        %get3A_817 = arith.constant 0 : i32
        %get3A_818 = tpu.memref_slice %arg17[%scan3A_329, %get3A_816, %get3A_817] : memref<2x256x128xf32, #tpu.memory_space<vmem>> -> memref<1x256x128xf32, #tpu.memory_space<vmem>>
        %get3A_819 = tpu.memref_squeeze %get3A_818 : memref<1x256x128xf32, #tpu.memory_space<vmem>> -> memref<256x128xf32, #tpu.memory_space<vmem>>
        %get3A_820 = arith.index_cast %add3A_806 : i32 to index
        %get3A_821 = arith.constant 16 : index
        %get3A_822 = tpu.vector_load %get3A_819[%get3A_820, %get3A_821] {strides = array<i32>} : memref<256x128xf32, #tpu.memory_space<vmem>>, vector<16xf32>,
        %sub3A_823 = arith.subf %add3A_452, %get3A_822 : vector<16xf32>
        %abs3A_824 = math.absf %sub3A_823 : vector<16xf32>
        %add3A_825 = arith.addf %abs3A_815, %abs3A_824 : vector<16xf32>
        %get3A_826 = arith.constant 0 : i32
        %get3A_827 = arith.constant 0 : i32
        %get3A_828 = tpu.memref_slice %arg17[%scan3A_329, %get3A_826, %get3A_827] : memref<2x256x128xf32, #tpu.memory_space<vmem>> -> memref<1x256x128xf32, #tpu.memory_space<vmem>>
        %get3A_829 = tpu.memref_squeeze %get3A_828 : memref<1x256x128xf32, #tpu.memory_space<vmem>> -> memref<256x128xf32, #tpu.memory_space<vmem>>
        %get3A_830 = arith.index_cast %add3A_806 : i32 to index
        %get3A_831 = arith.constant 32 : index
        %get3A_832 = tpu.vector_load %get3A_829[%get3A_830, %get3A_831] {strides = array<i32>} : memref<256x128xf32, #tpu.memory_space<vmem>>, vector<16xf32>,
        %sub3A_833 = arith.subf %add3A_467, %get3A_832 : vector<16xf32>
        %abs3A_834 = math.absf %sub3A_833 : vector<16xf32>
        %add3A_835 = arith.addf %add3A_825, %abs3A_834 : vector<16xf32>
        %get3A_836 = arith.constant 0 : i32
        %get3A_837 = arith.constant 0 : i32
        %get3A_838 = tpu.memref_slice %arg17[%scan3A_329, %get3A_836, %get3A_837] : memref<2x256x128xf32, #tpu.memory_space<vmem>> -> memref<1x256x128xf32, #tpu.memory_space<vmem>>
        %get3A_839 = tpu.memref_squeeze %get3A_838 : memref<1x256x128xf32, #tpu.memory_space<vmem>> -> memref<256x128xf32, #tpu.memory_space<vmem>>
        %get3A_840 = arith.index_cast %add3A_806 : i32 to index
        %get3A_841 = arith.constant 48 : index
        %get3A_842 = tpu.vector_load %get3A_839[%get3A_840, %get3A_841] {strides = array<i32>} : memref<256x128xf32, #tpu.memory_space<vmem>>, vector<16xf32>,
        %sub3A_843 = arith.subf %add3A_482, %get3A_842 : vector<16xf32>
        %abs3A_844 = math.absf %sub3A_843 : vector<16xf32>
        %add3A_845 = arith.addf %add3A_835, %abs3A_844 : vector<16xf32>
        tpu.vector_store_idx %arg21[%add3A_802], %add3A_845 : memref<272xf32, #tpu.memory_space<vmem>>[vector<16xi32>], vector<16xf32>,
        %add3A_846 = arith.constant 119 : i32
        %add3A_847 = vector.broadcast %add3A_846 : i32 to vector<16xi32>
        %add3A_848 = arith.addi %iota3A, %add3A_847 : vector<16xi32>
        %mul3A_849 = arith.constant 16 : i32
        %mul3A_850 = arith.muli %add3A_423, %mul3A_849 : i32
        %add3A_851 = arith.constant 7 : i32
        %add3A_852 = arith.addi %mul3A_850, %add3A_851 : i32
        %get3A_853 = arith.constant 0 : i32
        %get3A_854 = arith.constant 0 : i32
        %get3A_855 = tpu.memref_slice %arg17[%scan3A_329, %get3A_853, %get3A_854] : memref<2x256x128xf32, #tpu.memory_space<vmem>> -> memref<1x256x128xf32, #tpu.memory_space<vmem>>
        %get3A_856 = tpu.memref_squeeze %get3A_855 : memref<1x256x128xf32, #tpu.memory_space<vmem>> -> memref<256x128xf32, #tpu.memory_space<vmem>>
        %get3A_857 = arith.index_cast %add3A_852 : i32 to index
        %get3A_858 = arith.constant 0 : index
        %get3A_859 = tpu.vector_load %get3A_856[%get3A_857, %get3A_858] {strides = array<i32>} : memref<256x128xf32, #tpu.memory_space<vmem>>, vector<16xf32>,
        %sub3A_860 = arith.subf %add3A_437, %get3A_859 : vector<16xf32>
        %abs3A_861 = math.absf %sub3A_860 : vector<16xf32>
        %get3A_862 = arith.constant 0 : i32
        %get3A_863 = arith.constant 0 : i32
        %get3A_864 = tpu.memref_slice %arg17[%scan3A_329, %get3A_862, %get3A_863] : memref<2x256x128xf32, #tpu.memory_space<vmem>> -> memref<1x256x128xf32, #tpu.memory_space<vmem>>
        %get3A_865 = tpu.memref_squeeze %get3A_864 : memref<1x256x128xf32, #tpu.memory_space<vmem>> -> memref<256x128xf32, #tpu.memory_space<vmem>>
        %get3A_866 = arith.index_cast %add3A_852 : i32 to index
        %get3A_867 = arith.constant 16 : index
        %get3A_868 = tpu.vector_load %get3A_865[%get3A_866, %get3A_867] {strides = array<i32>} : memref<256x128xf32, #tpu.memory_space<vmem>>, vector<16xf32>,
        %sub3A_869 = arith.subf %add3A_452, %get3A_868 : vector<16xf32>
        %abs3A_870 = math.absf %sub3A_869 : vector<16xf32>
        %add3A_871 = arith.addf %abs3A_861, %abs3A_870 : vector<16xf32>
        %get3A_872 = arith.constant 0 : i32
        %get3A_873 = arith.constant 0 : i32
        %get3A_874 = tpu.memref_slice %arg17[%scan3A_329, %get3A_872, %get3A_873] : memref<2x256x128xf32, #tpu.memory_space<vmem>> -> memref<1x256x128xf32, #tpu.memory_space<vmem>>
        %get3A_875 = tpu.memref_squeeze %get3A_874 : memref<1x256x128xf32, #tpu.memory_space<vmem>> -> memref<256x128xf32, #tpu.memory_space<vmem>>
        %get3A_876 = arith.index_cast %add3A_852 : i32 to index
        %get3A_877 = arith.constant 32 : index
        %get3A_878 = tpu.vector_load %get3A_875[%get3A_876, %get3A_877] {strides = array<i32>} : memref<256x128xf32, #tpu.memory_space<vmem>>, vector<16xf32>,
        %sub3A_879 = arith.subf %add3A_467, %get3A_878 : vector<16xf32>
        %abs3A_880 = math.absf %sub3A_879 : vector<16xf32>
        %add3A_881 = arith.addf %add3A_871, %abs3A_880 : vector<16xf32>
        %get3A_882 = arith.constant 0 : i32
        %get3A_883 = arith.constant 0 : i32
        %get3A_884 = tpu.memref_slice %arg17[%scan3A_329, %get3A_882, %get3A_883] : memref<2x256x128xf32, #tpu.memory_space<vmem>> -> memref<1x256x128xf32, #tpu.memory_space<vmem>>
        %get3A_885 = tpu.memref_squeeze %get3A_884 : memref<1x256x128xf32, #tpu.memory_space<vmem>> -> memref<256x128xf32, #tpu.memory_space<vmem>>
        %get3A_886 = arith.index_cast %add3A_852 : i32 to index
        %get3A_887 = arith.constant 48 : index
        %get3A_888 = tpu.vector_load %get3A_885[%get3A_886, %get3A_887] {strides = array<i32>} : memref<256x128xf32, #tpu.memory_space<vmem>>, vector<16xf32>,
        %sub3A_889 = arith.subf %add3A_482, %get3A_888 : vector<16xf32>
        %abs3A_890 = math.absf %sub3A_889 : vector<16xf32>
        %add3A_891 = arith.addf %add3A_881, %abs3A_890 : vector<16xf32>
        tpu.vector_store_idx %arg21[%add3A_848], %add3A_891 : memref<272xf32, #tpu.memory_space<vmem>>[vector<16xi32>], vector<16xf32>,
        %add3A_892 = arith.constant 136 : i32
        %add3A_893 = vector.broadcast %add3A_892 : i32 to vector<16xi32>
        %add3A_894 = arith.addi %iota3A, %add3A_893 : vector<16xi32>
        %mul3A_895 = arith.constant 16 : i32
        %mul3A_896 = arith.muli %add3A_423, %mul3A_895 : i32
        %add3A_897 = arith.constant 8 : i32
        %add3A_898 = arith.addi %mul3A_896, %add3A_897 : i32
        %get3A_899 = arith.constant 0 : i32
        %get3A_900 = arith.constant 0 : i32
        %get3A_901 = tpu.memref_slice %arg17[%scan3A_329, %get3A_899, %get3A_900] : memref<2x256x128xf32, #tpu.memory_space<vmem>> -> memref<1x256x128xf32, #tpu.memory_space<vmem>>
        %get3A_902 = tpu.memref_squeeze %get3A_901 : memref<1x256x128xf32, #tpu.memory_space<vmem>> -> memref<256x128xf32, #tpu.memory_space<vmem>>
        %get3A_903 = arith.index_cast %add3A_898 : i32 to index
        %get3A_904 = arith.constant 0 : index
        %get3A_905 = tpu.vector_load %get3A_902[%get3A_903, %get3A_904] {strides = array<i32>} : memref<256x128xf32, #tpu.memory_space<vmem>>, vector<16xf32>,
        %sub3A_906 = arith.subf %add3A_437, %get3A_905 : vector<16xf32>
        %abs3A_907 = math.absf %sub3A_906 : vector<16xf32>
        %get3A_908 = arith.constant 0 : i32
        %get3A_909 = arith.constant 0 : i32
        %get3A_910 = tpu.memref_slice %arg17[%scan3A_329, %get3A_908, %get3A_909] : memref<2x256x128xf32, #tpu.memory_space<vmem>> -> memref<1x256x128xf32, #tpu.memory_space<vmem>>
        %get3A_911 = tpu.memref_squeeze %get3A_910 : memref<1x256x128xf32, #tpu.memory_space<vmem>> -> memref<256x128xf32, #tpu.memory_space<vmem>>
        %get3A_912 = arith.index_cast %add3A_898 : i32 to index
        %get3A_913 = arith.constant 16 : index
        %get3A_914 = tpu.vector_load %get3A_911[%get3A_912, %get3A_913] {strides = array<i32>} : memref<256x128xf32, #tpu.memory_space<vmem>>, vector<16xf32>,
        %sub3A_915 = arith.subf %add3A_452, %get3A_914 : vector<16xf32>
        %abs3A_916 = math.absf %sub3A_915 : vector<16xf32>
        %add3A_917 = arith.addf %abs3A_907, %abs3A_916 : vector<16xf32>
        %get3A_918 = arith.constant 0 : i32
        %get3A_919 = arith.constant 0 : i32
        %get3A_920 = tpu.memref_slice %arg17[%scan3A_329, %get3A_918, %get3A_919] : memref<2x256x128xf32, #tpu.memory_space<vmem>> -> memref<1x256x128xf32, #tpu.memory_space<vmem>>
        %get3A_921 = tpu.memref_squeeze %get3A_920 : memref<1x256x128xf32, #tpu.memory_space<vmem>> -> memref<256x128xf32, #tpu.memory_space<vmem>>
        %get3A_922 = arith.index_cast %add3A_898 : i32 to index
        %get3A_923 = arith.constant 32 : index
        %get3A_924 = tpu.vector_load %get3A_921[%get3A_922, %get3A_923] {strides = array<i32>} : memref<256x128xf32, #tpu.memory_space<vmem>>, vector<16xf32>,
        %sub3A_925 = arith.subf %add3A_467, %get3A_924 : vector<16xf32>
        %abs3A_926 = math.absf %sub3A_925 : vector<16xf32>
        %add3A_927 = arith.addf %add3A_917, %abs3A_926 : vector<16xf32>
        %get3A_928 = arith.constant 0 : i32
        %get3A_929 = arith.constant 0 : i32
        %get3A_930 = tpu.memref_slice %arg17[%scan3A_329, %get3A_928, %get3A_929] : memref<2x256x128xf32, #tpu.memory_space<vmem>> -> memref<1x256x128xf32, #tpu.memory_space<vmem>>
        %get3A_931 = tpu.memref_squeeze %get3A_930 : memref<1x256x128xf32, #tpu.memory_space<vmem>> -> memref<256x128xf32, #tpu.memory_space<vmem>>
        %get3A_932 = arith.index_cast %add3A_898 : i32 to index
        %get3A_933 = arith.constant 48 : index
        %get3A_934 = tpu.vector_load %get3A_931[%get3A_932, %get3A_933] {strides = array<i32>} : memref<256x128xf32, #tpu.memory_space<vmem>>, vector<16xf32>,
        %sub3A_935 = arith.subf %add3A_482, %get3A_934 : vector<16xf32>
        %abs3A_936 = math.absf %sub3A_935 : vector<16xf32>
        %add3A_937 = arith.addf %add3A_927, %abs3A_936 : vector<16xf32>
        tpu.vector_store_idx %arg21[%add3A_894], %add3A_937 : memref<272xf32, #tpu.memory_space<vmem>>[vector<16xi32>], vector<16xf32>,
        %add3A_938 = arith.constant 153 : i32
        %add3A_939 = vector.broadcast %add3A_938 : i32 to vector<16xi32>
        %add3A_940 = arith.addi %iota3A, %add3A_939 : vector<16xi32>
        %mul3A_941 = arith.constant 16 : i32
        %mul3A_942 = arith.muli %add3A_423, %mul3A_941 : i32
        %add3A_943 = arith.constant 9 : i32
        %add3A_944 = arith.addi %mul3A_942, %add3A_943 : i32
        %get3A_945 = arith.constant 0 : i32
        %get3A_946 = arith.constant 0 : i32
        %get3A_947 = tpu.memref_slice %arg17[%scan3A_329, %get3A_945, %get3A_946] : memref<2x256x128xf32, #tpu.memory_space<vmem>> -> memref<1x256x128xf32, #tpu.memory_space<vmem>>
        %get3A_948 = tpu.memref_squeeze %get3A_947 : memref<1x256x128xf32, #tpu.memory_space<vmem>> -> memref<256x128xf32, #tpu.memory_space<vmem>>
        %get3A_949 = arith.index_cast %add3A_944 : i32 to index
        %get3A_950 = arith.constant 0 : index
        %get3A_951 = tpu.vector_load %get3A_948[%get3A_949, %get3A_950] {strides = array<i32>} : memref<256x128xf32, #tpu.memory_space<vmem>>, vector<16xf32>,
        %sub3A_952 = arith.subf %add3A_437, %get3A_951 : vector<16xf32>
        %abs3A_953 = math.absf %sub3A_952 : vector<16xf32>
        %get3A_954 = arith.constant 0 : i32
        %get3A_955 = arith.constant 0 : i32
        %get3A_956 = tpu.memref_slice %arg17[%scan3A_329, %get3A_954, %get3A_955] : memref<2x256x128xf32, #tpu.memory_space<vmem>> -> memref<1x256x128xf32, #tpu.memory_space<vmem>>
        %get3A_957 = tpu.memref_squeeze %get3A_956 : memref<1x256x128xf32, #tpu.memory_space<vmem>> -> memref<256x128xf32, #tpu.memory_space<vmem>>
        %get3A_958 = arith.index_cast %add3A_944 : i32 to index
        %get3A_959 = arith.constant 16 : index
        %get3A_960 = tpu.vector_load %get3A_957[%get3A_958, %get3A_959] {strides = array<i32>} : memref<256x128xf32, #tpu.memory_space<vmem>>, vector<16xf32>,
        %sub3A_961 = arith.subf %add3A_452, %get3A_960 : vector<16xf32>
        %abs3A_962 = math.absf %sub3A_961 : vector<16xf32>
        %add3A_963 = arith.addf %abs3A_953, %abs3A_962 : vector<16xf32>
        %get3A_964 = arith.constant 0 : i32
        %get3A_965 = arith.constant 0 : i32
        %get3A_966 = tpu.memref_slice %arg17[%scan3A_329, %get3A_964, %get3A_965] : memref<2x256x128xf32, #tpu.memory_space<vmem>> -> memref<1x256x128xf32, #tpu.memory_space<vmem>>
        %get3A_967 = tpu.memref_squeeze %get3A_966 : memref<1x256x128xf32, #tpu.memory_space<vmem>> -> memref<256x128xf32, #tpu.memory_space<vmem>>
        %get3A_968 = arith.index_cast %add3A_944 : i32 to index
        %get3A_969 = arith.constant 32 : index
        %get3A_970 = tpu.vector_load %get3A_967[%get3A_968, %get3A_969] {strides = array<i32>} : memref<256x128xf32, #tpu.memory_space<vmem>>, vector<16xf32>,
        %sub3A_971 = arith.subf %add3A_467, %get3A_970 : vector<16xf32>
        %abs3A_972 = math.absf %sub3A_971 : vector<16xf32>
        %add3A_973 = arith.addf %add3A_963, %abs3A_972 : vector<16xf32>
        %get3A_974 = arith.constant 0 : i32
        %get3A_975 = arith.constant 0 : i32
        %get3A_976 = tpu.memref_slice %arg17[%scan3A_329, %get3A_974, %get3A_975] : memref<2x256x128xf32, #tpu.memory_space<vmem>> -> memref<1x256x128xf32, #tpu.memory_space<vmem>>
        %get3A_977 = tpu.memref_squeeze %get3A_976 : memref<1x256x128xf32, #tpu.memory_space<vmem>> -> memref<256x128xf32, #tpu.memory_space<vmem>>
        %get3A_978 = arith.index_cast %add3A_944 : i32 to index
        %get3A_979 = arith.constant 48 : index
        %get3A_980 = tpu.vector_load %get3A_977[%get3A_978, %get3A_979] {strides = array<i32>} : memref<256x128xf32, #tpu.memory_space<vmem>>, vector<16xf32>,
        %sub3A_981 = arith.subf %add3A_482, %get3A_980 : vector<16xf32>
        %abs3A_982 = math.absf %sub3A_981 : vector<16xf32>
        %add3A_983 = arith.addf %add3A_973, %abs3A_982 : vector<16xf32>
        tpu.vector_store_idx %arg21[%add3A_940], %add3A_983 : memref<272xf32, #tpu.memory_space<vmem>>[vector<16xi32>], vector<16xf32>,
        %add3A_984 = arith.constant 170 : i32
        %add3A_985 = vector.broadcast %add3A_984 : i32 to vector<16xi32>
        %add3A_986 = arith.addi %iota3A, %add3A_985 : vector<16xi32>
        %mul3A_987 = arith.constant 16 : i32
        %mul3A_988 = arith.muli %add3A_423, %mul3A_987 : i32
        %add3A_989 = arith.constant 10 : i32
        %add3A_990 = arith.addi %mul3A_988, %add3A_989 : i32
        %get3A_991 = arith.constant 0 : i32
        %get3A_992 = arith.constant 0 : i32
        %get3A_993 = tpu.memref_slice %arg17[%scan3A_329, %get3A_991, %get3A_992] : memref<2x256x128xf32, #tpu.memory_space<vmem>> -> memref<1x256x128xf32, #tpu.memory_space<vmem>>
        %get3A_994 = tpu.memref_squeeze %get3A_993 : memref<1x256x128xf32, #tpu.memory_space<vmem>> -> memref<256x128xf32, #tpu.memory_space<vmem>>
        %get3A_995 = arith.index_cast %add3A_990 : i32 to index
        %get3A_996 = arith.constant 0 : index
        %get3A_997 = tpu.vector_load %get3A_994[%get3A_995, %get3A_996] {strides = array<i32>} : memref<256x128xf32, #tpu.memory_space<vmem>>, vector<16xf32>,
        %sub3A_998 = arith.subf %add3A_437, %get3A_997 : vector<16xf32>
        %abs3A_999 = math.absf %sub3A_998 : vector<16xf32>
        %get3A_1000 = arith.constant 0 : i32
        %get3A_1001 = arith.constant 0 : i32
        %get3A_1002 = tpu.memref_slice %arg17[%scan3A_329, %get3A_1000, %get3A_1001] : memref<2x256x128xf32, #tpu.memory_space<vmem>> -> memref<1x256x128xf32, #tpu.memory_space<vmem>>
        %get3A_1003 = tpu.memref_squeeze %get3A_1002 : memref<1x256x128xf32, #tpu.memory_space<vmem>> -> memref<256x128xf32, #tpu.memory_space<vmem>>
        %get3A_1004 = arith.index_cast %add3A_990 : i32 to index
        %get3A_1005 = arith.constant 16 : index
        %get3A_1006 = tpu.vector_load %get3A_1003[%get3A_1004, %get3A_1005] {strides = array<i32>} : memref<256x128xf32, #tpu.memory_space<vmem>>, vector<16xf32>,
        %sub3A_1007 = arith.subf %add3A_452, %get3A_1006 : vector<16xf32>
        %abs3A_1008 = math.absf %sub3A_1007 : vector<16xf32>
        %add3A_1009 = arith.addf %abs3A_999, %abs3A_1008 : vector<16xf32>
        %get3A_1010 = arith.constant 0 : i32
        %get3A_1011 = arith.constant 0 : i32
        %get3A_1012 = tpu.memref_slice %arg17[%scan3A_329, %get3A_1010, %get3A_1011] : memref<2x256x128xf32, #tpu.memory_space<vmem>> -> memref<1x256x128xf32, #tpu.memory_space<vmem>>
        %get3A_1013 = tpu.memref_squeeze %get3A_1012 : memref<1x256x128xf32, #tpu.memory_space<vmem>> -> memref<256x128xf32, #tpu.memory_space<vmem>>
        %get3A_1014 = arith.index_cast %add3A_990 : i32 to index
        %get3A_1015 = arith.constant 32 : index
        %get3A_1016 = tpu.vector_load %get3A_1013[%get3A_1014, %get3A_1015] {strides = array<i32>} : memref<256x128xf32, #tpu.memory_space<vmem>>, vector<16xf32>,
        %sub3A_1017 = arith.subf %add3A_467, %get3A_1016 : vector<16xf32>
        %abs3A_1018 = math.absf %sub3A_1017 : vector<16xf32>
        %add3A_1019 = arith.addf %add3A_1009, %abs3A_1018 : vector<16xf32>
        %get3A_1020 = arith.constant 0 : i32
        %get3A_1021 = arith.constant 0 : i32
        %get3A_1022 = tpu.memref_slice %arg17[%scan3A_329, %get3A_1020, %get3A_1021] : memref<2x256x128xf32, #tpu.memory_space<vmem>> -> memref<1x256x128xf32, #tpu.memory_space<vmem>>
        %get3A_1023 = tpu.memref_squeeze %get3A_1022 : memref<1x256x128xf32, #tpu.memory_space<vmem>> -> memref<256x128xf32, #tpu.memory_space<vmem>>
        %get3A_1024 = arith.index_cast %add3A_990 : i32 to index
        %get3A_1025 = arith.constant 48 : index
        %get3A_1026 = tpu.vector_load %get3A_1023[%get3A_1024, %get3A_1025] {strides = array<i32>} : memref<256x128xf32, #tpu.memory_space<vmem>>, vector<16xf32>,
        %sub3A_1027 = arith.subf %add3A_482, %get3A_1026 : vector<16xf32>
        %abs3A_1028 = math.absf %sub3A_1027 : vector<16xf32>
        %add3A_1029 = arith.addf %add3A_1019, %abs3A_1028 : vector<16xf32>
        tpu.vector_store_idx %arg21[%add3A_986], %add3A_1029 : memref<272xf32, #tpu.memory_space<vmem>>[vector<16xi32>], vector<16xf32>,
        %add3A_1030 = arith.constant 187 : i32
        %add3A_1031 = vector.broadcast %add3A_1030 : i32 to vector<16xi32>
        %add3A_1032 = arith.addi %iota3A, %add3A_1031 : vector<16xi32>
        %mul3A_1033 = arith.constant 16 : i32
        %mul3A_1034 = arith.muli %add3A_423, %mul3A_1033 : i32
        %add3A_1035 = arith.constant 11 : i32
        %add3A_1036 = arith.addi %mul3A_1034, %add3A_1035 : i32
        %get3A_1037 = arith.constant 0 : i32
        %get3A_1038 = arith.constant 0 : i32
        %get3A_1039 = tpu.memref_slice %arg17[%scan3A_329, %get3A_1037, %get3A_1038] : memref<2x256x128xf32, #tpu.memory_space<vmem>> -> memref<1x256x128xf32, #tpu.memory_space<vmem>>
        %get3A_1040 = tpu.memref_squeeze %get3A_1039 : memref<1x256x128xf32, #tpu.memory_space<vmem>> -> memref<256x128xf32, #tpu.memory_space<vmem>>
        %get3A_1041 = arith.index_cast %add3A_1036 : i32 to index
        %get3A_1042 = arith.constant 0 : index
        %get3A_1043 = tpu.vector_load %get3A_1040[%get3A_1041, %get3A_1042] {strides = array<i32>} : memref<256x128xf32, #tpu.memory_space<vmem>>, vector<16xf32>,
        %sub3A_1044 = arith.subf %add3A_437, %get3A_1043 : vector<16xf32>
        %abs3A_1045 = math.absf %sub3A_1044 : vector<16xf32>
        %get3A_1046 = arith.constant 0 : i32
        %get3A_1047 = arith.constant 0 : i32
        %get3A_1048 = tpu.memref_slice %arg17[%scan3A_329, %get3A_1046, %get3A_1047] : memref<2x256x128xf32, #tpu.memory_space<vmem>> -> memref<1x256x128xf32, #tpu.memory_space<vmem>>
        %get3A_1049 = tpu.memref_squeeze %get3A_1048 : memref<1x256x128xf32, #tpu.memory_space<vmem>> -> memref<256x128xf32, #tpu.memory_space<vmem>>
        %get3A_1050 = arith.index_cast %add3A_1036 : i32 to index
        %get3A_1051 = arith.constant 16 : index
        %get3A_1052 = tpu.vector_load %get3A_1049[%get3A_1050, %get3A_1051] {strides = array<i32>} : memref<256x128xf32, #tpu.memory_space<vmem>>, vector<16xf32>,
        %sub3A_1053 = arith.subf %add3A_452, %get3A_1052 : vector<16xf32>
        %abs3A_1054 = math.absf %sub3A_1053 : vector<16xf32>
        %add3A_1055 = arith.addf %abs3A_1045, %abs3A_1054 : vector<16xf32>
        %get3A_1056 = arith.constant 0 : i32
        %get3A_1057 = arith.constant 0 : i32
        %get3A_1058 = tpu.memref_slice %arg17[%scan3A_329, %get3A_1056, %get3A_1057] : memref<2x256x128xf32, #tpu.memory_space<vmem>> -> memref<1x256x128xf32, #tpu.memory_space<vmem>>
        %get3A_1059 = tpu.memref_squeeze %get3A_1058 : memref<1x256x128xf32, #tpu.memory_space<vmem>> -> memref<256x128xf32, #tpu.memory_space<vmem>>
        %get3A_1060 = arith.index_cast %add3A_1036 : i32 to index
        %get3A_1061 = arith.constant 32 : index
        %get3A_1062 = tpu.vector_load %get3A_1059[%get3A_1060, %get3A_1061] {strides = array<i32>} : memref<256x128xf32, #tpu.memory_space<vmem>>, vector<16xf32>,
        %sub3A_1063 = arith.subf %add3A_467, %get3A_1062 : vector<16xf32>
        %abs3A_1064 = math.absf %sub3A_1063 : vector<16xf32>
        %add3A_1065 = arith.addf %add3A_1055, %abs3A_1064 : vector<16xf32>
        %get3A_1066 = arith.constant 0 : i32
        %get3A_1067 = arith.constant 0 : i32
        %get3A_1068 = tpu.memref_slice %arg17[%scan3A_329, %get3A_1066, %get3A_1067] : memref<2x256x128xf32, #tpu.memory_space<vmem>> -> memref<1x256x128xf32, #tpu.memory_space<vmem>>
        %get3A_1069 = tpu.memref_squeeze %get3A_1068 : memref<1x256x128xf32, #tpu.memory_space<vmem>> -> memref<256x128xf32, #tpu.memory_space<vmem>>
        %get3A_1070 = arith.index_cast %add3A_1036 : i32 to index
        %get3A_1071 = arith.constant 48 : index
        %get3A_1072 = tpu.vector_load %get3A_1069[%get3A_1070, %get3A_1071] {strides = array<i32>} : memref<256x128xf32, #tpu.memory_space<vmem>>, vector<16xf32>,
        %sub3A_1073 = arith.subf %add3A_482, %get3A_1072 : vector<16xf32>
        %abs3A_1074 = math.absf %sub3A_1073 : vector<16xf32>
        %add3A_1075 = arith.addf %add3A_1065, %abs3A_1074 : vector<16xf32>
        tpu.vector_store_idx %arg21[%add3A_1032], %add3A_1075 : memref<272xf32, #tpu.memory_space<vmem>>[vector<16xi32>], vector<16xf32>,
        %add3A_1076 = arith.constant 204 : i32
        %add3A_1077 = vector.broadcast %add3A_1076 : i32 to vector<16xi32>
        %add3A_1078 = arith.addi %iota3A, %add3A_1077 : vector<16xi32>
        %mul3A_1079 = arith.constant 16 : i32
        %mul3A_1080 = arith.muli %add3A_423, %mul3A_1079 : i32
        %add3A_1081 = arith.constant 12 : i32
        %add3A_1082 = arith.addi %mul3A_1080, %add3A_1081 : i32
        %get3A_1083 = arith.constant 0 : i32
        %get3A_1084 = arith.constant 0 : i32
        %get3A_1085 = tpu.memref_slice %arg17[%scan3A_329, %get3A_1083, %get3A_1084] : memref<2x256x128xf32, #tpu.memory_space<vmem>> -> memref<1x256x128xf32, #tpu.memory_space<vmem>>
        %get3A_1086 = tpu.memref_squeeze %get3A_1085 : memref<1x256x128xf32, #tpu.memory_space<vmem>> -> memref<256x128xf32, #tpu.memory_space<vmem>>
        %get3A_1087 = arith.index_cast %add3A_1082 : i32 to index
        %get3A_1088 = arith.constant 0 : index
        %get3A_1089 = tpu.vector_load %get3A_1086[%get3A_1087, %get3A_1088] {strides = array<i32>} : memref<256x128xf32, #tpu.memory_space<vmem>>, vector<16xf32>,
        %sub3A_1090 = arith.subf %add3A_437, %get3A_1089 : vector<16xf32>
        %abs3A_1091 = math.absf %sub3A_1090 : vector<16xf32>
        %get3A_1092 = arith.constant 0 : i32
        %get3A_1093 = arith.constant 0 : i32
        %get3A_1094 = tpu.memref_slice %arg17[%scan3A_329, %get3A_1092, %get3A_1093] : memref<2x256x128xf32, #tpu.memory_space<vmem>> -> memref<1x256x128xf32, #tpu.memory_space<vmem>>
        %get3A_1095 = tpu.memref_squeeze %get3A_1094 : memref<1x256x128xf32, #tpu.memory_space<vmem>> -> memref<256x128xf32, #tpu.memory_space<vmem>>
        %get3A_1096 = arith.index_cast %add3A_1082 : i32 to index
        %get3A_1097 = arith.constant 16 : index
        %get3A_1098 = tpu.vector_load %get3A_1095[%get3A_1096, %get3A_1097] {strides = array<i32>} : memref<256x128xf32, #tpu.memory_space<vmem>>, vector<16xf32>,
        %sub3A_1099 = arith.subf %add3A_452, %get3A_1098 : vector<16xf32>
        %abs3A_1100 = math.absf %sub3A_1099 : vector<16xf32>
        %add3A_1101 = arith.addf %abs3A_1091, %abs3A_1100 : vector<16xf32>
        %get3A_1102 = arith.constant 0 : i32
        %get3A_1103 = arith.constant 0 : i32
        %get3A_1104 = tpu.memref_slice %arg17[%scan3A_329, %get3A_1102, %get3A_1103] : memref<2x256x128xf32, #tpu.memory_space<vmem>> -> memref<1x256x128xf32, #tpu.memory_space<vmem>>
        %get3A_1105 = tpu.memref_squeeze %get3A_1104 : memref<1x256x128xf32, #tpu.memory_space<vmem>> -> memref<256x128xf32, #tpu.memory_space<vmem>>
        %get3A_1106 = arith.index_cast %add3A_1082 : i32 to index
        %get3A_1107 = arith.constant 32 : index
        %get3A_1108 = tpu.vector_load %get3A_1105[%get3A_1106, %get3A_1107] {strides = array<i32>} : memref<256x128xf32, #tpu.memory_space<vmem>>, vector<16xf32>,
        %sub3A_1109 = arith.subf %add3A_467, %get3A_1108 : vector<16xf32>
        %abs3A_1110 = math.absf %sub3A_1109 : vector<16xf32>
        %add3A_1111 = arith.addf %add3A_1101, %abs3A_1110 : vector<16xf32>
        %get3A_1112 = arith.constant 0 : i32
        %get3A_1113 = arith.constant 0 : i32
        %get3A_1114 = tpu.memref_slice %arg17[%scan3A_329, %get3A_1112, %get3A_1113] : memref<2x256x128xf32, #tpu.memory_space<vmem>> -> memref<1x256x128xf32, #tpu.memory_space<vmem>>
        %get3A_1115 = tpu.memref_squeeze %get3A_1114 : memref<1x256x128xf32, #tpu.memory_space<vmem>> -> memref<256x128xf32, #tpu.memory_space<vmem>>
        %get3A_1116 = arith.index_cast %add3A_1082 : i32 to index
        %get3A_1117 = arith.constant 48 : index
        %get3A_1118 = tpu.vector_load %get3A_1115[%get3A_1116, %get3A_1117] {strides = array<i32>} : memref<256x128xf32, #tpu.memory_space<vmem>>, vector<16xf32>,
        %sub3A_1119 = arith.subf %add3A_482, %get3A_1118 : vector<16xf32>
        %abs3A_1120 = math.absf %sub3A_1119 : vector<16xf32>
        %add3A_1121 = arith.addf %add3A_1111, %abs3A_1120 : vector<16xf32>
        tpu.vector_store_idx %arg21[%add3A_1078], %add3A_1121 : memref<272xf32, #tpu.memory_space<vmem>>[vector<16xi32>], vector<16xf32>,
        %add3A_1122 = arith.constant 221 : i32
        %add3A_1123 = vector.broadcast %add3A_1122 : i32 to vector<16xi32>
        %add3A_1124 = arith.addi %iota3A, %add3A_1123 : vector<16xi32>
        %mul3A_1125 = arith.constant 16 : i32
        %mul3A_1126 = arith.muli %add3A_423, %mul3A_1125 : i32
        %add3A_1127 = arith.constant 13 : i32
        %add3A_1128 = arith.addi %mul3A_1126, %add3A_1127 : i32
        %get3A_1129 = arith.constant 0 : i32
        %get3A_1130 = arith.constant 0 : i32
        %get3A_1131 = tpu.memref_slice %arg17[%scan3A_329, %get3A_1129, %get3A_1130] : memref<2x256x128xf32, #tpu.memory_space<vmem>> -> memref<1x256x128xf32, #tpu.memory_space<vmem>>
        %get3A_1132 = tpu.memref_squeeze %get3A_1131 : memref<1x256x128xf32, #tpu.memory_space<vmem>> -> memref<256x128xf32, #tpu.memory_space<vmem>>
        %get3A_1133 = arith.index_cast %add3A_1128 : i32 to index
        %get3A_1134 = arith.constant 0 : index
        %get3A_1135 = tpu.vector_load %get3A_1132[%get3A_1133, %get3A_1134] {strides = array<i32>} : memref<256x128xf32, #tpu.memory_space<vmem>>, vector<16xf32>,
        %sub3A_1136 = arith.subf %add3A_437, %get3A_1135 : vector<16xf32>
        %abs3A_1137 = math.absf %sub3A_1136 : vector<16xf32>
        %get3A_1138 = arith.constant 0 : i32
        %get3A_1139 = arith.constant 0 : i32
        %get3A_1140 = tpu.memref_slice %arg17[%scan3A_329, %get3A_1138, %get3A_1139] : memref<2x256x128xf32, #tpu.memory_space<vmem>> -> memref<1x256x128xf32, #tpu.memory_space<vmem>>
        %get3A_1141 = tpu.memref_squeeze %get3A_1140 : memref<1x256x128xf32, #tpu.memory_space<vmem>> -> memref<256x128xf32, #tpu.memory_space<vmem>>
        %get3A_1142 = arith.index_cast %add3A_1128 : i32 to index
        %get3A_1143 = arith.constant 16 : index
        %get3A_1144 = tpu.vector_load %get3A_1141[%get3A_1142, %get3A_1143] {strides = array<i32>} : memref<256x128xf32, #tpu.memory_space<vmem>>, vector<16xf32>,
        %sub3A_1145 = arith.subf %add3A_452, %get3A_1144 : vector<16xf32>
        %abs3A_1146 = math.absf %sub3A_1145 : vector<16xf32>
        %add3A_1147 = arith.addf %abs3A_1137, %abs3A_1146 : vector<16xf32>
        %get3A_1148 = arith.constant 0 : i32
        %get3A_1149 = arith.constant 0 : i32
        %get3A_1150 = tpu.memref_slice %arg17[%scan3A_329, %get3A_1148, %get3A_1149] : memref<2x256x128xf32, #tpu.memory_space<vmem>> -> memref<1x256x128xf32, #tpu.memory_space<vmem>>
        %get3A_1151 = tpu.memref_squeeze %get3A_1150 : memref<1x256x128xf32, #tpu.memory_space<vmem>> -> memref<256x128xf32, #tpu.memory_space<vmem>>
        %get3A_1152 = arith.index_cast %add3A_1128 : i32 to index
        %get3A_1153 = arith.constant 32 : index
        %get3A_1154 = tpu.vector_load %get3A_1151[%get3A_1152, %get3A_1153] {strides = array<i32>} : memref<256x128xf32, #tpu.memory_space<vmem>>, vector<16xf32>,
        %sub3A_1155 = arith.subf %add3A_467, %get3A_1154 : vector<16xf32>
        %abs3A_1156 = math.absf %sub3A_1155 : vector<16xf32>
        %add3A_1157 = arith.addf %add3A_1147, %abs3A_1156 : vector<16xf32>
        %get3A_1158 = arith.constant 0 : i32
        %get3A_1159 = arith.constant 0 : i32
        %get3A_1160 = tpu.memref_slice %arg17[%scan3A_329, %get3A_1158, %get3A_1159] : memref<2x256x128xf32, #tpu.memory_space<vmem>> -> memref<1x256x128xf32, #tpu.memory_space<vmem>>
        %get3A_1161 = tpu.memref_squeeze %get3A_1160 : memref<1x256x128xf32, #tpu.memory_space<vmem>> -> memref<256x128xf32, #tpu.memory_space<vmem>>
        %get3A_1162 = arith.index_cast %add3A_1128 : i32 to index
        %get3A_1163 = arith.constant 48 : index
        %get3A_1164 = tpu.vector_load %get3A_1161[%get3A_1162, %get3A_1163] {strides = array<i32>} : memref<256x128xf32, #tpu.memory_space<vmem>>, vector<16xf32>,
        %sub3A_1165 = arith.subf %add3A_482, %get3A_1164 : vector<16xf32>
        %abs3A_1166 = math.absf %sub3A_1165 : vector<16xf32>
        %add3A_1167 = arith.addf %add3A_1157, %abs3A_1166 : vector<16xf32>
        tpu.vector_store_idx %arg21[%add3A_1124], %add3A_1167 : memref<272xf32, #tpu.memory_space<vmem>>[vector<16xi32>], vector<16xf32>,
        %add3A_1168 = arith.constant 238 : i32
        %add3A_1169 = vector.broadcast %add3A_1168 : i32 to vector<16xi32>
        %add3A_1170 = arith.addi %iota3A, %add3A_1169 : vector<16xi32>
        %mul3A_1171 = arith.constant 16 : i32
        %mul3A_1172 = arith.muli %add3A_423, %mul3A_1171 : i32
        %add3A_1173 = arith.constant 14 : i32
        %add3A_1174 = arith.addi %mul3A_1172, %add3A_1173 : i32
        %get3A_1175 = arith.constant 0 : i32
        %get3A_1176 = arith.constant 0 : i32
        %get3A_1177 = tpu.memref_slice %arg17[%scan3A_329, %get3A_1175, %get3A_1176] : memref<2x256x128xf32, #tpu.memory_space<vmem>> -> memref<1x256x128xf32, #tpu.memory_space<vmem>>
        %get3A_1178 = tpu.memref_squeeze %get3A_1177 : memref<1x256x128xf32, #tpu.memory_space<vmem>> -> memref<256x128xf32, #tpu.memory_space<vmem>>
        %get3A_1179 = arith.index_cast %add3A_1174 : i32 to index
        %get3A_1180 = arith.constant 0 : index
        %get3A_1181 = tpu.vector_load %get3A_1178[%get3A_1179, %get3A_1180] {strides = array<i32>} : memref<256x128xf32, #tpu.memory_space<vmem>>, vector<16xf32>,
        %sub3A_1182 = arith.subf %add3A_437, %get3A_1181 : vector<16xf32>
        %abs3A_1183 = math.absf %sub3A_1182 : vector<16xf32>
        %get3A_1184 = arith.constant 0 : i32
        %get3A_1185 = arith.constant 0 : i32
        %get3A_1186 = tpu.memref_slice %arg17[%scan3A_329, %get3A_1184, %get3A_1185] : memref<2x256x128xf32, #tpu.memory_space<vmem>> -> memref<1x256x128xf32, #tpu.memory_space<vmem>>
        %get3A_1187 = tpu.memref_squeeze %get3A_1186 : memref<1x256x128xf32, #tpu.memory_space<vmem>> -> memref<256x128xf32, #tpu.memory_space<vmem>>
        %get3A_1188 = arith.index_cast %add3A_1174 : i32 to index
        %get3A_1189 = arith.constant 16 : index
        %get3A_1190 = tpu.vector_load %get3A_1187[%get3A_1188, %get3A_1189] {strides = array<i32>} : memref<256x128xf32, #tpu.memory_space<vmem>>, vector<16xf32>,
        %sub3A_1191 = arith.subf %add3A_452, %get3A_1190 : vector<16xf32>
        %abs3A_1192 = math.absf %sub3A_1191 : vector<16xf32>
        %add3A_1193 = arith.addf %abs3A_1183, %abs3A_1192 : vector<16xf32>
        %get3A_1194 = arith.constant 0 : i32
        %get3A_1195 = arith.constant 0 : i32
        %get3A_1196 = tpu.memref_slice %arg17[%scan3A_329, %get3A_1194, %get3A_1195] : memref<2x256x128xf32, #tpu.memory_space<vmem>> -> memref<1x256x128xf32, #tpu.memory_space<vmem>>
        %get3A_1197 = tpu.memref_squeeze %get3A_1196 : memref<1x256x128xf32, #tpu.memory_space<vmem>> -> memref<256x128xf32, #tpu.memory_space<vmem>>
        %get3A_1198 = arith.index_cast %add3A_1174 : i32 to index
        %get3A_1199 = arith.constant 32 : index
        %get3A_1200 = tpu.vector_load %get3A_1197[%get3A_1198, %get3A_1199] {strides = array<i32>} : memref<256x128xf32, #tpu.memory_space<vmem>>, vector<16xf32>,
        %sub3A_1201 = arith.subf %add3A_467, %get3A_1200 : vector<16xf32>
        %abs3A_1202 = math.absf %sub3A_1201 : vector<16xf32>
        %add3A_1203 = arith.addf %add3A_1193, %abs3A_1202 : vector<16xf32>
        %get3A_1204 = arith.constant 0 : i32
        %get3A_1205 = arith.constant 0 : i32
        %get3A_1206 = tpu.memref_slice %arg17[%scan3A_329, %get3A_1204, %get3A_1205] : memref<2x256x128xf32, #tpu.memory_space<vmem>> -> memref<1x256x128xf32, #tpu.memory_space<vmem>>
        %get3A_1207 = tpu.memref_squeeze %get3A_1206 : memref<1x256x128xf32, #tpu.memory_space<vmem>> -> memref<256x128xf32, #tpu.memory_space<vmem>>
        %get3A_1208 = arith.index_cast %add3A_1174 : i32 to index
        %get3A_1209 = arith.constant 48 : index
        %get3A_1210 = tpu.vector_load %get3A_1207[%get3A_1208, %get3A_1209] {strides = array<i32>} : memref<256x128xf32, #tpu.memory_space<vmem>>, vector<16xf32>,
        %sub3A_1211 = arith.subf %add3A_482, %get3A_1210 : vector<16xf32>
        %abs3A_1212 = math.absf %sub3A_1211 : vector<16xf32>
        %add3A_1213 = arith.addf %add3A_1203, %abs3A_1212 : vector<16xf32>
        tpu.vector_store_idx %arg21[%add3A_1170], %add3A_1213 : memref<272xf32, #tpu.memory_space<vmem>>[vector<16xi32>], vector<16xf32>,
        %add3A_1214 = arith.constant 255 : i32
        %add3A_1215 = vector.broadcast %add3A_1214 : i32 to vector<16xi32>
        %add3A_1216 = arith.addi %iota3A, %add3A_1215 : vector<16xi32>
        %mul3A_1217 = arith.constant 16 : i32
        %mul3A_1218 = arith.muli %add3A_423, %mul3A_1217 : i32
        %add3A_1219 = arith.constant 15 : i32
        %add3A_1220 = arith.addi %mul3A_1218, %add3A_1219 : i32
        %get3A_1221 = arith.constant 0 : i32
        %get3A_1222 = arith.constant 0 : i32
        %get3A_1223 = tpu.memref_slice %arg17[%scan3A_329, %get3A_1221, %get3A_1222] : memref<2x256x128xf32, #tpu.memory_space<vmem>> -> memref<1x256x128xf32, #tpu.memory_space<vmem>>
        %get3A_1224 = tpu.memref_squeeze %get3A_1223 : memref<1x256x128xf32, #tpu.memory_space<vmem>> -> memref<256x128xf32, #tpu.memory_space<vmem>>
        %get3A_1225 = arith.index_cast %add3A_1220 : i32 to index
        %get3A_1226 = arith.constant 0 : index
        %get3A_1227 = tpu.vector_load %get3A_1224[%get3A_1225, %get3A_1226] {strides = array<i32>} : memref<256x128xf32, #tpu.memory_space<vmem>>, vector<16xf32>,
        %sub3A_1228 = arith.subf %add3A_437, %get3A_1227 : vector<16xf32>
        %abs3A_1229 = math.absf %sub3A_1228 : vector<16xf32>
        %get3A_1230 = arith.constant 0 : i32
        %get3A_1231 = arith.constant 0 : i32
        %get3A_1232 = tpu.memref_slice %arg17[%scan3A_329, %get3A_1230, %get3A_1231] : memref<2x256x128xf32, #tpu.memory_space<vmem>> -> memref<1x256x128xf32, #tpu.memory_space<vmem>>
        %get3A_1233 = tpu.memref_squeeze %get3A_1232 : memref<1x256x128xf32, #tpu.memory_space<vmem>> -> memref<256x128xf32, #tpu.memory_space<vmem>>
        %get3A_1234 = arith.index_cast %add3A_1220 : i32 to index
        %get3A_1235 = arith.constant 16 : index
        %get3A_1236 = tpu.vector_load %get3A_1233[%get3A_1234, %get3A_1235] {strides = array<i32>} : memref<256x128xf32, #tpu.memory_space<vmem>>, vector<16xf32>,
        %sub3A_1237 = arith.subf %add3A_452, %get3A_1236 : vector<16xf32>
        %abs3A_1238 = math.absf %sub3A_1237 : vector<16xf32>
        %add3A_1239 = arith.addf %abs3A_1229, %abs3A_1238 : vector<16xf32>
        %get3A_1240 = arith.constant 0 : i32
        %get3A_1241 = arith.constant 0 : i32
        %get3A_1242 = tpu.memref_slice %arg17[%scan3A_329, %get3A_1240, %get3A_1241] : memref<2x256x128xf32, #tpu.memory_space<vmem>> -> memref<1x256x128xf32, #tpu.memory_space<vmem>>
        %get3A_1243 = tpu.memref_squeeze %get3A_1242 : memref<1x256x128xf32, #tpu.memory_space<vmem>> -> memref<256x128xf32, #tpu.memory_space<vmem>>
        %get3A_1244 = arith.index_cast %add3A_1220 : i32 to index
        %get3A_1245 = arith.constant 32 : index
        %get3A_1246 = tpu.vector_load %get3A_1243[%get3A_1244, %get3A_1245] {strides = array<i32>} : memref<256x128xf32, #tpu.memory_space<vmem>>, vector<16xf32>,
        %sub3A_1247 = arith.subf %add3A_467, %get3A_1246 : vector<16xf32>
        %abs3A_1248 = math.absf %sub3A_1247 : vector<16xf32>
        %add3A_1249 = arith.addf %add3A_1239, %abs3A_1248 : vector<16xf32>
        %get3A_1250 = arith.constant 0 : i32
        %get3A_1251 = arith.constant 0 : i32
        %get3A_1252 = tpu.memref_slice %arg17[%scan3A_329, %get3A_1250, %get3A_1251] : memref<2x256x128xf32, #tpu.memory_space<vmem>> -> memref<1x256x128xf32, #tpu.memory_space<vmem>>
        %get3A_1253 = tpu.memref_squeeze %get3A_1252 : memref<1x256x128xf32, #tpu.memory_space<vmem>> -> memref<256x128xf32, #tpu.memory_space<vmem>>
        %get3A_1254 = arith.index_cast %add3A_1220 : i32 to index
        %get3A_1255 = arith.constant 48 : index
        %get3A_1256 = tpu.vector_load %get3A_1253[%get3A_1254, %get3A_1255] {strides = array<i32>} : memref<256x128xf32, #tpu.memory_space<vmem>>, vector<16xf32>,
        %sub3A_1257 = arith.subf %add3A_482, %get3A_1256 : vector<16xf32>
        %abs3A_1258 = math.absf %sub3A_1257 : vector<16xf32>
        %add3A_1259 = arith.addf %add3A_1249, %abs3A_1258 : vector<16xf32>
        tpu.vector_store_idx %arg21[%add3A_1216], %add3A_1259 : memref<272xf32, #tpu.memory_space<vmem>>[vector<16xi32>], vector<16xf32>,
        %add3A_1260 = arith.constant 0 : i32
        %add3A_1261 = vector.broadcast %add3A_1260 : i32 to vector<16xi32>
        %add3A_1262 = arith.addi %mul3A_8, %add3A_1261 : vector<16xi32>
        %gather3A_1263 = tpu.vector_load_idx %arg21[%add3A_1262] : memref<272xf32, #tpu.memory_space<vmem>>[vector<16xi32>], vector<16xf32>,
        %add3A_1264 = arith.constant 1 : i32
        %add3A_1265 = vector.broadcast %add3A_1264 : i32 to vector<16xi32>
        %add3A_1266 = arith.addi %mul3A_8, %add3A_1265 : vector<16xi32>
        %gather3A_1267 = tpu.vector_load_idx %arg21[%add3A_1266] : memref<272xf32, #tpu.memory_space<vmem>>[vector<16xi32>], vector<16xf32>,
        %add3A_1268 = arith.addf %gather3A_1263, %gather3A_1267 : vector<16xf32>
        %add3A_1269 = arith.constant 2 : i32
        %add3A_1270 = vector.broadcast %add3A_1269 : i32 to vector<16xi32>
        %add3A_1271 = arith.addi %mul3A_8, %add3A_1270 : vector<16xi32>
        %gather3A_1272 = tpu.vector_load_idx %arg21[%add3A_1271] : memref<272xf32, #tpu.memory_space<vmem>>[vector<16xi32>], vector<16xf32>,
        %add3A_1273 = arith.addf %add3A_1268, %gather3A_1272 : vector<16xf32>
        %add3A_1274 = arith.constant 3 : i32
        %add3A_1275 = vector.broadcast %add3A_1274 : i32 to vector<16xi32>
        %add3A_1276 = arith.addi %mul3A_8, %add3A_1275 : vector<16xi32>
        %gather3A_1277 = tpu.vector_load_idx %arg21[%add3A_1276] : memref<272xf32, #tpu.memory_space<vmem>>[vector<16xi32>], vector<16xf32>,
        %add3A_1278 = arith.addf %add3A_1273, %gather3A_1277 : vector<16xf32>
        %add3A_1279 = arith.constant 4 : i32
        %add3A_1280 = vector.broadcast %add3A_1279 : i32 to vector<16xi32>
        %add3A_1281 = arith.addi %mul3A_8, %add3A_1280 : vector<16xi32>
        %gather3A_1282 = tpu.vector_load_idx %arg21[%add3A_1281] : memref<272xf32, #tpu.memory_space<vmem>>[vector<16xi32>], vector<16xf32>,
        %add3A_1283 = arith.addf %add3A_1278, %gather3A_1282 : vector<16xf32>
        %add3A_1284 = arith.constant 5 : i32
        %add3A_1285 = vector.broadcast %add3A_1284 : i32 to vector<16xi32>
        %add3A_1286 = arith.addi %mul3A_8, %add3A_1285 : vector<16xi32>
        %gather3A_1287 = tpu.vector_load_idx %arg21[%add3A_1286] : memref<272xf32, #tpu.memory_space<vmem>>[vector<16xi32>], vector<16xf32>,
        %add3A_1288 = arith.addf %add3A_1283, %gather3A_1287 : vector<16xf32>
        %add3A_1289 = arith.constant 6 : i32
        %add3A_1290 = vector.broadcast %add3A_1289 : i32 to vector<16xi32>
        %add3A_1291 = arith.addi %mul3A_8, %add3A_1290 : vector<16xi32>
        %gather3A_1292 = tpu.vector_load_idx %arg21[%add3A_1291] : memref<272xf32, #tpu.memory_space<vmem>>[vector<16xi32>], vector<16xf32>,
        %add3A_1293 = arith.addf %add3A_1288, %gather3A_1292 : vector<16xf32>
        %add3A_1294 = arith.constant 7 : i32
        %add3A_1295 = vector.broadcast %add3A_1294 : i32 to vector<16xi32>
        %add3A_1296 = arith.addi %mul3A_8, %add3A_1295 : vector<16xi32>
        %gather3A_1297 = tpu.vector_load_idx %arg21[%add3A_1296] : memref<272xf32, #tpu.memory_space<vmem>>[vector<16xi32>], vector<16xf32>,
        %add3A_1298 = arith.addf %add3A_1293, %gather3A_1297 : vector<16xf32>
        %add3A_1299 = arith.constant 8 : i32
        %add3A_1300 = vector.broadcast %add3A_1299 : i32 to vector<16xi32>
        %add3A_1301 = arith.addi %mul3A_8, %add3A_1300 : vector<16xi32>
        %gather3A_1302 = tpu.vector_load_idx %arg21[%add3A_1301] : memref<272xf32, #tpu.memory_space<vmem>>[vector<16xi32>], vector<16xf32>,
        %add3A_1303 = arith.addf %add3A_1298, %gather3A_1302 : vector<16xf32>
        %add3A_1304 = arith.constant 9 : i32
        %add3A_1305 = vector.broadcast %add3A_1304 : i32 to vector<16xi32>
        %add3A_1306 = arith.addi %mul3A_8, %add3A_1305 : vector<16xi32>
        %gather3A_1307 = tpu.vector_load_idx %arg21[%add3A_1306] : memref<272xf32, #tpu.memory_space<vmem>>[vector<16xi32>], vector<16xf32>,
        %add3A_1308 = arith.addf %add3A_1303, %gather3A_1307 : vector<16xf32>
        %add3A_1309 = arith.constant 10 : i32
        %add3A_1310 = vector.broadcast %add3A_1309 : i32 to vector<16xi32>
        %add3A_1311 = arith.addi %mul3A_8, %add3A_1310 : vector<16xi32>
        %gather3A_1312 = tpu.vector_load_idx %arg21[%add3A_1311] : memref<272xf32, #tpu.memory_space<vmem>>[vector<16xi32>], vector<16xf32>,
        %add3A_1313 = arith.addf %add3A_1308, %gather3A_1312 : vector<16xf32>
        %add3A_1314 = arith.constant 11 : i32
        %add3A_1315 = vector.broadcast %add3A_1314 : i32 to vector<16xi32>
        %add3A_1316 = arith.addi %mul3A_8, %add3A_1315 : vector<16xi32>
        %gather3A_1317 = tpu.vector_load_idx %arg21[%add3A_1316] : memref<272xf32, #tpu.memory_space<vmem>>[vector<16xi32>], vector<16xf32>,
        %add3A_1318 = arith.addf %add3A_1313, %gather3A_1317 : vector<16xf32>
        %add3A_1319 = arith.constant 12 : i32
        %add3A_1320 = vector.broadcast %add3A_1319 : i32 to vector<16xi32>
        %add3A_1321 = arith.addi %mul3A_8, %add3A_1320 : vector<16xi32>
        %gather3A_1322 = tpu.vector_load_idx %arg21[%add3A_1321] : memref<272xf32, #tpu.memory_space<vmem>>[vector<16xi32>], vector<16xf32>,
        %add3A_1323 = arith.addf %add3A_1318, %gather3A_1322 : vector<16xf32>
        %add3A_1324 = arith.constant 13 : i32
        %add3A_1325 = vector.broadcast %add3A_1324 : i32 to vector<16xi32>
        %add3A_1326 = arith.addi %mul3A_8, %add3A_1325 : vector<16xi32>
        %gather3A_1327 = tpu.vector_load_idx %arg21[%add3A_1326] : memref<272xf32, #tpu.memory_space<vmem>>[vector<16xi32>], vector<16xf32>,
        %add3A_1328 = arith.addf %add3A_1323, %gather3A_1327 : vector<16xf32>
        %add3A_1329 = arith.constant 14 : i32
        %add3A_1330 = vector.broadcast %add3A_1329 : i32 to vector<16xi32>
        %add3A_1331 = arith.addi %mul3A_8, %add3A_1330 : vector<16xi32>
        %gather3A_1332 = tpu.vector_load_idx %arg21[%add3A_1331] : memref<272xf32, #tpu.memory_space<vmem>>[vector<16xi32>], vector<16xf32>,
        %add3A_1333 = arith.addf %add3A_1328, %gather3A_1332 : vector<16xf32>
        %add3A_1334 = arith.constant 15 : i32
        %add3A_1335 = vector.broadcast %add3A_1334 : i32 to vector<16xi32>
        %add3A_1336 = arith.addi %mul3A_8, %add3A_1335 : vector<16xi32>
        %gather3A_1337 = tpu.vector_load_idx %arg21[%add3A_1336] : memref<272xf32, #tpu.memory_space<vmem>>[vector<16xi32>], vector<16xf32>,
        %add3A_1338 = arith.addf %add3A_1333, %gather3A_1337 : vector<16xf32>
        %mul3A_1339 = arith.constant 16 : i32
        %mul3A_1340 = arith.muli %add3A_324, %mul3A_1339 : i32
        %add3A_1341 = arith.addi %mul3A_1340, %add3A_423 : i32
        %swap3A_1342 = arith.index_cast %add3A_1341 : i32 to index
        %swap3A_1343 = arith.constant 0 : index
        %swap3A_1344 = tpu.vector_load %arg19[%swap3A_1342, %swap3A_1343] {strides = array<i32>} : memref<512x16xf32, #tpu.memory_space<vmem>>, vector<16xf32>,
        tpu.vector_store %arg19[%swap3A_1342, %swap3A_1343], %add3A_1338 {strides = array<i32>} : memref<512x16xf32, #tpu.memory_space<vmem>>, vector<16xf32>,
      }
      %scan3A_334 = arith.constant 16 : i32
      %add3A_335 = arith.constant 0 : i32
      %add3A_336 = vector.broadcast %add3A_335 : i32 to vector<16xi32>
      %add3A_337 = arith.addi %mul3A_8, %add3A_336 : vector<16xi32>
      %gather3A_338 = tpu.vector_load_idx %arg20[%add3A_337] : memref<272xf32, #tpu.memory_space<vmem>>[vector<16xi32>], vector<16xf32>,
      %add3A_339 = arith.constant 1 : i32
      %add3A_340 = vector.broadcast %add3A_339 : i32 to vector<16xi32>
      %add3A_341 = arith.addi %mul3A_8, %add3A_340 : vector<16xi32>
      %gather3A_342 = tpu.vector_load_idx %arg20[%add3A_341] : memref<272xf32, #tpu.memory_space<vmem>>[vector<16xi32>], vector<16xf32>,
      %add3A_343 = arith.addf %gather3A_338, %gather3A_342 : vector<16xf32>
      %add3A_344 = arith.constant 2 : i32
      %add3A_345 = vector.broadcast %add3A_344 : i32 to vector<16xi32>
      %add3A_346 = arith.addi %mul3A_8, %add3A_345 : vector<16xi32>
      %gather3A_347 = tpu.vector_load_idx %arg20[%add3A_346] : memref<272xf32, #tpu.memory_space<vmem>>[vector<16xi32>], vector<16xf32>,
      %add3A_348 = arith.addf %add3A_343, %gather3A_347 : vector<16xf32>
      %add3A_349 = arith.constant 3 : i32
      %add3A_350 = vector.broadcast %add3A_349 : i32 to vector<16xi32>
      %add3A_351 = arith.addi %mul3A_8, %add3A_350 : vector<16xi32>
      %gather3A_352 = tpu.vector_load_idx %arg20[%add3A_351] : memref<272xf32, #tpu.memory_space<vmem>>[vector<16xi32>], vector<16xf32>,
      %add3A_353 = arith.addf %add3A_348, %gather3A_352 : vector<16xf32>
      %add3A_354 = arith.constant 4 : i32
      %add3A_355 = vector.broadcast %add3A_354 : i32 to vector<16xi32>
      %add3A_356 = arith.addi %mul3A_8, %add3A_355 : vector<16xi32>
      %gather3A_357 = tpu.vector_load_idx %arg20[%add3A_356] : memref<272xf32, #tpu.memory_space<vmem>>[vector<16xi32>], vector<16xf32>,
      %add3A_358 = arith.addf %add3A_353, %gather3A_357 : vector<16xf32>
      %add3A_359 = arith.constant 5 : i32
      %add3A_360 = vector.broadcast %add3A_359 : i32 to vector<16xi32>
      %add3A_361 = arith.addi %mul3A_8, %add3A_360 : vector<16xi32>
      %gather3A_362 = tpu.vector_load_idx %arg20[%add3A_361] : memref<272xf32, #tpu.memory_space<vmem>>[vector<16xi32>], vector<16xf32>,
      %add3A_363 = arith.addf %add3A_358, %gather3A_362 : vector<16xf32>
      %add3A_364 = arith.constant 6 : i32
      %add3A_365 = vector.broadcast %add3A_364 : i32 to vector<16xi32>
      %add3A_366 = arith.addi %mul3A_8, %add3A_365 : vector<16xi32>
      %gather3A_367 = tpu.vector_load_idx %arg20[%add3A_366] : memref<272xf32, #tpu.memory_space<vmem>>[vector<16xi32>], vector<16xf32>,
      %add3A_368 = arith.addf %add3A_363, %gather3A_367 : vector<16xf32>
      %add3A_369 = arith.constant 7 : i32
      %add3A_370 = vector.broadcast %add3A_369 : i32 to vector<16xi32>
      %add3A_371 = arith.addi %mul3A_8, %add3A_370 : vector<16xi32>
      %gather3A_372 = tpu.vector_load_idx %arg20[%add3A_371] : memref<272xf32, #tpu.memory_space<vmem>>[vector<16xi32>], vector<16xf32>,
      %add3A_373 = arith.addf %add3A_368, %gather3A_372 : vector<16xf32>
      %add3A_374 = arith.constant 8 : i32
      %add3A_375 = vector.broadcast %add3A_374 : i32 to vector<16xi32>
      %add3A_376 = arith.addi %mul3A_8, %add3A_375 : vector<16xi32>
      %gather3A_377 = tpu.vector_load_idx %arg20[%add3A_376] : memref<272xf32, #tpu.memory_space<vmem>>[vector<16xi32>], vector<16xf32>,
      %add3A_378 = arith.addf %add3A_373, %gather3A_377 : vector<16xf32>
      %add3A_379 = arith.constant 9 : i32
      %add3A_380 = vector.broadcast %add3A_379 : i32 to vector<16xi32>
      %add3A_381 = arith.addi %mul3A_8, %add3A_380 : vector<16xi32>
      %gather3A_382 = tpu.vector_load_idx %arg20[%add3A_381] : memref<272xf32, #tpu.memory_space<vmem>>[vector<16xi32>], vector<16xf32>,
      %add3A_383 = arith.addf %add3A_378, %gather3A_382 : vector<16xf32>
      %add3A_384 = arith.constant 10 : i32
      %add3A_385 = vector.broadcast %add3A_384 : i32 to vector<16xi32>
      %add3A_386 = arith.addi %mul3A_8, %add3A_385 : vector<16xi32>
      %gather3A_387 = tpu.vector_load_idx %arg20[%add3A_386] : memref<272xf32, #tpu.memory_space<vmem>>[vector<16xi32>], vector<16xf32>,
      %add3A_388 = arith.addf %add3A_383, %gather3A_387 : vector<16xf32>
      %add3A_389 = arith.constant 11 : i32
      %add3A_390 = vector.broadcast %add3A_389 : i32 to vector<16xi32>
      %add3A_391 = arith.addi %mul3A_8, %add3A_390 : vector<16xi32>
      %gather3A_392 = tpu.vector_load_idx %arg20[%add3A_391] : memref<272xf32, #tpu.memory_space<vmem>>[vector<16xi32>], vector<16xf32>,
      %add3A_393 = arith.addf %add3A_388, %gather3A_392 : vector<16xf32>
      %add3A_394 = arith.constant 12 : i32
      %add3A_395 = vector.broadcast %add3A_394 : i32 to vector<16xi32>
      %add3A_396 = arith.addi %mul3A_8, %add3A_395 : vector<16xi32>
      %gather3A_397 = tpu.vector_load_idx %arg20[%add3A_396] : memref<272xf32, #tpu.memory_space<vmem>>[vector<16xi32>], vector<16xf32>,
      %add3A_398 = arith.addf %add3A_393, %gather3A_397 : vector<16xf32>
      %add3A_399 = arith.constant 13 : i32
      %add3A_400 = vector.broadcast %add3A_399 : i32 to vector<16xi32>
      %add3A_401 = arith.addi %mul3A_8, %add3A_400 : vector<16xi32>
      %gather3A_402 = tpu.vector_load_idx %arg20[%add3A_401] : memref<272xf32, #tpu.memory_space<vmem>>[vector<16xi32>], vector<16xf32>,
      %add3A_403 = arith.addf %add3A_398, %gather3A_402 : vector<16xf32>
      %add3A_404 = arith.constant 14 : i32
      %add3A_405 = vector.broadcast %add3A_404 : i32 to vector<16xi32>
      %add3A_406 = arith.addi %mul3A_8, %add3A_405 : vector<16xi32>
      %gather3A_407 = tpu.vector_load_idx %arg20[%add3A_406] : memref<272xf32, #tpu.memory_space<vmem>>[vector<16xi32>], vector<16xf32>,
      %add3A_408 = arith.addf %add3A_403, %gather3A_407 : vector<16xf32>
      %add3A_409 = arith.constant 15 : i32
      %add3A_410 = vector.broadcast %add3A_409 : i32 to vector<16xi32>
      %add3A_411 = arith.addi %mul3A_8, %add3A_410 : vector<16xi32>
      %gather3A_412 = tpu.vector_load_idx %arg20[%add3A_411] : memref<272xf32, #tpu.memory_space<vmem>>[vector<16xi32>], vector<16xf32>,
      %add3A_413 = arith.addf %add3A_408, %gather3A_412 : vector<16xf32>
      %mul3A_414 = arith.constant 16 : i32
      %mul3A_415 = arith.muli %add3A_324, %mul3A_414 : i32
      %add3A_416 = arith.constant 0 : i32
      %add3A_417 = arith.addi %mul3A_415, %add3A_416 : i32
      %multiple_of3A_418 = tpu.assume_multiple %add3A_417, 16 : i32
      %swap3A_419 = arith.index_cast %multiple_of3A_418 : i32 to index
      %swap3A_420 = tpu.vector_load %arg18[%swap3A_419] {strides = array<i32>} : memref<512xf32, #tpu.memory_space<vmem>>, vector<16xf32>,
      tpu.vector_store %arg18[%swap3A_419], %add3A_413 {strides = array<i32>} : memref<512xf32, #tpu.memory_space<vmem>>, vector<16xf32>,
    }
    %scan3A_64 = arith.constant 16 : i32
    "tpu.region"() ({
      %run_scoped3A = tpu.sem_alloc : memref<!tpu.dma_semaphore, #tpu.memory_space<semaphore_mem>>
      %dma_start3A_65 = tpu.memref_slice %arg8[%multiple_of3A] : memref<16384xf32, #tpu.memory_space<hbm>> -> memref<512xf32, #tpu.memory_space<hbm>>
      %dma_start3A_66 = tpu.memref_slice %arg8[%multiple_of3A] : memref<16384xf32, #tpu.memory_space<hbm>> -> memref<512xf32, #tpu.memory_space<hbm>>
      tpu.enqueue_dma source(%arg18 : memref<512xf32, #tpu.memory_space<vmem>>) target(%dma_start3A_66 : memref<512xf32, #tpu.memory_space<hbm>>) target_semaphore(%run_scoped3A : memref<!tpu.dma_semaphore, #tpu.memory_space<semaphore_mem>>)
      %dma_wait3A = tpu.memref_slice %arg8[%multiple_of3A] : memref<16384xf32, #tpu.memory_space<hbm>> -> memref<512xf32, #tpu.memory_space<hbm>>
      %dma_wait3A_67 = tpu.memref_slice %arg8[%multiple_of3A] : memref<16384xf32, #tpu.memory_space<hbm>> -> memref<512xf32, #tpu.memory_space<hbm>>
      tpu.wait_dma2 semaphore(%run_scoped3A : memref<!tpu.dma_semaphore, #tpu.memory_space<semaphore_mem>>) src(%arg18 : memref<512xf32, #tpu.memory_space<vmem>>) dst(%dma_wait3A_67 : memref<512xf32, #tpu.memory_space<hbm>>)
      tpu.yield
    }) : () -> ()
    "tpu.region"() ({
      %run_scoped3A = tpu.sem_alloc : memref<!tpu.dma_semaphore, #tpu.memory_space<semaphore_mem>>
      %dma_start3A_65 = arith.constant 0 : i32
      %dma_start3A_66 = tpu.memref_slice %arg9[%multiple_of3A, %dma_start3A_65] : memref<16384x16xf32, #tpu.memory_space<hbm>> -> memref<512x16xf32, #tpu.memory_space<hbm>>
      %dma_start3A_67 = arith.constant 0 : i32
      %dma_start3A_68 = tpu.memref_slice %arg9[%multiple_of3A, %dma_start3A_67] : memref<16384x16xf32, #tpu.memory_space<hbm>> -> memref<512x16xf32, #tpu.memory_space<hbm>>
      tpu.enqueue_dma source(%arg19 : memref<512x16xf32, #tpu.memory_space<vmem>>) target(%dma_start3A_68 : memref<512x16xf32, #tpu.memory_space<hbm>>) target_semaphore(%run_scoped3A : memref<!tpu.dma_semaphore, #tpu.memory_space<semaphore_mem>>)
      %dma_wait3A = arith.constant 0 : i32
      %dma_wait3A_69 = tpu.memref_slice %arg9[%multiple_of3A, %dma_wait3A] : memref<16384x16xf32, #tpu.memory_space<hbm>> -> memref<512x16xf32, #tpu.memory_space<hbm>>
      %dma_wait3A_70 = arith.constant 0 : i32
      %dma_wait3A_71 = tpu.memref_slice %arg9[%multiple_of3A, %dma_wait3A_70] : memref<16384x16xf32, #tpu.memory_space<hbm>> -> memref<512x16xf32, #tpu.memory_space<hbm>>
      tpu.wait_dma2 semaphore(%run_scoped3A : memref<!tpu.dma_semaphore, #tpu.memory_space<semaphore_mem>>) src(%arg19 : memref<512x16xf32, #tpu.memory_space<vmem>>) dst(%dma_wait3A_71 : memref<512x16xf32, #tpu.memory_space<hbm>>)
      tpu.yield
    }) : () -> ()
    return
  }
}

</mosaic_0001>

<sc_bundles>
// kernel: _transe.3.cloned.1.call-start
scs
__scs_entry_jumppad:
0x0: {  	(pc) =	sbr.rel $0x88, $3  }
0x1: {  	(tag) =	ssettag $0x0;
	lr =	simm.s32 $0x1  }
0x2: {  	[smem:$0x3F9B] =	sst lr;
	_ =	strace $0xD0000000  }
0x3: {  	_ = 	snop  }
0x4: {  	_ = 	snop  }
0x5: {  	_ = 	snop  }
0x6: {  	_ = 	snop  }
0x7: {  	_ = 	snop  }
__scs_overlays_trampoline_lowered:
0x8: {  	[smem:$0x3FAA] =	sst s0  }
0x9: {  	[smem:$0x3FAB] =	sst s1  }
0xa: {  	[smem:$0x3FAC] =	sst s2  }
0xb: {  	[smem:$0x3FAD] =	sst s3  }
0xc: {  	[smem:$0x3FAE] =	sst s4  }
0xd: {  	[smem:$0x3FAF] =	sst s5  }
0xe: {  	[smem:$0x3FB0] =	sst s6  }
0xf: {  	[smem:$0x3FB1] =	sst s7  }
0x10: {  	[smem:$0x3FB2] =	sst s8  }
0x11: {  	[smem:$0x3FB3] =	sst s9;
	s0 =	simm.s32 @!p0 $0x0  }
0x12: {  	s1 =	sld [smem:$0x3F99];
	s0 =	simm.s32 @p0 $0x1  }
0x13: {  	[smem:$0x3FB4] =	sst s0;
	s0 =	simm.s32 @!p1 $0x0  }
0x14: {  	s2 =	sld [smem:$0x3F98];
	s0 =	simm.s32 @p1 $0x1  }
0x15: {  	[smem:$0x3FB5] =	sst s0;
	s0 =	simm.s32 @!p2 $0x0  }
0x16: {  	s3 =	sld [smem:$0x3FDB];
	s0 =	simm.s32 @p2 $0x1  }
0x17: {  	s4 =	simm.s32 $0x1BF5;
	[smem:$0x3FB7] =	sst s0  }
0x18: {  	s0 =	sld [smem:$0x3F9A];
	_ =	swait.ge [sflag:s4], $0x0  }
0x19: {  	s7 =	sld [smem:$0x3F9B]  }
0x1a: {  	s8 =	sadd.s32 $0xFFFFE003, lr  }
0x1b: {  	s9 =	sadd.s32 $0xFFFFFEF7, lr;
	s5 =	simm.s32 $0xFFFFFFFF;
	p2 =	slt.u32 s8, $0xFFFFF086  }
0x1c: {  	p1 =	slt.u32 s9, $0xF7A;
	s5 =	simm.s32 @!p2 $0x0  }
0x1d: {  	s5 =	simm.s32 @p1 $0x1;
	p0 =	seq.s32 s7, s2  }
0x1e: {  	s7 =	smul.u32 @!p0 $0xF7A, s2;
	p2 =	seq.s32 @!p0 s5, $0x0  }
0x1f: {  	s9 =	smul.u32 $0xF7A, s1;
	s8 =	simm.s32 @!p0 $0x1BF5;
	p2 =	por !p2, p0  }
0x20: {  	[sflag:s8] =	ssyncset.s32 @!p0 $0xFFFFF086;
	s6 =	sadd.s32 @!p0 s3, s7;
	s7 =	simm.s32 @!p0 $0x108  }
0x21: {  	s3 =	sadd.s32 s3, s9;
	s6 =	sadd.s32 @!p0 $0x88, s6;
	s7 =	simm.s32 @p2 $0x1082  }
0x22: {  	[simem:s7], [sflag:s8] =	dma.local @!p0 [hbm:s6], $0xF7A  }
0x23: {  	s9 =	sor.u32 $0xD0000000, s2;
	s6 =	simm.s32 $0x108;
	_ =	swait.ge @!p0 [sflag:s8], $0x0  }
0x24: {  	s3 =	sadd.s32 $0x88, s3;
	s6 =	simm.s32 @!p1 $0x1082;
	[sflag:s4] =	ssyncset.s32 $0xFFFFF086  }
0x25: {  	[simem:s6], [sflag:s4] =	dma.local [hbm:s3], $0xF7A  }
0x26: {  	[smem:$0x3F9B] =	sst s1;
	(tag) =	ssettag s2;
	_ =	strace s9  }
0x27: {  	s1 =	sld [smem:$0x3FAB]  }
0x28: {  	s2 =	sld [smem:$0x3FAC]  }
0x29: {  	s4 =	sld [smem:$0x3FAE]  }
0x2a: {  	p0 =	seq.s32 s5, $0x0;
	s5 =	sld [smem:$0x3FAF]  }
0x2b: {  	s6 =	sld [smem:$0x3FB0]  }
0x2c: {  	s7 =	sld [smem:$0x3FB1]  }
0x2d: {  	s3 =	simm.s32 $0x108;
	s8 =	sld [smem:$0x3FB2]  }
0x2e: {  	s3 =	simm.s32 @!p0 $0x1082;
	s9 =	sld [smem:$0x3FB3]  }
0x2f: {  	lr =	sadd.s32 s0, s3;
	s0 =	sld [smem:$0x3FAA]  }
0x30: {  	s3 =	sld [smem:$0x3FAD]  }
0x31: {  	[smem:$0x3FB6] =	sst s10  }
0x32: {  	s10 =	sld [smem:$0x3FB4];
	_ =	sdelay $0x3  }
0x33: {  	p0 =	seq.s32 s10, $0x1;
	s10 =	sld [smem:$0x3FB6];
	_ =	sdelay $0x3  }
0x34: {  	[smem:$0x3FB6] =	sst s10  }
0x35: {  	s10 =	sld [smem:$0x3FB5];
	_ =	sdelay $0x3  }
0x36: {  	p1 =	seq.s32 s10, $0x1;
	s10 =	sld [smem:$0x3FB6];
	_ =	sdelay $0x3  }
0x37: {  	[smem:$0x3FB6] =	sst s10  }
0x38: {  	s10 =	sld [smem:$0x3FB7]  }
0x39: {  	_ = 	snop;
	(pc) =	sbr.ind lr, $3  }
0x3a: {  	_ = 	snop  }
0x3b: {  	_ = 	snop  }
0x3c: {  	p2 =	seq.s32 s10, $0x1;
	s10 =	sld [smem:$0x3FB6]  }
0x3d: {  	_ =	shalt  }
0x3e: {  	_ =	shalt  }
0x3f: {  	_ =	shalt  }
0x40: {  	_ =	shalt  }
0x41: {  	_ =	shalt  }
0x42: {  	_ =	shalt  }
0x43: {  	_ =	shalt  }
0x44: {  	_ =	shalt  }
0x45: {  	_ =	shalt  }
0x46: {  	_ =	shalt  }
0x47: {  	_ =	shalt  }
0x48: {  	_ =	shalt  }
0x49: {  	_ =	shalt  }
0x4a: {  	_ =	shalt  }
0x4b: {  	_ =	shalt  }
0x4c: {  	_ =	shalt  }
0x4d: {  	_ =	shalt  }
0x4e: {  	_ =	shalt  }
0x4f: {  	_ =	shalt  }
0x50: {  	_ =	shalt  }
0x51: {  	_ =	shalt  }
0x52: {  	_ =	shalt  }
0x53: {  	_ =	shalt  }
0x54: {  	_ =	shalt  }
0x55: {  	_ =	shalt  }
0x56: {  	_ =	shalt  }
0x57: {  	_ =	shalt  }
0x58: {  	_ =	shalt  }
0x59: {  	_ =	shalt  }
0x5a: {  	_ =	shalt  }
0x5b: {  	_ =	shalt  }
0x5c: {  	_ =	shalt  }
0x5d: {  	_ =	shalt  }
0x5e: {  	_ =	shalt  }
0x5f: {  	_ =	shalt  }
0x60: {  	_ =	shalt  }
0x61: {  	_ =	shalt  }
0x62: {  	_ =	shalt  }
0x63: {  	_ =	shalt  }
0x64: {  	_ =	shalt  }
0x65: {  	_ =	shalt  }
0x66: {  	_ =	shalt  }
0x67: {  	_ =	shalt  }
0x68: {  	_ =	shalt  }
0x69: {  	_ =	shalt  }
0x6a: {  	_ =	shalt  }
0x6b: {  	_ =	shalt  }
0x6c: {  	_ =	shalt  }
0x6d: {  	_ =	shalt  }
0x6e: {  	_ =	shalt  }
0x6f: {  	_ =	shalt  }
0x70: {  	_ =	shalt  }
0x71: {  	_ =	shalt  }
0x72: {  	_ =	shalt  }
0x73: {  	_ =	shalt  }
0x74: {  	_ =	shalt  }
0x75: {  	_ =	shalt  }
0x76: {  	_ =	shalt  }
0x77: {  	_ =	shalt  }
0x78: {  	_ =	shalt  }
0x79: {  	_ =	shalt  }
0x7a: {  	_ =	shalt  }
0x7b: {  	_ =	shalt  }
0x7c: {  	_ =	shalt  }
0x7d: {  	_ =	shalt  }
0x7e: {  	_ =	shalt  }
0x7f: {  	_ =	shalt  }
0x80: {  	_ =	shalt  }
0x81: {  	_ =	shalt  }
0x82: {  	_ =	shalt  }
0x83: {  	_ =	shalt  }
0x84: {  	_ =	shalt  }
0x85: {  	_ =	shalt  }
0x86: {  	_ =	shalt  }
0x87: {  	_ =	shalt  }
.Lfunc_end0:
.L_simem_size_0:
called_computation_lowered:
.L_overlay_start_0:
0x88: {  	s2 =	sld [smem:$0x3FD9]  }
0x89: {  	s3 =	sld [smem:$0x3FFE];
	_ =	sdelay $0x1  }
0x8a: {  	s1 =	srdreg.scid  }
0x8b: {  	s0 =	sand.u32 $0x1, s1  }
0x8c: {  	s15 =	sshll.u32 s0, $0xA;
	s2 =	sadd.s32 s3, s2  }
0x8d: {  	s2 =	sadd.s32 s2, s15  }
0x8e: {  	[smem:$0x3FC2] =	sst s2  }
0x8f: {  	_ = 	snop  }
0x90: {  	s2 =	sld [smem:$0x3FC9]  }
0x91: {  	s16 =	sld [smem:$0x3FC8]  }
0x92: {  	s4 =	sld [smem:$0x3FC7]  }
0x93: {  	s5 =	sld [smem:$0x3FD0]  }
0x94: {  	s6 =	sld [smem:$0x3FC6]  }
0x95: {  	s7 =	sld [smem:$0x3FC5]  }
0x96: {  	s9 =	simm.s32 $0xA;
	s10 =	simm.s32 $0x10;
	s8 =	sld [smem:$0x3FC4]  }
0x97: {  	[smem:s10], [sflag:s9] =	dma.local [hbm:s5], $0x1  }
0x98: {  	_ =	swait.eq [sflag:s9], $0x1  }
0x99: {  	[sflag:s9] =	ssyncset.done $0x0  }
0x9a: {  	s17 =	sld [smem:$0x10];
	[sflag:s9] =	ssyncadd.s32 $0xFFFFFFFF  }
0x9b: {  	s18 =	sld [smem:$0x11];
	(tm) =	ssettm $0x1  }
0x9c: {  	s19 =	sld [smem:$0x3FFB];
	_ =	sdelay $0x3  }
0x9d: {  	_ =	strace s19  }
0x9e: {  	s10 =	sld [smem:$0x3FFC];
	_ =	sdelay $0x3  }
0x9f: {  	_ =	strace s10  }
0xa0: {  	s10 =	sld [smem:$0x3FFD];
	_ =	sdelay $0x3  }
0xa1: {  	_ =	strace s10  }
0xa2: {  	_ =	strace $0x8FFFFFFF  }
0xa3: {  	s20 =	sld [smem:$0x3FDB];
	_ =	sdelay $0x1  }
0xa4: {  	s11 =	simm.s32 $_scs_section_size  }
0xa5: {  	s12 =	simm.s32 $_size__tile_overlayer_lowered;
	s13 =	simm.s32 $_tile_overlayer_lowered  }
0xa6: {  	s23 =	simm.s32 $0x1BFF;
	s22 =	sshll.u32 s13, $0x1;
	s10 =	sadd.s32 s11, s20  }
0xa7: {  	s14 =	simm.s32 $0x0;
	s21 =	sshll.u32 s12, $0x1;
	s12 =	sadd.s32 s22, s10  }
0xa8: {  	[timem:s14], [sflag:s23] =	dma.local [hbm:s12], s21  }
0xa9: {  	_ =	swait.ge [sflag:s23], s21  }
0xaa: {  	s11 =	ssub.s32 $0x0, s21;
	[sflag:s23] =	ssyncset.done $0x0  }
0xab: {  	[sflag:s23] =	ssyncadd.s32 s11;
	_ =	sdelay $0x1  }
0xac: {  	s24 =	simm.s32 $0x1B8B  }
0xad: {  	_ =	swait.ge [sflag:s24], $0x1  }
0xae: {  	[sflag:s24] =	ssyncset.done $0x0  }
0xaf: {  	s25 =	simm.s32 $0x1B8E;
	[sflag:s24] =	ssyncadd.s32 $0xFFFFFFFF  }
0xb0: {  	s26 =	simm.s32 $execute0_lowered;
	[smem:$0x3FD2] =	sst s25  }
0xb1: {  	s11 =	sshll.u32 s26, $0x1;
	_ =	strace $0x80000046;
	[dreg:$0x1] =	wrdreg $0xFFFFFFFF  }
0xb2: {  	s28 =	simm.s32 $_size_execute0_lowered;
	s10 =	sadd.s32 s10, s11;
	[dreg:$0x0] =	wrdreg $0x0  }
0xb3: {  	s11 =	sshll.u32 s28, $0x1;
	[dreg:$0x2] =	wrdreg s10  }
0xb4: {  	[dreg:$0x3] =	wrdreg s11  }
0xb5: {  	[dreg:$0x4] =	wrdreg $0xC0  }
0xb6: {  	_ =	task [dreg:s14], $0x5FFFF  }
0xb7: {  	[dreg:$0x1] =	wrdreg $0xFFFFFFFF  }
0xb8: {  	[dreg:$0x0] =	wrdreg $0x60  }
0xb9: {  	[dreg:$0x2] =	wrdreg s7  }
0xba: {  	[dreg:$0x3] =	wrdreg s8  }
0xbb: {  	[dreg:$0x4] =	wrdreg s2  }
0xbc: {  	[dreg:$0x5] =	wrdreg s16  }
0xbd: {  	[dreg:$0x6] =	wrdreg s4  }
0xbe: {  	[dreg:$0x7] =	wrdreg s6  }
0xbf: {  	[dreg:$0x8] =	wrdreg s17  }
0xc0: {  	[dreg:$0x9] =	wrdreg s18  }
0xc1: {  	[dreg:$0xa] =	wrdreg $0x9  }
0xc2: {  	_ =	task.clear_ibuf [dreg:s14], $0xBFFFF;
	_ =	strace $0x90000046  }
0xc3: {  	s29 =	simm.s32 $0x9;
	_ =	strace $0x80000048  }
0xc4: {  	_ =	swait.ge [sflag:s29], $0x1  }
0xc5: {  	[sflag:s29] =	ssyncadd.s32 $0xFFFFFFFF  }
0xc6: {  	_ =	strace $0x90000048  }
0xc7: {  	_ =	sfence  }
0xc8: {  	s30 =	sld [smem:$0x0];
	_ =	sdelay $0x2  }
0xc9: {  	s31 =	sshll.u32 s1, $0xD;
	s1 =	sshrl.u32 s1, $0x2  }
0xca: {  	s3 =	sand.u32 $0x4000, s31;
	s1 =	sadd.s32 s1, s30  }
0xcb: {  	s0 =	sor.u32 s3, s0;
	s1 =	sshll.u32 s1, $0x11  }
0xcc: {  	s0 =	sor.u32 s1, s0  }
0xcd: {  	s0 =	sadd.s32 $0x8F2B, s0  }
0xce: {  	[sflag:s0] =	ssyncadd.remote.s32 $0x1  }
0xcf: {  	_ =	sfence.sel $0xFFFF  }
0xd0: {  	[dreg:$0x0] =	wrdreg $0xFFFFFFFF;
	(pc) =	sbr.abs _section_cstart, $3  }
0xd1: {  	[dreg:$0x1] =	wrdreg $0xFFFFFFFF  }
0xd2: {  	_ =	task.clear_ibuf [dreg:s14], $0x2FFFF;
	_ =	strace $0x9FFFFFFF  }
0xd3: {  	(tm) =	ssettm $0x7FFFFFFF  }
tec
execute0_lowered:
.L_overlay_start_1:
0x0: {  	(tag) =	ssettag $0x1  }
0x1: {  	s0 =	rddreg [dreg:$0x0]  }
0x2: {  	s1 =	rddreg [dreg:$0x1]  }
0x3: {  	s2 =	rddreg [dreg:$0x2]  }
0x4: {  	s3 =	rddreg [dreg:$0x3]  }
0x5: {  	s5 =	rddreg [dreg:$0x4]  }
0x6: {  	s6 =	rddreg [dreg:$0x5]  }
0x7: {  	s7 =	rddreg [dreg:$0x6]  }
0x8: {  	s10 =	rddreg [dreg:$0x7]  }
0x9: {  	s4 =	srdreg.scid;
	s9 =	stileid.u32;
	v0 =	vlaneseq.u32;
	s16 =	simm.s32 $0x10  }
0xa: {  	s20 =	simm.s32 $0x100;
	s22 =	simm.s32 $0x2E00;
	s23 =	simm.s32 $0x3E00;
	v1 =	vadd.s32 $0x11, v0  }
0xb: {  	s24 =	simm.s32 $0x4E00;
	s28 =	simm.s32 $0x17800;
	s29 =	simm.s32 $0x17910;
	v2 =	vadd.s32 $0x22, v0;
	v3 =	vadd.s32 $0x33, v0;
	v4 =	vadd.s32 $0x44, v0  }
0xc: {  	s30 =	simm.s32 $0x2;
	s8 =	sand.u32 $0x1, s4;
	s4 =	simm.s32 $0x0;
	v5 =	vadd.s32 $0x55, v0;
	v6 =	vadd.s32 $0x66, v0;
	v7 =	vadd.s32 $0x77, v0  }
0xd: {  	s9 =	sshll.u32 s9, $0xA;
	v8 =	vadd.s32 $0x88, v0;
	v9 =	vadd.s32 $0x99, v0;
	v10 =	vadd.s32 $0xAA, v0;
	s11 =	sshll.u32 s8, $0x9;
	s8 =	ssub.s32 $0x2, s8  }
0xe: {  	v11 =	vadd.s32 $0xBB, v0;
	v12 =	vadd.s32 $0xCC, v0;
	v13 =	vmul.u32 $0x11, v0;
	[smem:$0x7FF] =	sst s4;
	s9 =	sor.u32 s11, s9;
	s25 =	sshrl.u32 s8, $0x1  }
0xf: {  	v14 =	vadd.s32 $0xDD, v0;
	v15 =	vadd.s32 $0xEE, v0;
	v16 =	vadd.s32 $0xFF, v0;
	_ =	strace $0x80000047;
	s12 =	sshrl.u32 s9, $0x3;
	s11 =	ssub.s32 s8, s25  }
0x10: {  	v17 =	vadd.s32 $0x1, v13;
	v18 =	vadd.s32 $0x2, v13;
	v24 =	vadd.s32 $0x8, v13;
	s26 =	sshll.u32 s9, $0x1;
	s25 =	simm.s32 $0xD600;
	s2 =	sadd.s32 s2, s12  }
0x11: {  	v19 =	vadd.s32 $0x3, v13;
	v20 =	vadd.s32 $0x4, v13;
	v25 =	vadd.s32 $0x9, v13;
	s3 =	sadd.s32 s3, s12;
	s31 =	sadd.s32 s5, s12;
	s8 =	sadd.s32 s6, s26  }
0x12: {  	v21 =	vadd.s32 $0x5, v13;
	v22 =	vadd.s32 $0x6, v13;
	v26 =	vadd.s32 $0xA, v13;
	s9 =	sadd.s32 s7, s12;
	s10 =	sadd.s32 s10, s26;
	[dreg:$0x9] =	wrdreg s2  }
0x13: {  	v23 =	vadd.s32 $0x7, v13;
	v27 =	vadd.s32 $0xB, v13;
	v28 =	vadd.s32 $0xC, v13;
	s11 =	smax.u32 s11, $0x1;
	s12 =	simm.s32 $0x3;
	[dreg:$0xa] =	wrdreg s3  }
0x14: {  	v29 =	vadd.s32 $0xD, v13;
	v30 =	vadd.s32 $0xE, v13;
	v31 =	vadd.s32 $0xF, v13;
	s26 =	simm.s32 $0x1;
	[dreg:$0xb] =	wrdreg s31;
	s3 =	simm.s32 $0x0  }
.LBB2_1:
0x15: {  	s2 =	rddreg [dreg:$0x9]  }
0x16: {  	[tilespmem:s4], [sflag:$0x3] =	stream.linear.gather [hbm4b:s2+s4], $0x200, $0x38;
	[tilespmem:$0x17A20] =	vst v63  }
0x17: {  	_ =	swait.ge [sflag:s12], $0x200  }
0x18: {  	[sflag:s12] =	ssyncset.done $0x0  }
0x19: {  	s5 =	simm.s32 $0x200;
	s15 =	rddreg [dreg:$0xa];
	[sflag:s12] =	ssyncadd.s32 $0xFFFFFE00  }
0x1a: {  	[tilespmem:s5], [sflag:$0x3] =	stream.linear.gather [hbm4b:s15+s4], $0x200, $0x38;
	[tilespmem:$0x17A20] =	vst v63  }
0x1b: {  	_ =	swait.ge [sflag:s12], $0x200  }
0x1c: {  	[sflag:s12] =	ssyncset.done $0x0  }
0x1d: {  	s6 =	simm.s32 $0x400;
	s17 =	rddreg [dreg:$0xb];
	[sflag:s12] =	ssyncadd.s32 $0xFFFFFE00  }
0x1e: {  	[tilespmem:s6], [sflag:$0x3] =	stream.linear.gather [hbm4b:s17+s4], $0x200, $0x38;
	[tilespmem:$0x17A20] =	vst v63  }
0x1f: {  	_ =	swait.ge [sflag:s12], $0x200  }
0x20: {  	[sflag:s12] =	ssyncset.done $0x0  }
0x21: {  	s18 =	simm.s32 $0x600;
	[sflag:s12] =	ssyncadd.s32 $0xFFFFFE00  }
0x22: {  	[tilespmem:s18], [sflag:$0x3] =	stream.linear.gather [hbm4b:s8+s4], $0x2000, $0x38;
	[tilespmem:$0x17A20] =	vst v63  }
0x23: {  	_ =	swait.ge [sflag:s12], $0x2000  }
0x24: {  	[sflag:s12] =	ssyncset.done $0x0  }
0x25: {  	s7 =	simm.s32 $0x2600;
	[sflag:s12] =	ssyncadd.s32 $0xFFFFE000  }
0x26: {  	[tilespmem:s7], [sflag:$0x1] =	stream.indirect.gather [hbm4b:s0+s16], $0x80, s4, s16, $0xb8;
	[tilespmem:$0x17A20] =	vst v63  }
0x27: {  	s19 =	simm.s32 $0x3600  }
0x28: {  	[tilespmem:s19], [sflag:$0x1] =	stream.indirect.gather [hbm4b:s1+s16], $0x80, s5, s16, $0xb8;
	[tilespmem:$0x17A20] =	vst v63  }
0x29: {  	s21 =	simm.s32 $0x4600  }
0x2a: {  	[tilespmem:s21], [sflag:$0x1] =	stream.indirect.gather [hbm4b:s0+s16], $0x80, s6, s16, $0xb8;
	[tilespmem:$0x17A20] =	vst v63  }
0x2b: {  	s31 =	simm.s32 $0x5600  }
0x2c: {  	[tilespmem:s31], [sflag:$0x1] =	stream.indirect.gather [hbm4b:s0+s20], $0x80, s18, s20, $0xb8;
	[tilespmem:$0x17A20] =	vst v63  }
0x2d: {  	s19 =	simm.s32 $0x0;
	s6 =	simm.s32 $0x15900;
	s18 =	simm.s32 $0x15800  }
.LBB2_2:
0x2e: {  	s2 =	sshllo.u32 s19, $0x1  }
0x2f: {  	s21 =	sshll.u32 s2, $0x4  }
0x30: {  	[tilespmem:s22], [sflag:$0x2] =	stream.indirect.gather [hbm4b:s0+s16], $0x80, s21, s16, $0xb8;
	[tilespmem:$0x17A20] =	vst v63  }
0x31: {  	s2 =	sshll.u32 s2, $0x8;
	s5 =	sadd.s32 $0x200, s21  }
0x32: {  	[tilespmem:s23], [sflag:$0x2] =	stream.indirect.gather [hbm4b:s1+s16], $0x80, s5, s16, $0xb8;
	[tilespmem:$0x17A20] =	vst v63  }
0x33: {  	s31 =	sadd.s32 $0x400, s21;
	s2 =	sand.u32 $0x3FFFFF00, s2  }
0x34: {  	[tilespmem:s24], [sflag:$0x2] =	stream.indirect.gather [hbm4b:s0+s16], $0x80, s31, s16, $0xb8;
	[tilespmem:$0x17A20] =	vst v63  }
0x35: {  	s2 =	sadd.s32 $0x600, s2  }
0x36: {  	[tilespmem:s25], [sflag:$0x2] =	stream.indirect.gather [hbm4b:s0+s20], $0x80, s2, s20, $0xb8;
	[tilespmem:$0x17A20] =	vst v63  }
0x37: {  	_ =	swait.ge [sflag:s26], $0x800  }
0x38: {  	[sflag:s26] =	ssyncset.done $0x0  }
0x39: {  	[sflag:s26] =	ssyncadd.s32 $0xFFFFF800  }
0x3a: {  	_ =	swait.ge [sflag:s26], $0x800  }
0x3b: {  	[sflag:s26] =	ssyncset.done $0x0  }
0x3c: {  	[sflag:s26] =	ssyncadd.s32 $0xFFFFF800  }
0x3d: {  	_ =	swait.ge [sflag:s26], $0x800  }
0x3e: {  	[sflag:s26] =	ssyncset.done $0x0  }
0x3f: {  	s7 =	simm.s32 $0x5A00;
	[sflag:s26] =	ssyncadd.s32 $0xFFFFF800  }
0x40: {  	s13 =	simm.s32 $0x3620;
	s14 =	simm.s32 $0x4620;
	_ =	swait.ge [sflag:s26], $0x8000  }
0x41: {  	s15 =	simm.s32 $0x2620;
	s17 =	smov.u32 s18;
	[sflag:s26] =	ssyncset.done $0x0  }
0x42: {  	s5 =	simm.s32 $0x0;
	s2 =	sshll.u32 s19, $0x1;
	[sflag:s26] =	ssyncadd.s32 $0xFFFF8000  }
.LBB2_3:
0x43: {  	v32 =	vld [tilespmem:s15+$0xFFFFFFE0]  }
0x44: {  	v33 =	vld [tilespmem:s13+$0xFFFFFFE0]  }
0x45: {  	v35 =	vld [tilespmem:s15+$0xFFFFFFF0]  }
0x46: {  	v36 =	vld [tilespmem:s13+$0xFFFFFFF0]  }
0x47: {  	v37 =	vld [tilespmem:s15+$0x0]  }
0x48: {  	v38 =	vld [tilespmem:s13+$0x0]  }
0x49: {  	v39 =	vld [tilespmem:s15+$0x10]  }
0x4a: {  	v40 =	vld [tilespmem:s14+$0xFFFFFFE0]  }
0x4b: {  	v41 =	vld [tilespmem:s14+$0xFFFFFFF0]  }
0x4c: {  	v42 =	vld [tilespmem:s13+$0x10]  }
0x4d: {  	v43 =	vld [tilespmem:s14+$0x0]  }
0x4e: {  	v34 =	vadd.f32 v33, v32;
	v35 =	vadd.f32 v36, v35  }
0x4f: {  	v45 =	vld [tilespmem:s14+$0x10];
	v32 =	vadd.f32 v38, v37  }
0x50: {  	v46 =	vsub.f32 v34, v40;
	v47 =	vsub.f32 v35, v41  }
0x51: {  	v33 =	vadd.f32 v42, v39  }
0x52: {  	v48 =	vsub.f32 v32, v43;
	v37 =	vand.u32 $0x7FFFFFFF, v46;
	v38 =	vand.u32 $0x7FFFFFFF, v47  }
0x53: {  	v37 =	vadd.f32 v38, v37  }
0x54: {  	v49 =	vadd.s32 s5, v0;
	v36 =	vsub.f32 v33, v45;
	v39 =	vand.u32 $0x7FFFFFFF, v48  }
0x55: {  	v37 =	vadd.f32 v39, v37  }
0x56: {  	v36 =	vand.u32 $0x7FFFFFFF, v36  }
0x57: {  	v36 =	vadd.f32 v36, v37;
	_ =	sdelay $0x1  }
0x58: {  	[tilespmem:v49+s28+$0x0] =	vst.idx.msk $0xffff, v36  }
0x59: {  	v36 =	vld [tilespmem:s7+$0xFFFFFC00]  }
0x5a: {  	v50 =	vld [tilespmem:s7+$0xFFFFFC10];
	_ =	sdelay $0x1  }
0x5b: {  	v38 =	vld [tilespmem:s7+$0xFFFFFC20];
	_ =	sdelay $0x1  }
0x5c: {  	v51 =	vld [tilespmem:s7+$0xFFFFFC30]  }
0x5d: {  	v36 =	vsub.f32 v34, v36;
	v37 =	vsub.f32 v35, v50;
	_ =	sdelay $0x1  }
0x5e: {  	v38 =	vsub.f32 v32, v38;
	v36 =	vand.u32 $0x7FFFFFFF, v36;
	v37 =	vand.u32 $0x7FFFFFFF, v37  }
0x5f: {  	v36 =	vadd.f32 v37, v36  }
0x60: {  	v53 =	vsub.f32 v33, v51;
	v52 =	vand.u32 $0x7FFFFFFF, v38  }
0x61: {  	v36 =	vadd.f32 v52, v36  }
0x62: {  	v54 =	vand.u32 $0x7FFFFFFF, v53  }
0x63: {  	v36 =	vadd.f32 v54, v36;
	_ =	sdelay $0x1  }
0x64: {  	[tilespmem:v0+s29+$0x0] =	vst.idx.msk $0xffff, v36  }
0x65: {  	v36 =	vld [tilespmem:s7+$0xFFFFFC80]  }
0x66: {  	v55 =	vld [tilespmem:s7+$0xFFFFFC90];
	_ =	sdelay $0x1  }
0x67: {  	v56 =	vld [tilespmem:s7+$0xFFFFFCA0];
	_ =	sdelay $0x1  }
0x68: {  	v57 =	vld [tilespmem:s7+$0xFFFFFCB0]  }
0x69: {  	v36 =	vsub.f32 v34, v36;
	v37 =	vsub.f32 v35, v55;
	_ =	sdelay $0x1  }
0x6a: {  	v38 =	vsub.f32 v32, v56;
	v36 =	vand.u32 $0x7FFFFFFF, v36;
	v37 =	vand.u32 $0x7FFFFFFF, v37  }
0x6b: {  	v36 =	vadd.f32 v37, v36  }
0x6c: {  	v59 =	vsub.f32 v33, v57;
	v58 =	vand.u32 $0x7FFFFFFF, v38  }
0x6d: {  	v36 =	vadd.f32 v58, v36  }
0x6e: {  	v60 =	vand.u32 $0x7FFFFFFF, v59  }
0x6f: {  	v36 =	vadd.f32 v60, v36;
	_ =	sdelay $0x1  }
0x70: {  	[tilespmem:v1+s29+$0x0] =	vst.idx.msk $0xffff, v36  }
0x71: {  	v36 =	vld [tilespmem:s7+$0xFFFFFD00]  }
0x72: {  	v61 =	vld [tilespmem:s7+$0xFFFFFD10];
	_ =	sdelay $0x1  }
0x73: {  	v62 =	vld [tilespmem:s7+$0xFFFFFD20];
	_ =	sdelay $0x1  }
0x74: {  	v63 =	vld [tilespmem:s7+$0xFFFFFD30]  }
0x75: {  	v36 =	vsub.f32 v34, v36;
	v37 =	vsub.f32 v35, v61;
	_ =	sdelay $0x1  }
0x76: {  	v38 =	vsub.f32 v32, v62;
	v36 =	vand.u32 $0x7FFFFFFF, v36;
	v37 =	vand.u32 $0x7FFFFFFF, v37  }
0x77: {  	v36 =	vadd.f32 v37, v36  }
0x78: {  	v41 =	vsub.f32 v33, v63;
	v40 =	vand.u32 $0x7FFFFFFF, v38  }
0x79: {  	v36 =	vadd.f32 v40, v36  }
0x7a: {  	v42 =	vand.u32 $0x7FFFFFFF, v41  }
0x7b: {  	v36 =	vadd.f32 v42, v36;
	_ =	sdelay $0x1  }
0x7c: {  	[tilespmem:v2+s29+$0x0] =	vst.idx.msk $0xffff, v36  }
0x7d: {  	v36 =	vld [tilespmem:s7+$0xFFFFFD80]  }
0x7e: {  	v43 =	vld [tilespmem:s7+$0xFFFFFD90];
	_ =	sdelay $0x1  }
0x7f: {  	v44 =	vld [tilespmem:s7+$0xFFFFFDA0];
	_ =	sdelay $0x1  }
0x80: {  	v45 =	vld [tilespmem:s7+$0xFFFFFDB0]  }
0x81: {  	v36 =	vsub.f32 v34, v36;
	v37 =	vsub.f32 v35, v43;
	_ =	sdelay $0x1  }
0x82: {  	v38 =	vsub.f32 v32, v44;
	v36 =	vand.u32 $0x7FFFFFFF, v36;
	v37 =	vand.u32 $0x7FFFFFFF, v37  }
0x83: {  	v36 =	vadd.f32 v37, v36  }
0x84: {  	v47 =	vsub.f32 v33, v45;
	v46 =	vand.u32 $0x7FFFFFFF, v38  }
0x85: {  	v36 =	vadd.f32 v46, v36  }
0x86: {  	v48 =	vand.u32 $0x7FFFFFFF, v47  }
0x87: {  	v36 =	vadd.f32 v48, v36;
	_ =	sdelay $0x1  }
0x88: {  	[tilespmem:v3+s29+$0x0] =	vst.idx.msk $0xffff, v36  }
0x89: {  	v36 =	vld [tilespmem:s7+$0xFFFFFE00]  }
0x8a: {  	v49 =	vld [tilespmem:s7+$0xFFFFFE10];
	_ =	sdelay $0x1  }
0x8b: {  	v50 =	vld [tilespmem:s7+$0xFFFFFE20];
	_ =	sdelay $0x1  }
0x8c: {  	v51 =	vld [tilespmem:s7+$0xFFFFFE30]  }
0x8d: {  	v36 =	vsub.f32 v34, v36;
	v37 =	vsub.f32 v35, v49;
	_ =	sdelay $0x1  }
0x8e: {  	v38 =	vsub.f32 v32, v50;
	v36 =	vand.u32 $0x7FFFFFFF, v36;
	v37 =	vand.u32 $0x7FFFFFFF, v37  }
0x8f: {  	v36 =	vadd.f32 v37, v36  }
0x90: {  	v53 =	vsub.f32 v33, v51;
	v52 =	vand.u32 $0x7FFFFFFF, v38  }
0x91: {  	v36 =	vadd.f32 v52, v36  }
0x92: {  	v54 =	vand.u32 $0x7FFFFFFF, v53  }
0x93: {  	v36 =	vadd.f32 v54, v36;
	_ =	sdelay $0x1  }
0x94: {  	[tilespmem:v4+s29+$0x0] =	vst.idx.msk $0xffff, v36  }
0x95: {  	v36 =	vld [tilespmem:s7+$0xFFFFFE80]  }
0x96: {  	v55 =	vld [tilespmem:s7+$0xFFFFFE90];
	_ =	sdelay $0x1  }
0x97: {  	v56 =	vld [tilespmem:s7+$0xFFFFFEA0];
	_ =	sdelay $0x1  }
0x98: {  	v57 =	vld [tilespmem:s7+$0xFFFFFEB0]  }
0x99: {  	v36 =	vsub.f32 v34, v36;
	v37 =	vsub.f32 v35, v55;
	_ =	sdelay $0x1  }
0x9a: {  	v38 =	vsub.f32 v32, v56;
	v36 =	vand.u32 $0x7FFFFFFF, v36;
	v37 =	vand.u32 $0x7FFFFFFF, v37  }
0x9b: {  	v36 =	vadd.f32 v37, v36  }
0x9c: {  	v59 =	vsub.f32 v33, v57;
	v58 =	vand.u32 $0x7FFFFFFF, v38  }
0x9d: {  	v36 =	vadd.f32 v58, v36  }
0x9e: {  	v60 =	vand.u32 $0x7FFFFFFF, v59  }
0x9f: {  	v36 =	vadd.f32 v60, v36;
	_ =	sdelay $0x1  }
0xa0: {  	[tilespmem:v5+s29+$0x0] =	vst.idx.msk $0xffff, v36  }
0xa1: {  	v36 =	vld [tilespmem:s7+$0xFFFFFF00]  }
0xa2: {  	v61 =	vld [tilespmem:s7+$0xFFFFFF10];
	_ =	sdelay $0x1  }
0xa3: {  	v62 =	vld [tilespmem:s7+$0xFFFFFF20];
	_ =	sdelay $0x1  }
0xa4: {  	v63 =	vld [tilespmem:s7+$0xFFFFFF30]  }
0xa5: {  	v36 =	vsub.f32 v34, v36;
	v37 =	vsub.f32 v35, v61;
	_ =	sdelay $0x1  }
0xa6: {  	v38 =	vsub.f32 v32, v62;
	v36 =	vand.u32 $0x7FFFFFFF, v36;
	v37 =	vand.u32 $0x7FFFFFFF, v37  }
0xa7: {  	v36 =	vadd.f32 v37, v36  }
0xa8: {  	v41 =	vsub.f32 v33, v63;
	v40 =	vand.u32 $0x7FFFFFFF, v38  }
0xa9: {  	v36 =	vadd.f32 v40, v36  }
0xaa: {  	v42 =	vand.u32 $0x7FFFFFFF, v41  }
0xab: {  	v36 =	vadd.f32 v42, v36;
	_ =	sdelay $0x1  }
0xac: {  	[tilespmem:v6+s29+$0x0] =	vst.idx.msk $0xffff, v36  }
0xad: {  	v36 =	vld [tilespmem:s7+$0xFFFFFF80]  }
0xae: {  	v43 =	vld [tilespmem:s7+$0xFFFFFF90];
	_ =	sdelay $0x1  }
0xaf: {  	v44 =	vld [tilespmem:s7+$0xFFFFFFA0];
	_ =	sdelay $0x1  }
0xb0: {  	v45 =	vld [tilespmem:s7+$0xFFFFFFB0]  }
0xb1: {  	v36 =	vsub.f32 v34, v36;
	v37 =	vsub.f32 v35, v43;
	_ =	sdelay $0x1  }
0xb2: {  	v38 =	vsub.f32 v32, v44;
	v36 =	vand.u32 $0x7FFFFFFF, v36;
	v37 =	vand.u32 $0x7FFFFFFF, v37  }
0xb3: {  	v36 =	vadd.f32 v37, v36  }
0xb4: {  	v47 =	vsub.f32 v33, v45;
	v46 =	vand.u32 $0x7FFFFFFF, v38  }
0xb5: {  	v36 =	vadd.f32 v46, v36  }
0xb6: {  	v48 =	vand.u32 $0x7FFFFFFF, v47  }
0xb7: {  	v36 =	vadd.f32 v48, v36;
	_ =	sdelay $0x1  }
0xb8: {  	[tilespmem:v7+s29+$0x0] =	vst.idx.msk $0xffff, v36  }
0xb9: {  	v36 =	vld [tilespmem:s7+$0x0]  }
0xba: {  	v49 =	vld [tilespmem:s7+$0x10];
	_ =	sdelay $0x1  }
0xbb: {  	v50 =	vld [tilespmem:s7+$0x20];
	_ =	sdelay $0x1  }
0xbc: {  	v51 =	vld [tilespmem:s7+$0x30]  }
0xbd: {  	v36 =	vsub.f32 v34, v36;
	v37 =	vsub.f32 v35, v49;
	_ =	sdelay $0x1  }
0xbe: {  	v38 =	vsub.f32 v32, v50;
	v36 =	vand.u32 $0x7FFFFFFF, v36;
	v37 =	vand.u32 $0x7FFFFFFF, v37  }
0xbf: {  	v36 =	vadd.f32 v37, v36  }
0xc0: {  	v53 =	vsub.f32 v33, v51;
	v52 =	vand.u32 $0x7FFFFFFF, v38  }
0xc1: {  	v36 =	vadd.f32 v52, v36  }
0xc2: {  	v54 =	vand.u32 $0x7FFFFFFF, v53  }
0xc3: {  	v36 =	vadd.f32 v54, v36;
	_ =	sdelay $0x1  }
0xc4: {  	[tilespmem:v8+s29+$0x0] =	vst.idx.msk $0xffff, v36  }
0xc5: {  	v36 =	vld [tilespmem:s7+$0x80]  }
0xc6: {  	v55 =	vld [tilespmem:s7+$0x90];
	_ =	sdelay $0x1  }
0xc7: {  	v56 =	vld [tilespmem:s7+$0xA0];
	_ =	sdelay $0x1  }
0xc8: {  	v57 =	vld [tilespmem:s7+$0xB0]  }
0xc9: {  	v36 =	vsub.f32 v34, v36;
	v37 =	vsub.f32 v35, v55;
	_ =	sdelay $0x1  }
0xca: {  	v38 =	vsub.f32 v32, v56;
	v36 =	vand.u32 $0x7FFFFFFF, v36;
	v37 =	vand.u32 $0x7FFFFFFF, v37  }
0xcb: {  	v36 =	vadd.f32 v37, v36  }
0xcc: {  	v59 =	vsub.f32 v33, v57;
	v58 =	vand.u32 $0x7FFFFFFF, v38  }
0xcd: {  	v36 =	vadd.f32 v58, v36  }
0xce: {  	v60 =	vand.u32 $0x7FFFFFFF, v59  }
0xcf: {  	v36 =	vadd.f32 v60, v36;
	_ =	sdelay $0x1  }
0xd0: {  	[tilespmem:v9+s29+$0x0] =	vst.idx.msk $0xffff, v36  }
0xd1: {  	v36 =	vld [tilespmem:s7+$0x100]  }
0xd2: {  	v61 =	vld [tilespmem:s7+$0x110];
	_ =	sdelay $0x1  }
0xd3: {  	v62 =	vld [tilespmem:s7+$0x120];
	_ =	sdelay $0x1  }
0xd4: {  	v63 =	vld [tilespmem:s7+$0x130]  }
0xd5: {  	v36 =	vsub.f32 v34, v36;
	v37 =	vsub.f32 v35, v61;
	_ =	sdelay $0x1  }
0xd6: {  	v38 =	vsub.f32 v32, v62;
	v36 =	vand.u32 $0x7FFFFFFF, v36;
	v37 =	vand.u32 $0x7FFFFFFF, v37  }
0xd7: {  	v36 =	vadd.f32 v37, v36  }
0xd8: {  	v42 =	vsub.f32 v33, v63;
	v41 =	vand.u32 $0x7FFFFFFF, v38  }
0xd9: {  	v36 =	vadd.f32 v41, v36  }
0xda: {  	v43 =	vand.u32 $0x7FFFFFFF, v42  }
0xdb: {  	v36 =	vadd.f32 v43, v36;
	_ =	sdelay $0x1  }
0xdc: {  	[tilespmem:v10+s29+$0x0] =	vst.idx.msk $0xffff, v36  }
0xdd: {  	v36 =	vld [tilespmem:s7+$0x180]  }
0xde: {  	v44 =	vld [tilespmem:s7+$0x190];
	_ =	sdelay $0x1  }
0xdf: {  	v45 =	vld [tilespmem:s7+$0x1A0];
	_ =	sdelay $0x1  }
0xe0: {  	v46 =	vld [tilespmem:s7+$0x1B0]  }
0xe1: {  	v36 =	vsub.f32 v34, v36;
	v37 =	vsub.f32 v35, v44;
	_ =	sdelay $0x1  }
0xe2: {  	v38 =	vsub.f32 v32, v45;
	v36 =	vand.u32 $0x7FFFFFFF, v36;
	v37 =	vand.u32 $0x7FFFFFFF, v37  }
0xe3: {  	v36 =	vadd.f32 v37, v36  }
0xe4: {  	v48 =	vsub.f32 v33, v46;
	v47 =	vand.u32 $0x7FFFFFFF, v38  }
0xe5: {  	v36 =	vadd.f32 v47, v36  }
0xe6: {  	v49 =	vand.u32 $0x7FFFFFFF, v48  }
0xe7: {  	v36 =	vadd.f32 v49, v36;
	_ =	sdelay $0x1  }
0xe8: {  	[tilespmem:v11+s29+$0x0] =	vst.idx.msk $0xffff, v36  }
0xe9: {  	v36 =	vld [tilespmem:s7+$0x200]  }
0xea: {  	v50 =	vld [tilespmem:s7+$0x210];
	_ =	sdelay $0x1  }
0xeb: {  	v51 =	vld [tilespmem:s7+$0x220];
	_ =	sdelay $0x1  }
0xec: {  	v52 =	vld [tilespmem:s7+$0x230]  }
0xed: {  	v36 =	vsub.f32 v34, v36;
	v37 =	vsub.f32 v35, v50;
	_ =	sdelay $0x1  }
0xee: {  	v38 =	vsub.f32 v32, v51;
	v36 =	vand.u32 $0x7FFFFFFF, v36;
	v37 =	vand.u32 $0x7FFFFFFF, v37  }
0xef: {  	v36 =	vadd.f32 v37, v36  }
0xf0: {  	v54 =	vsub.f32 v33, v52;
	v53 =	vand.u32 $0x7FFFFFFF, v38  }
0xf1: {  	v36 =	vadd.f32 v53, v36  }
0xf2: {  	v55 =	vand.u32 $0x7FFFFFFF, v54  }
0xf3: {  	v36 =	vadd.f32 v55, v36;
	_ =	sdelay $0x1  }
0xf4: {  	[tilespmem:v12+s29+$0x0] =	vst.idx.msk $0xffff, v36  }
0xf5: {  	v36 =	vld [tilespmem:s7+$0x280]  }
0xf6: {  	v56 =	vld [tilespmem:s7+$0x290];
	_ =	sdelay $0x1  }
0xf7: {  	v57 =	vld [tilespmem:s7+$0x2A0];
	_ =	sdelay $0x1  }
0xf8: {  	v58 =	vld [tilespmem:s7+$0x2B0]  }
0xf9: {  	v36 =	vsub.f32 v34, v36;
	v37 =	vsub.f32 v35, v56;
	_ =	sdelay $0x1  }
0xfa: {  	v38 =	vsub.f32 v32, v57;
	v36 =	vand.u32 $0x7FFFFFFF, v36;
	v37 =	vand.u32 $0x7FFFFFFF, v37  }
0xfb: {  	v36 =	vadd.f32 v37, v36  }
0xfc: {  	v60 =	vsub.f32 v33, v58;
	v59 =	vand.u32 $0x7FFFFFFF, v38  }
0xfd: {  	v36 =	vadd.f32 v59, v36  }
0xfe: {  	v61 =	vand.u32 $0x7FFFFFFF, v60  }
0xff: {  	v36 =	vadd.f32 v61, v36;
	_ =	sdelay $0x1  }
0x100: {  	[tilespmem:v14+s29+$0x0] =	vst.idx.msk $0xffff, v36  }
0x101: {  	v36 =	vld [tilespmem:s7+$0x300]  }
0x102: {  	v62 =	vld [tilespmem:s7+$0x310];
	_ =	sdelay $0x1  }
0x103: {  	v63 =	vld [tilespmem:s7+$0x320];
	_ =	sdelay $0x1  }
0x104: {  	v42 =	vld [tilespmem:s7+$0x330]  }
0x105: {  	v36 =	vsub.f32 v34, v36;
	v37 =	vsub.f32 v35, v62;
	_ =	sdelay $0x1  }
0x106: {  	v38 =	vsub.f32 v32, v63;
	v36 =	vand.u32 $0x7FFFFFFF, v36;
	v37 =	vand.u32 $0x7FFFFFFF, v37  }
0x107: {  	v36 =	vadd.f32 v37, v36  }
0x108: {  	v44 =	vsub.f32 v33, v42;
	v43 =	vand.u32 $0x7FFFFFFF, v38  }
0x109: {  	v36 =	vadd.f32 v43, v36  }
0x10a: {  	v45 =	vand.u32 $0x7FFFFFFF, v44  }
0x10b: {  	v36 =	vadd.f32 v45, v36;
	_ =	sdelay $0x1  }
0x10c: {  	[tilespmem:v15+s29+$0x0] =	vst.idx.msk $0xffff, v36  }
0x10d: {  	v36 =	vld [tilespmem:s7+$0x380]  }
0x10e: {  	v46 =	vld [tilespmem:s7+$0x390];
	_ =	sdelay $0x1  }
0x10f: {  	v47 =	vld [tilespmem:s7+$0x3A0];
	_ =	sdelay $0x1  }
0x110: {  	v48 =	vld [tilespmem:s7+$0x3B0]  }
0x111: {  	v34 =	vsub.f32 v34, v36;
	v35 =	vsub.f32 v35, v46;
	_ =	sdelay $0x1  }
0x112: {  	v32 =	vsub.f32 v32, v47;
	v34 =	vand.u32 $0x7FFFFFFF, v34;
	v35 =	vand.u32 $0x7FFFFFFF, v35  }
0x113: {  	v34 =	vadd.f32 v35, v34  }
0x114: {  	v33 =	vsub.f32 v33, v48;
	v32 =	vand.u32 $0x7FFFFFFF, v32  }
0x115: {  	v32 =	vadd.f32 v32, v34  }
0x116: {  	v33 =	vand.u32 $0x7FFFFFFF, v33  }
0x117: {  	v32 =	vadd.f32 v33, v32;
	_ =	sdelay $0x1  }
0x118: {  	[tilespmem:v16+s29+$0x0] =	vst.idx.msk $0xffff, v32  }
0x119: {  	v32 =	vld.idx.msk [tilespmem:v13+s29+$0x0], $0xffff  }
0x11a: {  	v49 =	vld.idx.msk [tilespmem:v17+s29+$0x0], $0xffff;
	_ =	sdelay $0x1  }
0x11b: {  	v50 =	vld.idx.msk [tilespmem:v18+s29+$0x0], $0xffff;
	_ =	sdelay $0x1  }
0x11c: {  	v51 =	vld.idx.msk [tilespmem:v19+s29+$0x0], $0xffff  }
0x11d: {  	v32 =	vadd.f32 v49, v32  }
0x11e: {  	v52 =	vld.idx.msk [tilespmem:v20+s29+$0x0], $0xffff  }
0x11f: {  	v32 =	vadd.f32 v50, v32  }
0x120: {  	v53 =	vld.idx.msk [tilespmem:v21+s29+$0x0], $0xffff  }
0x121: {  	v32 =	vadd.f32 v51, v32  }
0x122: {  	v54 =	vld.idx.msk [tilespmem:v22+s29+$0x0], $0xffff  }
0x123: {  	v32 =	vadd.f32 v52, v32  }
0x124: {  	v55 =	vld.idx.msk [tilespmem:v23+s29+$0x0], $0xffff  }
0x125: {  	v32 =	vadd.f32 v53, v32  }
0x126: {  	v56 =	vld.idx.msk [tilespmem:v24+s29+$0x0], $0xffff  }
0x127: {  	v32 =	vadd.f32 v54, v32  }
0x128: {  	v57 =	vld.idx.msk [tilespmem:v25+s29+$0x0], $0xffff  }
0x129: {  	v32 =	vadd.f32 v55, v32  }
0x12a: {  	v58 =	vld.idx.msk [tilespmem:v26+s29+$0x0], $0xffff  }
0x12b: {  	v32 =	vadd.f32 v56, v32  }
0x12c: {  	v59 =	vld.idx.msk [tilespmem:v27+s29+$0x0], $0xffff  }
0x12d: {  	v32 =	vadd.f32 v57, v32  }
0x12e: {  	v60 =	vld.idx.msk [tilespmem:v28+s29+$0x0], $0xffff  }
0x12f: {  	v32 =	vadd.f32 v58, v32  }
0x130: {  	v61 =	vld.idx.msk [tilespmem:v29+s29+$0x0], $0xffff  }
0x131: {  	v32 =	vadd.f32 v59, v32  }
0x132: {  	v62 =	vld.idx.msk [tilespmem:v30+s29+$0x0], $0xffff  }
0x133: {  	v32 =	vadd.f32 v60, v32  }
0x134: {  	v63 =	vld.idx.msk [tilespmem:v31+s29+$0x0], $0xffff  }
0x135: {  	v32 =	vadd.f32 v61, v32  }
0x136: {  	p0 =	sne.s32 s5, $0xFF  }
.Ltmp0:
0x137: {  	v32 =	vadd.f32 v62, v32;
	(pc) =	sbr.rel @p0 .LBB2_3-.Ltmp0, $4  }
0x138: {  	_ = 	snop  }
0x139: {  	v32 =	vadd.f32 v63, v32  }
0x13a: {  	s13 =	sadd.s32 $0x80, s13;
	s14 =	sadd.s32 $0x80, s14;
	s15 =	sadd.s32 $0x80, s15  }
0x13b: {  	s5 =	sadd.s32 $0x11, s5;
	s7 =	sadd.s32 $0x800, s7;
	[tilespmem:s17+$0x0] =	vst v32;
	s17 =	sadd.s32 $0x10, s17  }
0x13c: {  	_ =	sdelay $0x3  }
0x13d: {  	v32 =	vld.idx.msk [tilespmem:v13+s28+$0x0], $0xffff  }
0x13e: {  	v33 =	vld.idx.msk [tilespmem:v17+s28+$0x0], $0xffff;
	_ =	sdelay $0x1  }
0x13f: {  	v34 =	vld.idx.msk [tilespmem:v18+s28+$0x0], $0xffff;
	_ =	sdelay $0x1  }
0x140: {  	v35 =	vld.idx.msk [tilespmem:v19+s28+$0x0], $0xffff  }
0x141: {  	v32 =	vadd.f32 v33, v32  }
0x142: {  	v42 =	vld.idx.msk [tilespmem:v20+s28+$0x0], $0xffff  }
0x143: {  	v32 =	vadd.f32 v34, v32  }
0x144: {  	v43 =	vld.idx.msk [tilespmem:v21+s28+$0x0], $0xffff  }
0x145: {  	v32 =	vadd.f32 v35, v32  }
0x146: {  	v44 =	vld.idx.msk [tilespmem:v22+s28+$0x0], $0xffff  }
0x147: {  	v32 =	vadd.f32 v42, v32  }
0x148: {  	v45 =	vld.idx.msk [tilespmem:v23+s28+$0x0], $0xffff  }
0x149: {  	v32 =	vadd.f32 v43, v32  }
0x14a: {  	v46 =	vld.idx.msk [tilespmem:v24+s28+$0x0], $0xffff  }
0x14b: {  	v32 =	vadd.f32 v44, v32  }
0x14c: {  	v47 =	vld.idx.msk [tilespmem:v25+s28+$0x0], $0xffff  }
0x14d: {  	v32 =	vadd.f32 v45, v32  }
0x14e: {  	v48 =	vld.idx.msk [tilespmem:v26+s28+$0x0], $0xffff  }
0x14f: {  	v32 =	vadd.f32 v46, v32  }
0x150: {  	v49 =	vld.idx.msk [tilespmem:v27+s28+$0x0], $0xffff  }
0x151: {  	v32 =	vadd.f32 v47, v32  }
0x152: {  	v50 =	vld.idx.msk [tilespmem:v28+s28+$0x0], $0xffff  }
0x153: {  	v32 =	vadd.f32 v48, v32  }
0x154: {  	v51 =	vld.idx.msk [tilespmem:v29+s28+$0x0], $0xffff  }
0x155: {  	v32 =	vadd.f32 v49, v32  }
0x156: {  	v52 =	vld.idx.msk [tilespmem:v30+s28+$0x0], $0xffff  }
0x157: {  	v32 =	vadd.f32 v50, v32  }
0x158: {  	v53 =	vld.idx.msk [tilespmem:v31+s28+$0x0], $0xffff  }
0x159: {  	v32 =	vadd.f32 v51, v32;
	_ =	sdelay $0x1  }
0x15a: {  	v32 =	vadd.f32 v52, v32;
	_ =	sdelay $0x1  }
0x15b: {  	s5 =	sshll.u32 s19, $0x5;
	p0 =	seq.s32 s19, $0xF;
	v32 =	vadd.f32 v53, v32  }
0x15c: {  	s5 =	sand.u32 $0x3FFFFFE0, s5;
	s2 =	sadd.s32 @!p0 $0x2, s2  }
0x15d: {  	s7 =	simm.s32 @!p0 $0x10;
	s13 =	simm.s32 @!p0 $0x2600;
	[tilespmem:s5+$0x15600] =	vst v32;
	s5 =	sshll.u32 @!p0 s2, $0x4  }
0x15e: {  	[tilespmem:s13], [sflag:$0x1] =	stream.indirect.gather @!p0 [hbm4b:s0+s7], $0x80, s5, s7, $0xb8;
	[tilespmem:$0x17A20] =	vst v63  }
0x15f: {  	s14 =	simm.s32 @!p0 $0x3600;
	s2 =	sshll.u32 @!p0 s2, $0x8;
	s13 =	sadd.s32 @!p0 $0x200, s5  }
0x160: {  	[tilespmem:s14], [sflag:$0x1] =	stream.indirect.gather @!p0 [hbm4b:s1+s7], $0x80, s13, s7, $0xb8;
	[tilespmem:$0x17A20] =	vst v63  }
0x161: {  	s5 =	sadd.s32 @!p0 $0x400, s5;
	s2 =	sand.u32 @!p0 $0x3FFFFF00, s2;
	s13 =	simm.s32 @!p0 $0x4600  }
0x162: {  	[tilespmem:s13], [sflag:$0x1] =	stream.indirect.gather @!p0 [hbm4b:s0+s7], $0x80, s5, s7, $0xb8;
	[tilespmem:$0x17A20] =	vst v63  }
0x163: {  	s2 =	sadd.s32 @!p0 $0x600, s2;
	s5 =	simm.s32 @!p0 $0x100;
	s7 =	simm.s32 @!p0 $0x5600  }
0x164: {  	[tilespmem:s7], [sflag:$0x1] =	stream.indirect.gather @!p0 [hbm4b:s0+s5], $0x80, s2, s5, $0xb8;
	[tilespmem:$0x17A20] =	vst v63  }
0x165: {  	_ =	swait.ge [sflag:s30], $0x800  }
0x166: {  	[sflag:s30] =	ssyncset.done $0x0  }
0x167: {  	[sflag:s30] =	ssyncadd.s32 $0xFFFFF800  }
0x168: {  	_ =	swait.ge [sflag:s30], $0x800  }
0x169: {  	[sflag:s30] =	ssyncset.done $0x0  }
0x16a: {  	[sflag:s30] =	ssyncadd.s32 $0xFFFFF800  }
0x16b: {  	_ =	swait.ge [sflag:s30], $0x800  }
0x16c: {  	[sflag:s30] =	ssyncset.done $0x0  }
0x16d: {  	[sflag:s30] =	ssyncadd.s32 $0xFFFFF800  }
0x16e: {  	_ =	swait.ge [sflag:s30], $0x8000  }
0x16f: {  	[sflag:s30] =	ssyncset.done $0x0  }
0x170: {  	s14 =	simm.s32 $0x4E30;
	[sflag:s30] =	ssyncadd.s32 $0xFFFF8000  }
0x171: {  	s15 =	simm.s32 $0x3E30;
	v54 =	vld [tilespmem:s14+$0xFFFFFFD0]  }
0x172: {  	s31 =	simm.s32 $0x2E30;
	v55 =	vld [tilespmem:s15+$0xFFFFFFF0]  }
0x173: {  	v36 =	vld [tilespmem:s31+$0xFFFFFFF0]  }
0x174: {  	v56 =	vld [tilespmem:s15+$0xFFFFFFE0]  }
0x175: {  	v57 =	vld [tilespmem:s31+$0xFFFFFFE0]  }
0x176: {  	v37 =	vld [tilespmem:s31+$0xFFFFFFD0]  }
0x177: {  	v38 =	vld [tilespmem:s15+$0xFFFFFFD0]  }
0x178: {  	v39 =	vld [tilespmem:s14+$0xFFFFFFE0]  }
0x179: {  	v40 =	vld [tilespmem:s15+$0x0]  }
0x17a: {  	v41 =	vld [tilespmem:s31+$0x0]  }
0x17b: {  	v42 =	vld [tilespmem:s14+$0xFFFFFFF0]  }
0x17c: {  	v32 =	vadd.f32 v56, v57;
	v34 =	vadd.f32 v38, v37  }
0x17d: {  	v59 =	vld [tilespmem:s14+$0x0];
	v35 =	vadd.f32 v55, v36  }
0x17e: {  	v58 =	vsub.f32 v32, v39;
	v60 =	vsub.f32 v34, v54  }
0x17f: {  	v33 =	vadd.f32 v40, v41  }
0x180: {  	v61 =	vsub.f32 v35, v42;
	v36 =	vand.u32 $0x7FFFFFFF, v60;
	v37 =	vand.u32 $0x7FFFFFFF, v58  }
0x181: {  	s2 =	simm.s32 $0x0;
	v36 =	vadd.f32 v37, v36  }
0x182: {  	v63 =	vadd.s32 s2, v0;
	v62 =	vsub.f32 v33, v59;
	v39 =	vand.u32 $0x7FFFFFFF, v61  }
0x183: {  	v36 =	vadd.f32 v39, v36  }
0x184: {  	v37 =	vand.u32 $0x7FFFFFFF, v62  }
0x185: {  	v36 =	vadd.f32 v37, v36;
	_ =	sdelay $0x1  }
0x186: {  	s17 =	simm.s32 $0x0;
	[tilespmem:v63+s28+$0x0] =	vst.idx.msk $0xffff, v36  }
0x187: {  	v36 =	vld [tilespmem:s17+$0xD610]  }
0x188: {  	v42 =	vld [tilespmem:s17+$0xD600];
	_ =	sdelay $0x1  }
0x189: {  	v38 =	vld [tilespmem:s17+$0xD620];
	_ =	sdelay $0x1  }
0x18a: {  	v43 =	vld [tilespmem:s17+$0xD630]  }
0x18b: {  	v36 =	vsub.f32 v32, v36;
	v37 =	vsub.f32 v34, v42;
	_ =	sdelay $0x1  }
0x18c: {  	v38 =	vsub.f32 v35, v38;
	v37 =	vand.u32 $0x7FFFFFFF, v37;
	v36 =	vand.u32 $0x7FFFFFFF, v36  }
0x18d: {  	v36 =	vadd.f32 v36, v37  }
0x18e: {  	v45 =	vsub.f32 v33, v43;
	v44 =	vand.u32 $0x7FFFFFFF, v38  }
0x18f: {  	v36 =	vadd.f32 v44, v36  }
0x190: {  	v46 =	vand.u32 $0x7FFFFFFF, v45  }
0x191: {  	v36 =	vadd.f32 v46, v36;
	_ =	sdelay $0x1  }
0x192: {  	[tilespmem:v0+s29+$0x0] =	vst.idx.msk $0xffff, v36  }
0x193: {  	v36 =	vld [tilespmem:s17+$0xD680]  }
0x194: {  	v47 =	vld [tilespmem:s17+$0xD690];
	_ =	sdelay $0x1  }
0x195: {  	v48 =	vld [tilespmem:s17+$0xD6A0];
	_ =	sdelay $0x1  }
0x196: {  	v49 =	vld [tilespmem:s17+$0xD6B0]  }
0x197: {  	v36 =	vsub.f32 v34, v36;
	v37 =	vsub.f32 v32, v47;
	_ =	sdelay $0x1  }
0x198: {  	v38 =	vsub.f32 v35, v48;
	v36 =	vand.u32 $0x7FFFFFFF, v36;
	v37 =	vand.u32 $0x7FFFFFFF, v37  }
0x199: {  	v36 =	vadd.f32 v37, v36  }
0x19a: {  	v50 =	vsub.f32 v33, v49;
	v38 =	vand.u32 $0x7FFFFFFF, v38  }
0x19b: {  	v36 =	vadd.f32 v38, v36  }
0x19c: {  	v37 =	vand.u32 $0x7FFFFFFF, v50  }
0x19d: {  	v36 =	vadd.f32 v37, v36;
	_ =	sdelay $0x1  }
0x19e: {  	[tilespmem:v1+s29+$0x0] =	vst.idx.msk $0xffff, v36  }
0x19f: {  	v36 =	vld [tilespmem:s17+$0xD710]  }
0x1a0: {  	v51 =	vld [tilespmem:s17+$0xD700];
	_ =	sdelay $0x1  }
0x1a1: {  	v52 =	vld [tilespmem:s17+$0xD720];
	_ =	sdelay $0x1  }
0x1a2: {  	v53 =	vld [tilespmem:s17+$0xD730]  }
0x1a3: {  	v37 =	vsub.f32 v34, v51;
	v36 =	vsub.f32 v32, v36;
	_ =	sdelay $0x1  }
0x1a4: {  	v38 =	vsub.f32 v35, v52;
	v37 =	vand.u32 $0x7FFFFFFF, v37;
	v36 =	vand.u32 $0x7FFFFFFF, v36  }
0x1a5: {  	v36 =	vadd.f32 v36, v37  }
0x1a6: {  	v54 =	vsub.f32 v33, v53;
	v38 =	vand.u32 $0x7FFFFFFF, v38  }
0x1a7: {  	v36 =	vadd.f32 v38, v36  }
0x1a8: {  	v37 =	vand.u32 $0x7FFFFFFF, v54  }
0x1a9: {  	v36 =	vadd.f32 v37, v36;
	_ =	sdelay $0x1  }
0x1aa: {  	[tilespmem:v2+s29+$0x0] =	vst.idx.msk $0xffff, v36  }
0x1ab: {  	v36 =	vld [tilespmem:s17+$0xD780]  }
0x1ac: {  	v55 =	vld [tilespmem:s17+$0xD790];
	_ =	sdelay $0x1  }
0x1ad: {  	v56 =	vld [tilespmem:s17+$0xD7A0];
	_ =	sdelay $0x1  }
0x1ae: {  	v57 =	vld [tilespmem:s17+$0xD7B0]  }
0x1af: {  	v36 =	vsub.f32 v34, v36;
	v37 =	vsub.f32 v32, v55;
	_ =	sdelay $0x1  }
0x1b0: {  	v38 =	vsub.f32 v35, v56;
	v36 =	vand.u32 $0x7FFFFFFF, v36;
	v37 =	vand.u32 $0x7FFFFFFF, v37  }
0x1b1: {  	v36 =	vadd.f32 v37, v36  }
0x1b2: {  	v58 =	vsub.f32 v33, v57;
	v38 =	vand.u32 $0x7FFFFFFF, v38  }
0x1b3: {  	v36 =	vadd.f32 v38, v36  }
0x1b4: {  	v37 =	vand.u32 $0x7FFFFFFF, v58  }
0x1b5: {  	v36 =	vadd.f32 v37, v36;
	_ =	sdelay $0x1  }
0x1b6: {  	[tilespmem:v3+s29+$0x0] =	vst.idx.msk $0xffff, v36  }
0x1b7: {  	v36 =	vld [tilespmem:s17+$0xD800]  }
0x1b8: {  	v59 =	vld [tilespmem:s17+$0xD810];
	_ =	sdelay $0x1  }
0x1b9: {  	v60 =	vld [tilespmem:s17+$0xD820];
	_ =	sdelay $0x1  }
0x1ba: {  	v61 =	vld [tilespmem:s17+$0xD830]  }
0x1bb: {  	v36 =	vsub.f32 v34, v36;
	v37 =	vsub.f32 v32, v59;
	_ =	sdelay $0x1  }
0x1bc: {  	v38 =	vsub.f32 v35, v60;
	v36 =	vand.u32 $0x7FFFFFFF, v36;
	v37 =	vand.u32 $0x7FFFFFFF, v37  }
0x1bd: {  	v36 =	vadd.f32 v37, v36  }
0x1be: {  	v62 =	vsub.f32 v33, v61;
	v38 =	vand.u32 $0x7FFFFFFF, v38  }
0x1bf: {  	v36 =	vadd.f32 v38, v36  }
0x1c0: {  	v37 =	vand.u32 $0x7FFFFFFF, v62  }
0x1c1: {  	v36 =	vadd.f32 v37, v36;
	_ =	sdelay $0x1  }
0x1c2: {  	[tilespmem:v4+s29+$0x0] =	vst.idx.msk $0xffff, v36  }
0x1c3: {  	v36 =	vld [tilespmem:s17+$0xD880]  }
0x1c4: {  	v63 =	vld [tilespmem:s17+$0xD890];
	_ =	sdelay $0x1  }
0x1c5: {  	v42 =	vld [tilespmem:s17+$0xD8A0];
	_ =	sdelay $0x1  }
0x1c6: {  	v43 =	vld [tilespmem:s17+$0xD8B0]  }
0x1c7: {  	v36 =	vsub.f32 v34, v36;
	v37 =	vsub.f32 v32, v63;
	_ =	sdelay $0x1  }
0x1c8: {  	v38 =	vsub.f32 v35, v42;
	v36 =	vand.u32 $0x7FFFFFFF, v36;
	v37 =	vand.u32 $0x7FFFFFFF, v37  }
0x1c9: {  	v36 =	vadd.f32 v37, v36  }
0x1ca: {  	v44 =	vsub.f32 v33, v43;
	v38 =	vand.u32 $0x7FFFFFFF, v38  }
0x1cb: {  	v36 =	vadd.f32 v38, v36  }
0x1cc: {  	v37 =	vand.u32 $0x7FFFFFFF, v44  }
0x1cd: {  	v36 =	vadd.f32 v37, v36;
	_ =	sdelay $0x1  }
0x1ce: {  	[tilespmem:v5+s29+$0x0] =	vst.idx.msk $0xffff, v36  }
0x1cf: {  	v36 =	vld [tilespmem:s17+$0xD900]  }
0x1d0: {  	v45 =	vld [tilespmem:s17+$0xD910];
	_ =	sdelay $0x1  }
0x1d1: {  	v46 =	vld [tilespmem:s17+$0xD920];
	_ =	sdelay $0x1  }
0x1d2: {  	v47 =	vld [tilespmem:s17+$0xD930]  }
0x1d3: {  	v36 =	vsub.f32 v34, v36;
	v37 =	vsub.f32 v32, v45;
	_ =	sdelay $0x1  }
0x1d4: {  	v38 =	vsub.f32 v35, v46;
	v36 =	vand.u32 $0x7FFFFFFF, v36;
	v37 =	vand.u32 $0x7FFFFFFF, v37  }
0x1d5: {  	v36 =	vadd.f32 v37, v36  }
0x1d6: {  	v48 =	vsub.f32 v33, v47;
	v38 =	vand.u32 $0x7FFFFFFF, v38  }
0x1d7: {  	v36 =	vadd.f32 v38, v36  }
0x1d8: {  	v37 =	vand.u32 $0x7FFFFFFF, v48  }
0x1d9: {  	v36 =	vadd.f32 v37, v36;
	_ =	sdelay $0x1  }
0x1da: {  	[tilespmem:v6+s29+$0x0] =	vst.idx.msk $0xffff, v36  }
0x1db: {  	v36 =	vld [tilespmem:s17+$0xD980]  }
0x1dc: {  	v49 =	vld [tilespmem:s17+$0xD990];
	_ =	sdelay $0x1  }
0x1dd: {  	v50 =	vld [tilespmem:s17+$0xD9A0];
	_ =	sdelay $0x1  }
0x1de: {  	v51 =	vld [tilespmem:s17+$0xD9B0]  }
0x1df: {  	v36 =	vsub.f32 v34, v36;
	v37 =	vsub.f32 v32, v49;
	_ =	sdelay $0x1  }
0x1e0: {  	v38 =	vsub.f32 v35, v50;
	v36 =	vand.u32 $0x7FFFFFFF, v36;
	v37 =	vand.u32 $0x7FFFFFFF, v37  }
0x1e1: {  	v36 =	vadd.f32 v37, v36  }
0x1e2: {  	v52 =	vsub.f32 v33, v51;
	v38 =	vand.u32 $0x7FFFFFFF, v38  }
0x1e3: {  	v36 =	vadd.f32 v38, v36  }
0x1e4: {  	v37 =	vand.u32 $0x7FFFFFFF, v52  }
0x1e5: {  	v36 =	vadd.f32 v37, v36;
	_ =	sdelay $0x1  }
0x1e6: {  	[tilespmem:v7+s29+$0x0] =	vst.idx.msk $0xffff, v36  }
0x1e7: {  	v36 =	vld [tilespmem:s17+$0xDA00]  }
0x1e8: {  	v53 =	vld [tilespmem:s17+$0xDA10];
	_ =	sdelay $0x1  }
0x1e9: {  	v54 =	vld [tilespmem:s17+$0xDA20];
	_ =	sdelay $0x1  }
0x1ea: {  	v55 =	vld [tilespmem:s17+$0xDA30]  }
0x1eb: {  	v36 =	vsub.f32 v34, v36;
	v37 =	vsub.f32 v32, v53;
	_ =	sdelay $0x1  }
0x1ec: {  	v38 =	vsub.f32 v35, v54;
	v36 =	vand.u32 $0x7FFFFFFF, v36;
	v37 =	vand.u32 $0x7FFFFFFF, v37  }
0x1ed: {  	v36 =	vadd.f32 v37, v36  }
0x1ee: {  	v56 =	vsub.f32 v33, v55;
	v38 =	vand.u32 $0x7FFFFFFF, v38  }
0x1ef: {  	v36 =	vadd.f32 v38, v36  }
0x1f0: {  	v37 =	vand.u32 $0x7FFFFFFF, v56  }
0x1f1: {  	v36 =	vadd.f32 v37, v36;
	_ =	sdelay $0x1  }
0x1f2: {  	[tilespmem:v8+s29+$0x0] =	vst.idx.msk $0xffff, v36  }
0x1f3: {  	v36 =	vld [tilespmem:s17+$0xDA80]  }
0x1f4: {  	v57 =	vld [tilespmem:s17+$0xDA90];
	_ =	sdelay $0x1  }
0x1f5: {  	v58 =	vld [tilespmem:s17+$0xDAA0];
	_ =	sdelay $0x1  }
0x1f6: {  	v59 =	vld [tilespmem:s17+$0xDAB0]  }
0x1f7: {  	v36 =	vsub.f32 v34, v36;
	v37 =	vsub.f32 v32, v57;
	_ =	sdelay $0x1  }
0x1f8: {  	v38 =	vsub.f32 v35, v58;
	v36 =	vand.u32 $0x7FFFFFFF, v36;
	v37 =	vand.u32 $0x7FFFFFFF, v37  }
0x1f9: {  	v36 =	vadd.f32 v37, v36  }
0x1fa: {  	v60 =	vsub.f32 v33, v59;
	v38 =	vand.u32 $0x7FFFFFFF, v38  }
0x1fb: {  	v36 =	vadd.f32 v38, v36  }
0x1fc: {  	v37 =	vand.u32 $0x7FFFFFFF, v60  }
0x1fd: {  	v36 =	vadd.f32 v37, v36;
	_ =	sdelay $0x1  }
0x1fe: {  	[tilespmem:v9+s29+$0x0] =	vst.idx.msk $0xffff, v36  }
0x1ff: {  	v36 =	vld [tilespmem:s17+$0xDB10]  }
0x200: {  	v61 =	vld [tilespmem:s17+$0xDB00];
	_ =	sdelay $0x1  }
0x201: {  	v62 =	vld [tilespmem:s17+$0xDB20];
	_ =	sdelay $0x1  }
0x202: {  	v63 =	vld [tilespmem:s17+$0xDB30]  }
0x203: {  	v36 =	vsub.f32 v32, v36;
	v37 =	vsub.f32 v34, v61;
	_ =	sdelay $0x1  }
0x204: {  	v38 =	vsub.f32 v35, v62;
	v37 =	vand.u32 $0x7FFFFFFF, v37;
	v36 =	vand.u32 $0x7FFFFFFF, v36  }
0x205: {  	v36 =	vadd.f32 v36, v37  }
0x206: {  	v41 =	vsub.f32 v33, v63;
	v38 =	vand.u32 $0x7FFFFFFF, v38  }
0x207: {  	v36 =	vadd.f32 v38, v36  }
0x208: {  	v37 =	vand.u32 $0x7FFFFFFF, v41  }
0x209: {  	v36 =	vadd.f32 v37, v36;
	_ =	sdelay $0x1  }
0x20a: {  	[tilespmem:v10+s29+$0x0] =	vst.idx.msk $0xffff, v36  }
0x20b: {  	v36 =	vld [tilespmem:s17+$0xDB80]  }
0x20c: {  	v42 =	vld [tilespmem:s17+$0xDB90];
	_ =	sdelay $0x1  }
0x20d: {  	v43 =	vld [tilespmem:s17+$0xDBA0];
	_ =	sdelay $0x1  }
0x20e: {  	v44 =	vld [tilespmem:s17+$0xDBB0]  }
0x20f: {  	v36 =	vsub.f32 v34, v36;
	v37 =	vsub.f32 v32, v42;
	_ =	sdelay $0x1  }
0x210: {  	v38 =	vsub.f32 v35, v43;
	v36 =	vand.u32 $0x7FFFFFFF, v36;
	v37 =	vand.u32 $0x7FFFFFFF, v37  }
0x211: {  	v36 =	vadd.f32 v37, v36  }
0x212: {  	v45 =	vsub.f32 v33, v44;
	v38 =	vand.u32 $0x7FFFFFFF, v38  }
0x213: {  	v36 =	vadd.f32 v38, v36  }
0x214: {  	v37 =	vand.u32 $0x7FFFFFFF, v45  }
0x215: {  	v36 =	vadd.f32 v37, v36;
	_ =	sdelay $0x1  }
0x216: {  	[tilespmem:v11+s29+$0x0] =	vst.idx.msk $0xffff, v36  }
0x217: {  	v36 =	vld [tilespmem:s17+$0xDC00]  }
0x218: {  	v46 =	vld [tilespmem:s17+$0xDC10];
	_ =	sdelay $0x1  }
0x219: {  	v47 =	vld [tilespmem:s17+$0xDC20];
	_ =	sdelay $0x1  }
0x21a: {  	v48 =	vld [tilespmem:s17+$0xDC30]  }
0x21b: {  	v36 =	vsub.f32 v34, v36;
	v37 =	vsub.f32 v32, v46;
	_ =	sdelay $0x1  }
0x21c: {  	v38 =	vsub.f32 v35, v47;
	v36 =	vand.u32 $0x7FFFFFFF, v36;
	v37 =	vand.u32 $0x7FFFFFFF, v37  }
0x21d: {  	v36 =	vadd.f32 v37, v36  }
0x21e: {  	v49 =	vsub.f32 v33, v48;
	v38 =	vand.u32 $0x7FFFFFFF, v38  }
0x21f: {  	v36 =	vadd.f32 v38, v36  }
0x220: {  	v37 =	vand.u32 $0x7FFFFFFF, v49  }
0x221: {  	v36 =	vadd.f32 v37, v36;
	_ =	sdelay $0x1  }
0x222: {  	[tilespmem:v12+s29+$0x0] =	vst.idx.msk $0xffff, v36  }
0x223: {  	v36 =	vld [tilespmem:s17+$0xDC80]  }
0x224: {  	v50 =	vld [tilespmem:s17+$0xDC90];
	_ =	sdelay $0x1  }
0x225: {  	v51 =	vld [tilespmem:s17+$0xDCA0];
	_ =	sdelay $0x1  }
0x226: {  	v52 =	vld [tilespmem:s17+$0xDCB0]  }
0x227: {  	v36 =	vsub.f32 v34, v36;
	v37 =	vsub.f32 v32, v50;
	_ =	sdelay $0x1  }
0x228: {  	v38 =	vsub.f32 v35, v51;
	v36 =	vand.u32 $0x7FFFFFFF, v36;
	v37 =	vand.u32 $0x7FFFFFFF, v37  }
0x229: {  	v36 =	vadd.f32 v37, v36  }
0x22a: {  	v53 =	vsub.f32 v33, v52;
	v38 =	vand.u32 $0x7FFFFFFF, v38  }
0x22b: {  	v36 =	vadd.f32 v38, v36  }
0x22c: {  	v37 =	vand.u32 $0x7FFFFFFF, v53  }
0x22d: {  	v36 =	vadd.f32 v37, v36;
	_ =	sdelay $0x1  }
0x22e: {  	[tilespmem:v14+s29+$0x0] =	vst.idx.msk $0xffff, v36  }
0x22f: {  	v36 =	vld [tilespmem:s17+$0xDD10]  }
0x230: {  	v54 =	vld [tilespmem:s17+$0xDD00];
	_ =	sdelay $0x1  }
0x231: {  	v55 =	vld [tilespmem:s17+$0xDD20];
	_ =	sdelay $0x1  }
0x232: {  	v56 =	vld [tilespmem:s17+$0xDD30]  }
0x233: {  	v36 =	vsub.f32 v32, v36;
	v37 =	vsub.f32 v34, v54;
	_ =	sdelay $0x1  }
0x234: {  	v38 =	vsub.f32 v35, v55;
	v36 =	vand.u32 $0x7FFFFFFF, v36;
	v37 =	vand.u32 $0x7FFFFFFF, v37  }
0x235: {  	v36 =	vadd.f32 v36, v37  }
0x236: {  	v57 =	vsub.f32 v33, v56;
	v38 =	vand.u32 $0x7FFFFFFF, v38  }
0x237: {  	v36 =	vadd.f32 v38, v36  }
0x238: {  	v37 =	vand.u32 $0x7FFFFFFF, v57  }
0x239: {  	v36 =	vadd.f32 v37, v36;
	_ =	sdelay $0x1  }
0x23a: {  	[tilespmem:v15+s29+$0x0] =	vst.idx.msk $0xffff, v36  }
0x23b: {  	v36 =	vld [tilespmem:s17+$0xDD80]  }
0x23c: {  	v58 =	vld [tilespmem:s17+$0xDD90];
	_ =	sdelay $0x1  }
0x23d: {  	v59 =	vld [tilespmem:s17+$0xDDA0];
	_ =	sdelay $0x1  }
0x23e: {  	v60 =	vld [tilespmem:s17+$0xDDB0]  }
0x23f: {  	v34 =	vsub.f32 v34, v36;
	v32 =	vsub.f32 v32, v58;
	_ =	sdelay $0x1  }
0x240: {  	v35 =	vsub.f32 v35, v59;
	v34 =	vand.u32 $0x7FFFFFFF, v34;
	v32 =	vand.u32 $0x7FFFFFFF, v32  }
0x241: {  	v32 =	vadd.f32 v32, v34  }
0x242: {  	v33 =	vsub.f32 v33, v60;
	v61 =	vand.u32 $0x7FFFFFFF, v35  }
0x243: {  	v32 =	vadd.f32 v61, v32  }
0x244: {  	v33 =	vand.u32 $0x7FFFFFFF, v33  }
0x245: {  	v32 =	vadd.f32 v33, v32;
	_ =	sdelay $0x1  }
0x246: {  	[tilespmem:v16+s29+$0x0] =	vst.idx.msk $0xffff, v32  }
0x247: {  	v62 =	vld.idx.msk [tilespmem:v13+s29+$0x0], $0xffff  }
0x248: {  	v63 =	vld.idx.msk [tilespmem:v17+s29+$0x0], $0xffff  }
0x249: {  	v37 =	vld.idx.msk [tilespmem:v18+s29+$0x0], $0xffff  }
0x24a: {  	v36 =	vld.idx.msk [tilespmem:v19+s29+$0x0], $0xffff  }
0x24b: {  	v35 =	vld.idx.msk [tilespmem:v20+s29+$0x0], $0xffff  }
0x24c: {  	v34 =	vld.idx.msk [tilespmem:v21+s29+$0x0], $0xffff  }
0x24d: {  	s13 =	smov.u32 s6;
	s5 =	simm.s32 $0x4EB0;
	v32 =	vld.idx.msk [tilespmem:v22+s29+$0x0], $0xffff  }
0x24e: {  	s14 =	simm.s32 $0x2000;
	s15 =	simm.s32 $0x3EB0;
	s17 =	smov.u32 s6;
	v33 =	vld.idx.msk [tilespmem:v23+s29+$0x0], $0xffff;
	v38 =	vadd.f32 v63, v62  }
.LBB2_5:
0x24f: {  	v39 =	vld.idx.msk [tilespmem:v24+s29+$0x0], $0xffff;
	s2 =	sadd.s32 $0x11, s2;
	s13 =	sadd.s32 $0x10, s13;
	s31 =	sadd.s32 $0x80, s31  }
0x250: {  	p0 =	sne.s32 s14, $0x1E000;
	s7 =	smov.u32 s14;
	s14 =	sadd.s32 $0x2000, s14;
	v37 =	vadd.f32 v37, v38;
	v38 =	vld.idx.msk [tilespmem:v25+s29+$0x0], $0xffff  }
0x251: {  	v40 =	vld.idx.msk [tilespmem:v26+s29+$0x0], $0xffff  }
0x252: {  	v36 =	vadd.f32 v36, v37;
	v37 =	vld.idx.msk [tilespmem:v27+s29+$0x0], $0xffff  }
0x253: {  	v41 =	vld.idx.msk [tilespmem:v28+s29+$0x0], $0xffff  }
0x254: {  	v35 =	vadd.f32 v35, v36;
	v36 =	vld.idx.msk [tilespmem:v29+s29+$0x0], $0xffff  }
0x255: {  	v42 =	vld.idx.msk [tilespmem:v30+s29+$0x0], $0xffff  }
0x256: {  	v34 =	vadd.f32 v34, v35;
	v35 =	vld.idx.msk [tilespmem:v31+s29+$0x0], $0xffff;
	_ =	sdelay $0x1  }
0x257: {  	v32 =	vadd.f32 v32, v34;
	_ =	sdelay $0x1  }
0x258: {  	v32 =	vadd.f32 v33, v32;
	_ =	sdelay $0x1  }
0x259: {  	v32 =	vadd.f32 v39, v32;
	_ =	sdelay $0x1  }
0x25a: {  	v32 =	vadd.f32 v38, v32;
	_ =	sdelay $0x1  }
0x25b: {  	v32 =	vadd.f32 v40, v32;
	_ =	sdelay $0x1  }
0x25c: {  	v32 =	vadd.f32 v37, v32;
	_ =	sdelay $0x1  }
0x25d: {  	v32 =	vadd.f32 v41, v32;
	_ =	sdelay $0x1  }
0x25e: {  	v32 =	vadd.f32 v36, v32;
	_ =	sdelay $0x1  }
0x25f: {  	v32 =	vadd.f32 v42, v32;
	_ =	sdelay $0x1  }
0x260: {  	v32 =	vadd.f32 v35, v32;
	_ =	sdelay $0x1  }
0x261: {  	[tilespmem:s17+$0x0] =	vst v32;
	s17 =	smov.u32 s13  }
0x262: {  	v36 =	vld [tilespmem:s5+$0xFFFFFFD0]  }
0x263: {  	v33 =	vld [tilespmem:s15+$0xFFFFFFF0]  }
0x264: {  	v34 =	vld [tilespmem:s31+$0xFFFFFFF0]  }
0x265: {  	v32 =	vld [tilespmem:s15+$0xFFFFFFE0]  }
0x266: {  	v35 =	vld [tilespmem:s31+$0xFFFFFFE0]  }
0x267: {  	v37 =	vld [tilespmem:s31+$0xFFFFFFD0]  }
0x268: {  	v38 =	vld [tilespmem:s5+$0xFFFFFFE0]  }
0x269: {  	v39 =	vld [tilespmem:s15+$0xFFFFFFD0]  }
0x26a: {  	v40 =	vld [tilespmem:s15+$0x0]  }
0x26b: {  	v32 =	vadd.f32 v32, v35;
	v41 =	vld [tilespmem:s31+$0x0]  }
0x26c: {  	v42 =	vld [tilespmem:s5+$0xFFFFFFF0]  }
0x26d: {  	v38 =	vsub.f32 v32, v38;
	v43 =	vld [tilespmem:s5+$0x0]  }
0x26e: {  	v35 =	vadd.f32 v39, v37  }
0x26f: {  	v34 =	vadd.f32 v33, v34  }
0x270: {  	v33 =	vadd.f32 v40, v41;
	v36 =	vsub.f32 v35, v36  }
0x271: {  	v37 =	vsub.f32 v34, v42  }
0x272: {  	v38 =	vand.u32 $0x7FFFFFFF, v38;
	v36 =	vand.u32 $0x7FFFFFFF, v36;
	v39 =	vsub.f32 v33, v43  }
0x273: {  	v36 =	vadd.f32 v38, v36  }
0x274: {  	v38 =	vadd.s32 s2, v0;
	v37 =	vand.u32 $0x7FFFFFFF, v37;
	v39 =	vand.u32 $0x7FFFFFFF, v39  }
0x275: {  	v36 =	vadd.f32 v37, v36;
	_ =	sdelay $0x1  }
0x276: {  	v36 =	vadd.f32 v39, v36;
	_ =	sdelay $0x1  }
0x277: {  	s7 =	sshra.s32 s7, $0x2;
	[tilespmem:v38+s28+$0x0] =	vst.idx.msk $0xffff, v36  }
0x278: {  	v36 =	vld [tilespmem:s7+$0xD610];
	_ =	sdelay $0x1  }
0x279: {  	v37 =	vld [tilespmem:s7+$0xD600];
	_ =	sdelay $0x1  }
0x27a: {  	v38 =	vld [tilespmem:s7+$0xD620]  }
0x27b: {  	v36 =	vsub.f32 v32, v36  }
0x27c: {  	v39 =	vld [tilespmem:s7+$0xD630]  }
0x27d: {  	v37 =	vsub.f32 v35, v37;
	_ =	sdelay $0x1  }
0x27e: {  	v36 =	vand.u32 $0x7FFFFFFF, v36;
	v37 =	vand.u32 $0x7FFFFFFF, v37;
	v38 =	vsub.f32 v34, v38  }
0x27f: {  	v36 =	vadd.f32 v36, v37  }
0x280: {  	v37 =	vand.u32 $0x7FFFFFFF, v38;
	v38 =	vsub.f32 v33, v39  }
0x281: {  	v36 =	vadd.f32 v37, v36  }
0x282: {  	v37 =	vand.u32 $0x7FFFFFFF, v38  }
0x283: {  	v36 =	vadd.f32 v37, v36;
	_ =	sdelay $0x1  }
0x284: {  	[tilespmem:v0+s29+$0x0] =	vst.idx.msk $0xffff, v36  }
0x285: {  	v36 =	vld [tilespmem:s7+$0xD680]  }
0x286: {  	v37 =	vld [tilespmem:s7+$0xD690]  }
0x287: {  	v38 =	vld [tilespmem:s7+$0xD6A0]  }
0x288: {  	v39 =	vld [tilespmem:s7+$0xD6B0];
	_ =	sdelay $0x1  }
0x289: {  	v36 =	vsub.f32 v35, v36  }
0x28a: {  	v37 =	vsub.f32 v32, v37  }
0x28b: {  	v36 =	vand.u32 $0x7FFFFFFF, v36;
	v38 =	vsub.f32 v34, v38  }
0x28c: {  	v37 =	vand.u32 $0x7FFFFFFF, v37;
	v39 =	vsub.f32 v33, v39  }
0x28d: {  	v36 =	vadd.f32 v37, v36  }
0x28e: {  	v37 =	vand.u32 $0x7FFFFFFF, v38  }
0x28f: {  	v36 =	vadd.f32 v37, v36  }
0x290: {  	v37 =	vand.u32 $0x7FFFFFFF, v39  }
0x291: {  	v36 =	vadd.f32 v37, v36;
	_ =	sdelay $0x1  }
0x292: {  	[tilespmem:v1+s29+$0x0] =	vst.idx.msk $0xffff, v36  }
0x293: {  	v36 =	vld [tilespmem:s7+$0xD710]  }
0x294: {  	v37 =	vld [tilespmem:s7+$0xD700]  }
0x295: {  	v38 =	vld [tilespmem:s7+$0xD730]  }
0x296: {  	v39 =	vld [tilespmem:s7+$0xD720];
	_ =	sdelay $0x2  }
0x297: {  	v36 =	vsub.f32 v32, v36;
	v37 =	vsub.f32 v35, v37  }
0x298: {  	v38 =	vsub.f32 v33, v38  }
0x299: {  	v36 =	vand.u32 $0x7FFFFFFF, v36;
	v37 =	vand.u32 $0x7FFFFFFF, v37;
	v39 =	vsub.f32 v34, v39  }
0x29a: {  	v36 =	vadd.f32 v36, v37  }
0x29b: {  	v37 =	vand.u32 $0x7FFFFFFF, v39  }
0x29c: {  	v36 =	vadd.f32 v37, v36  }
0x29d: {  	v37 =	vand.u32 $0x7FFFFFFF, v38  }
0x29e: {  	v36 =	vadd.f32 v37, v36;
	_ =	sdelay $0x1  }
0x29f: {  	[tilespmem:v2+s29+$0x0] =	vst.idx.msk $0xffff, v36  }
0x2a0: {  	v36 =	vld [tilespmem:s7+$0xD780]  }
0x2a1: {  	v37 =	vld [tilespmem:s7+$0xD790]  }
0x2a2: {  	v38 =	vld [tilespmem:s7+$0xD7A0]  }
0x2a3: {  	v39 =	vld [tilespmem:s7+$0xD7B0];
	_ =	sdelay $0x1  }
0x2a4: {  	v36 =	vsub.f32 v35, v36  }
0x2a5: {  	v37 =	vsub.f32 v32, v37  }
0x2a6: {  	v38 =	vsub.f32 v34, v38  }
0x2a7: {  	v36 =	vand.u32 $0x7FFFFFFF, v36;
	v37 =	vand.u32 $0x7FFFFFFF, v37;
	v39 =	vsub.f32 v33, v39  }
0x2a8: {  	v36 =	vadd.f32 v37, v36  }
0x2a9: {  	v37 =	vand.u32 $0x7FFFFFFF, v38  }
0x2aa: {  	v36 =	vadd.f32 v37, v36  }
0x2ab: {  	v37 =	vand.u32 $0x7FFFFFFF, v39  }
0x2ac: {  	v36 =	vadd.f32 v37, v36;
	_ =	sdelay $0x1  }
0x2ad: {  	[tilespmem:v3+s29+$0x0] =	vst.idx.msk $0xffff, v36  }
0x2ae: {  	v36 =	vld [tilespmem:s7+$0xD800]  }
0x2af: {  	v37 =	vld [tilespmem:s7+$0xD810]  }
0x2b0: {  	v38 =	vld [tilespmem:s7+$0xD820]  }
0x2b1: {  	v39 =	vld [tilespmem:s7+$0xD830];
	_ =	sdelay $0x1  }
0x2b2: {  	v36 =	vsub.f32 v35, v36  }
0x2b3: {  	v37 =	vsub.f32 v32, v37  }
0x2b4: {  	v38 =	vsub.f32 v34, v38  }
0x2b5: {  	v36 =	vand.u32 $0x7FFFFFFF, v36;
	v37 =	vand.u32 $0x7FFFFFFF, v37;
	v39 =	vsub.f32 v33, v39  }
0x2b6: {  	v36 =	vadd.f32 v37, v36  }
0x2b7: {  	v37 =	vand.u32 $0x7FFFFFFF, v38  }
0x2b8: {  	v36 =	vadd.f32 v37, v36  }
0x2b9: {  	v37 =	vand.u32 $0x7FFFFFFF, v39  }
0x2ba: {  	v36 =	vadd.f32 v37, v36;
	_ =	sdelay $0x1  }
0x2bb: {  	[tilespmem:v4+s29+$0x0] =	vst.idx.msk $0xffff, v36  }
0x2bc: {  	v36 =	vld [tilespmem:s7+$0xD880]  }
0x2bd: {  	v37 =	vld [tilespmem:s7+$0xD890]  }
0x2be: {  	v38 =	vld [tilespmem:s7+$0xD8A0]  }
0x2bf: {  	v39 =	vld [tilespmem:s7+$0xD8B0];
	_ =	sdelay $0x1  }
0x2c0: {  	v36 =	vsub.f32 v35, v36  }
0x2c1: {  	v37 =	vsub.f32 v32, v37  }
0x2c2: {  	v38 =	vsub.f32 v34, v38  }
0x2c3: {  	v36 =	vand.u32 $0x7FFFFFFF, v36;
	v37 =	vand.u32 $0x7FFFFFFF, v37;
	v39 =	vsub.f32 v33, v39  }
0x2c4: {  	v36 =	vadd.f32 v37, v36  }
0x2c5: {  	v37 =	vand.u32 $0x7FFFFFFF, v38  }
0x2c6: {  	v36 =	vadd.f32 v37, v36  }
0x2c7: {  	v37 =	vand.u32 $0x7FFFFFFF, v39  }
0x2c8: {  	v36 =	vadd.f32 v37, v36;
	_ =	sdelay $0x1  }
0x2c9: {  	[tilespmem:v5+s29+$0x0] =	vst.idx.msk $0xffff, v36  }
0x2ca: {  	v36 =	vld [tilespmem:s7+$0xD900]  }
0x2cb: {  	v37 =	vld [tilespmem:s7+$0xD910]  }
0x2cc: {  	v38 =	vld [tilespmem:s7+$0xD920]  }
0x2cd: {  	v39 =	vld [tilespmem:s7+$0xD930];
	_ =	sdelay $0x1  }
0x2ce: {  	v36 =	vsub.f32 v35, v36  }
0x2cf: {  	v37 =	vsub.f32 v32, v37  }
0x2d0: {  	v38 =	vsub.f32 v34, v38  }
0x2d1: {  	v36 =	vand.u32 $0x7FFFFFFF, v36;
	v37 =	vand.u32 $0x7FFFFFFF, v37;
	v39 =	vsub.f32 v33, v39  }
0x2d2: {  	v36 =	vadd.f32 v37, v36  }
0x2d3: {  	v37 =	vand.u32 $0x7FFFFFFF, v38  }
0x2d4: {  	v36 =	vadd.f32 v37, v36  }
0x2d5: {  	v37 =	vand.u32 $0x7FFFFFFF, v39  }
0x2d6: {  	v36 =	vadd.f32 v37, v36;
	_ =	sdelay $0x1  }
0x2d7: {  	[tilespmem:v6+s29+$0x0] =	vst.idx.msk $0xffff, v36  }
0x2d8: {  	v36 =	vld [tilespmem:s7+$0xD980]  }
0x2d9: {  	v37 =	vld [tilespmem:s7+$0xD990]  }
0x2da: {  	v38 =	vld [tilespmem:s7+$0xD9A0]  }
0x2db: {  	v39 =	vld [tilespmem:s7+$0xD9B0];
	_ =	sdelay $0x1  }
0x2dc: {  	v36 =	vsub.f32 v35, v36  }
0x2dd: {  	v37 =	vsub.f32 v32, v37  }
0x2de: {  	v38 =	vsub.f32 v34, v38  }
0x2df: {  	v36 =	vand.u32 $0x7FFFFFFF, v36;
	v37 =	vand.u32 $0x7FFFFFFF, v37;
	v39 =	vsub.f32 v33, v39  }
0x2e0: {  	v36 =	vadd.f32 v37, v36  }
0x2e1: {  	v37 =	vand.u32 $0x7FFFFFFF, v38  }
0x2e2: {  	v36 =	vadd.f32 v37, v36  }
0x2e3: {  	v37 =	vand.u32 $0x7FFFFFFF, v39  }
0x2e4: {  	v36 =	vadd.f32 v37, v36;
	_ =	sdelay $0x1  }
0x2e5: {  	[tilespmem:v7+s29+$0x0] =	vst.idx.msk $0xffff, v36  }
0x2e6: {  	v36 =	vld [tilespmem:s7+$0xDA00]  }
0x2e7: {  	v37 =	vld [tilespmem:s7+$0xDA10]  }
0x2e8: {  	v38 =	vld [tilespmem:s7+$0xDA20]  }
0x2e9: {  	v39 =	vld [tilespmem:s7+$0xDA30];
	_ =	sdelay $0x1  }
0x2ea: {  	v36 =	vsub.f32 v35, v36  }
0x2eb: {  	v37 =	vsub.f32 v32, v37  }
0x2ec: {  	v38 =	vsub.f32 v34, v38  }
0x2ed: {  	v36 =	vand.u32 $0x7FFFFFFF, v36;
	v37 =	vand.u32 $0x7FFFFFFF, v37;
	v39 =	vsub.f32 v33, v39  }
0x2ee: {  	v36 =	vadd.f32 v37, v36  }
0x2ef: {  	v37 =	vand.u32 $0x7FFFFFFF, v38  }
0x2f0: {  	v36 =	vadd.f32 v37, v36  }
0x2f1: {  	v37 =	vand.u32 $0x7FFFFFFF, v39  }
0x2f2: {  	v36 =	vadd.f32 v37, v36;
	_ =	sdelay $0x1  }
0x2f3: {  	[tilespmem:v8+s29+$0x0] =	vst.idx.msk $0xffff, v36  }
0x2f4: {  	v36 =	vld [tilespmem:s7+$0xDA80]  }
0x2f5: {  	v37 =	vld [tilespmem:s7+$0xDA90]  }
0x2f6: {  	v38 =	vld [tilespmem:s7+$0xDAA0]  }
0x2f7: {  	v39 =	vld [tilespmem:s7+$0xDAB0];
	_ =	sdelay $0x1  }
0x2f8: {  	v36 =	vsub.f32 v35, v36  }
0x2f9: {  	v37 =	vsub.f32 v32, v37  }
0x2fa: {  	v38 =	vsub.f32 v34, v38  }
0x2fb: {  	v36 =	vand.u32 $0x7FFFFFFF, v36;
	v37 =	vand.u32 $0x7FFFFFFF, v37;
	v39 =	vsub.f32 v33, v39  }
0x2fc: {  	v36 =	vadd.f32 v37, v36  }
0x2fd: {  	v37 =	vand.u32 $0x7FFFFFFF, v38  }
0x2fe: {  	v36 =	vadd.f32 v37, v36  }
0x2ff: {  	v37 =	vand.u32 $0x7FFFFFFF, v39  }
0x300: {  	v36 =	vadd.f32 v37, v36;
	_ =	sdelay $0x1  }
0x301: {  	[tilespmem:v9+s29+$0x0] =	vst.idx.msk $0xffff, v36  }
0x302: {  	v36 =	vld [tilespmem:s7+$0xDB10]  }
0x303: {  	v37 =	vld [tilespmem:s7+$0xDB20]  }
0x304: {  	v38 =	vld [tilespmem:s7+$0xDB30]  }
0x305: {  	v39 =	vld [tilespmem:s7+$0xDB00];
	_ =	sdelay $0x1  }
0x306: {  	v36 =	vsub.f32 v32, v36  }
0x307: {  	v37 =	vsub.f32 v34, v37  }
0x308: {  	v38 =	vsub.f32 v33, v38  }
0x309: {  	v39 =	vsub.f32 v35, v39;
	_ =	sdelay $0x1  }
0x30a: {  	v36 =	vand.u32 $0x7FFFFFFF, v36;
	v39 =	vand.u32 $0x7FFFFFFF, v39  }
0x30b: {  	v36 =	vadd.f32 v36, v39  }
0x30c: {  	v37 =	vand.u32 $0x7FFFFFFF, v37  }
0x30d: {  	v36 =	vadd.f32 v37, v36  }
0x30e: {  	v37 =	vand.u32 $0x7FFFFFFF, v38  }
0x30f: {  	v36 =	vadd.f32 v37, v36;
	_ =	sdelay $0x1  }
0x310: {  	[tilespmem:v10+s29+$0x0] =	vst.idx.msk $0xffff, v36  }
0x311: {  	v36 =	vld [tilespmem:s7+$0xDB80]  }
0x312: {  	v37 =	vld [tilespmem:s7+$0xDB90]  }
0x313: {  	v38 =	vld [tilespmem:s7+$0xDBA0]  }
0x314: {  	v39 =	vld [tilespmem:s7+$0xDBB0];
	_ =	sdelay $0x1  }
0x315: {  	v36 =	vsub.f32 v35, v36  }
0x316: {  	v37 =	vsub.f32 v32, v37  }
0x317: {  	v38 =	vsub.f32 v34, v38  }
0x318: {  	v36 =	vand.u32 $0x7FFFFFFF, v36;
	v37 =	vand.u32 $0x7FFFFFFF, v37;
	v39 =	vsub.f32 v33, v39  }
0x319: {  	v36 =	vadd.f32 v37, v36  }
0x31a: {  	v37 =	vand.u32 $0x7FFFFFFF, v38  }
0x31b: {  	v36 =	vadd.f32 v37, v36  }
0x31c: {  	v37 =	vand.u32 $0x7FFFFFFF, v39  }
0x31d: {  	v36 =	vadd.f32 v37, v36;
	_ =	sdelay $0x1  }
0x31e: {  	[tilespmem:v11+s29+$0x0] =	vst.idx.msk $0xffff, v36  }
0x31f: {  	v36 =	vld [tilespmem:s7+$0xDC00]  }
0x320: {  	v37 =	vld [tilespmem:s7+$0xDC10]  }
0x321: {  	v38 =	vld [tilespmem:s7+$0xDC20]  }
0x322: {  	v39 =	vld [tilespmem:s7+$0xDC30];
	_ =	sdelay $0x1  }
0x323: {  	v36 =	vsub.f32 v35, v36  }
0x324: {  	v37 =	vsub.f32 v32, v37  }
0x325: {  	v38 =	vsub.f32 v34, v38  }
0x326: {  	v36 =	vand.u32 $0x7FFFFFFF, v36;
	v37 =	vand.u32 $0x7FFFFFFF, v37;
	v39 =	vsub.f32 v33, v39  }
0x327: {  	v36 =	vadd.f32 v37, v36  }
0x328: {  	v37 =	vand.u32 $0x7FFFFFFF, v38  }
0x329: {  	v36 =	vadd.f32 v37, v36  }
0x32a: {  	v37 =	vand.u32 $0x7FFFFFFF, v39  }
0x32b: {  	v36 =	vadd.f32 v37, v36;
	_ =	sdelay $0x1  }
0x32c: {  	[tilespmem:v12+s29+$0x0] =	vst.idx.msk $0xffff, v36  }
0x32d: {  	v36 =	vld [tilespmem:s7+$0xDC80]  }
0x32e: {  	v37 =	vld [tilespmem:s7+$0xDC90]  }
0x32f: {  	v38 =	vld [tilespmem:s7+$0xDCA0]  }
0x330: {  	v39 =	vld [tilespmem:s7+$0xDCB0];
	_ =	sdelay $0x1  }
0x331: {  	v36 =	vsub.f32 v35, v36  }
0x332: {  	v37 =	vsub.f32 v32, v37  }
0x333: {  	v38 =	vsub.f32 v34, v38  }
0x334: {  	v36 =	vand.u32 $0x7FFFFFFF, v36;
	v37 =	vand.u32 $0x7FFFFFFF, v37;
	v39 =	vsub.f32 v33, v39  }
0x335: {  	v36 =	vadd.f32 v37, v36  }
0x336: {  	v37 =	vand.u32 $0x7FFFFFFF, v38  }
0x337: {  	v36 =	vadd.f32 v37, v36  }
0x338: {  	v37 =	vand.u32 $0x7FFFFFFF, v39  }
0x339: {  	v36 =	vadd.f32 v37, v36;
	_ =	sdelay $0x1  }
0x33a: {  	[tilespmem:v14+s29+$0x0] =	vst.idx.msk $0xffff, v36  }
0x33b: {  	v36 =	vld [tilespmem:s7+$0xDD10]  }
0x33c: {  	v37 =	vld [tilespmem:s7+$0xDD00]  }
0x33d: {  	v38 =	vld [tilespmem:s7+$0xDD20]  }
0x33e: {  	v39 =	vld [tilespmem:s7+$0xDD30];
	_ =	sdelay $0x1  }
0x33f: {  	v36 =	vsub.f32 v32, v36  }
0x340: {  	v37 =	vsub.f32 v35, v37  }
0x341: {  	v36 =	vand.u32 $0x7FFFFFFF, v36;
	v38 =	vsub.f32 v34, v38  }
0x342: {  	v37 =	vand.u32 $0x7FFFFFFF, v37;
	v39 =	vsub.f32 v33, v39  }
0x343: {  	v36 =	vadd.f32 v36, v37  }
0x344: {  	v37 =	vand.u32 $0x7FFFFFFF, v38  }
0x345: {  	v36 =	vadd.f32 v37, v36  }
0x346: {  	v37 =	vand.u32 $0x7FFFFFFF, v39  }
0x347: {  	v36 =	vadd.f32 v37, v36;
	_ =	sdelay $0x1  }
0x348: {  	[tilespmem:v15+s29+$0x0] =	vst.idx.msk $0xffff, v36  }
0x349: {  	v36 =	vld [tilespmem:s7+$0xDD80]  }
0x34a: {  	v37 =	vld [tilespmem:s7+$0xDD90]  }
0x34b: {  	v38 =	vld [tilespmem:s7+$0xDDA0]  }
0x34c: {  	v39 =	vld [tilespmem:s7+$0xDDB0];
	_ =	sdelay $0x1  }
0x34d: {  	v35 =	vsub.f32 v35, v36  }
0x34e: {  	v32 =	vsub.f32 v32, v37  }
0x34f: {  	v34 =	vsub.f32 v34, v38  }
0x350: {  	v35 =	vand.u32 $0x7FFFFFFF, v35;
	v32 =	vand.u32 $0x7FFFFFFF, v32;
	v33 =	vsub.f32 v33, v39  }
0x351: {  	v32 =	vadd.f32 v32, v35  }
0x352: {  	v34 =	vand.u32 $0x7FFFFFFF, v34  }
0x353: {  	v32 =	vadd.f32 v34, v32  }
0x354: {  	v33 =	vand.u32 $0x7FFFFFFF, v33  }
0x355: {  	v32 =	vadd.f32 v33, v32;
	_ =	sdelay $0x1  }
0x356: {  	[tilespmem:v16+s29+$0x0] =	vst.idx.msk $0xffff, v32  }
0x357: {  	v33 =	vld.idx.msk [tilespmem:v13+s29+$0x0], $0xffff  }
0x358: {  	v38 =	vld.idx.msk [tilespmem:v17+s29+$0x0], $0xffff  }
0x359: {  	v37 =	vld.idx.msk [tilespmem:v18+s29+$0x0], $0xffff  }
.Ltmp1:
0x35a: {  	v36 =	vld.idx.msk [tilespmem:v19+s29+$0x0], $0xffff;
	(pc) =	sbr.rel @p0 .LBB2_5-.Ltmp1, $4  }
0x35b: {  	v35 =	vld.idx.msk [tilespmem:v20+s29+$0x0], $0xffff  }
0x35c: {  	v34 =	vld.idx.msk [tilespmem:v21+s29+$0x0], $0xffff  }
0x35d: {  	v32 =	vld.idx.msk [tilespmem:v22+s29+$0x0], $0xffff  }
0x35e: {  	s15 =	sadd.s32 $0x80, s15;
	s5 =	sadd.s32 $0x80, s5;
	v38 =	vadd.f32 v38, v33;
	v33 =	vld.idx.msk [tilespmem:v23+s29+$0x0], $0xffff  }
0x35f: {  	_ = 	snop  }
0x360: {  	v37 =	vadd.f32 v37, v38;
	_ =	sdelay $0x1  }
0x361: {  	v36 =	vadd.f32 v36, v37;
	_ =	sdelay $0x1  }
0x362: {  	v35 =	vadd.f32 v35, v36;
	_ =	sdelay $0x1  }
0x363: {  	v34 =	vadd.f32 v34, v35  }
0x364: {  	v41 =	vld.idx.msk [tilespmem:v24+s29+$0x0], $0xffff  }
0x365: {  	v32 =	vadd.f32 v32, v34  }
0x366: {  	v42 =	vld.idx.msk [tilespmem:v25+s29+$0x0], $0xffff  }
0x367: {  	v32 =	vadd.f32 v33, v32  }
0x368: {  	v43 =	vld.idx.msk [tilespmem:v26+s29+$0x0], $0xffff  }
0x369: {  	v32 =	vadd.f32 v41, v32  }
0x36a: {  	v44 =	vld.idx.msk [tilespmem:v27+s29+$0x0], $0xffff  }
0x36b: {  	v32 =	vadd.f32 v42, v32  }
0x36c: {  	v45 =	vld.idx.msk [tilespmem:v28+s29+$0x0], $0xffff  }
0x36d: {  	v32 =	vadd.f32 v43, v32  }
0x36e: {  	v46 =	vld.idx.msk [tilespmem:v29+s29+$0x0], $0xffff  }
0x36f: {  	v32 =	vadd.f32 v44, v32  }
0x370: {  	v47 =	vld.idx.msk [tilespmem:v30+s29+$0x0], $0xffff  }
0x371: {  	v32 =	vadd.f32 v45, v32  }
0x372: {  	v48 =	vld.idx.msk [tilespmem:v31+s29+$0x0], $0xffff  }
0x373: {  	v32 =	vadd.f32 v46, v32;
	_ =	sdelay $0x1  }
0x374: {  	v32 =	vadd.f32 v47, v32;
	_ =	sdelay $0x1  }
0x375: {  	v32 =	vadd.f32 v48, v32;
	_ =	sdelay $0x1  }
0x376: {  	[tilespmem:s17+$0x0] =	vst v32  }
0x377: {  	v32 =	vld.idx.msk [tilespmem:v13+s28+$0x0], $0xffff  }
0x378: {  	v49 =	vld.idx.msk [tilespmem:v17+s28+$0x0], $0xffff;
	_ =	sdelay $0x1  }
0x379: {  	v50 =	vld.idx.msk [tilespmem:v18+s28+$0x0], $0xffff;
	_ =	sdelay $0x1  }
0x37a: {  	v51 =	vld.idx.msk [tilespmem:v19+s28+$0x0], $0xffff  }
0x37b: {  	v32 =	vadd.f32 v49, v32  }
0x37c: {  	v52 =	vld.idx.msk [tilespmem:v20+s28+$0x0], $0xffff  }
0x37d: {  	v32 =	vadd.f32 v50, v32  }
0x37e: {  	v53 =	vld.idx.msk [tilespmem:v21+s28+$0x0], $0xffff  }
0x37f: {  	v32 =	vadd.f32 v51, v32  }
0x380: {  	v54 =	vld.idx.msk [tilespmem:v22+s28+$0x0], $0xffff  }
0x381: {  	v32 =	vadd.f32 v52, v32  }
0x382: {  	v55 =	vld.idx.msk [tilespmem:v23+s28+$0x0], $0xffff  }
0x383: {  	v32 =	vadd.f32 v53, v32  }
0x384: {  	v56 =	vld.idx.msk [tilespmem:v24+s28+$0x0], $0xffff  }
0x385: {  	v32 =	vadd.f32 v54, v32  }
0x386: {  	v57 =	vld.idx.msk [tilespmem:v25+s28+$0x0], $0xffff  }
0x387: {  	v32 =	vadd.f32 v55, v32  }
0x388: {  	v58 =	vld.idx.msk [tilespmem:v26+s28+$0x0], $0xffff  }
0x389: {  	v32 =	vadd.f32 v56, v32  }
0x38a: {  	v59 =	vld.idx.msk [tilespmem:v27+s28+$0x0], $0xffff  }
0x38b: {  	v32 =	vadd.f32 v57, v32  }
0x38c: {  	v60 =	vld.idx.msk [tilespmem:v28+s28+$0x0], $0xffff  }
0x38d: {  	v32 =	vadd.f32 v58, v32  }
0x38e: {  	v61 =	vld.idx.msk [tilespmem:v29+s28+$0x0], $0xffff  }
0x38f: {  	v32 =	vadd.f32 v59, v32  }
0x390: {  	v62 =	vld.idx.msk [tilespmem:v30+s28+$0x0], $0xffff  }
0x391: {  	v32 =	vadd.f32 v60, v32  }
0x392: {  	v63 =	vld.idx.msk [tilespmem:v31+s28+$0x0], $0xffff  }
0x393: {  	s19 =	sadd.s32 $0x1, s19;
	v32 =	vadd.f32 v61, v32  }
0x394: {  	p0 =	sne.s32 s19, $0x10  }
.Ltmp2:
0x395: {  	v32 =	vadd.f32 v62, v32;
	(pc) =	sbr.rel @p0 .LBB2_2-.Ltmp2, $3  }
0x396: {  	_ = 	snop  }
0x397: {  	v32 =	vadd.f32 v63, v32;
	_ =	sdelay $0x1  }
0x398: {  	s18 =	sadd.s32 $0x200, s18;
	s6 =	sadd.s32 $0x200, s6;
	[tilespmem:s21+$0x15600] =	vst v32  }
0x399: {  	s2 =	simm.s32 $0x15600  }
0x39a: {  	[hbm4b:s9+s4] =	stream.linear.scatter [tilespmem:s2], [sflag:$0x3], $0x200, $0x38;
	[tilespmem:$0x17A20] =	vst v63  }
0x39b: {  	s3 =	sadd.s32 $0x1, s3;
	_ =	swait.ge [sflag:s12], $0x200  }
0x39c: {  	p0 =	sne.s32 s3, s11;
	[sflag:s12] =	ssyncset.done $0x0  }
.Ltmp3:
0x39d: {  	s31 =	simm.s32 $0x15800;
	[sflag:s12] =	ssyncadd.s32 $0xFFFFFE00;
	(pc) =	sbr.rel @p0 .LBB2_1-.Ltmp3, $4  }
0x39e: {  	[hbm4b:s10+s4] =	stream.linear.scatter [tilespmem:s31], [sflag:$0x3], $0x2000, $0x38;
	[tilespmem:$0x17A20] =	vst v63  }
0x39f: {  	_ =	swait.ge [sflag:s12], $0x2000  }
0x3a0: {  	[sflag:s12] =	ssyncset.done $0x0  }
0x3a1: {  	[sflag:s12] =	ssyncadd.s32 $0xFFFFE000  }
0x3a2: {  	_ =	sfence.sel $0x180000  }
0x3a3: {  	[bflag:$0x0] =	sbarrier.arrive $0xFFFF  }
0x3a4: {  	_ =	strace $0x90000047  }
0x3a5: {  	s0 =	stileid.u32;
	[bflag:$0x2] =	sbarrier.arrive $0xFFFF  }
0x3a6: {  	p0 =	sne.s32 s0, $0x0;
	s0 =	rddreg [dreg:$0x8]  }
0x3a7: {  	s0 =	sadd.s32 @!p0 $0x100000, s0  }
0x3a8: {  	[sflag:s0] =	ssyncadd.tile.s32 @!p0 $0x1;
	_ =	shalt  }
.Lfunc_end2:
_tile_overlayer_lowered:
.L_overlay_start_2:
0x3a9: {  	(tag) =	ssettag $0x2  }
0x3aa: {  	s0 =	rddreg [dreg:$0x0];
	s2 =	stileid.u32  }
0x3ab: {  	s1 =	rddreg [dreg:$0x1];
	p0 =	sne.s32 s2, $0x0  }
0x3ac: {  	s3 =	rddreg [dreg:$0x2];
	[bflag:$0x3] =	sbarrier.arrive $0xFFFF;
	s2 =	simm.s32 @!p0 $0x1C03  }
0x3ad: {  	[timem:s3], [sflag:s2] =	dma.local @!p0 [hbm:s0], s1  }
0x3ae: {  	s0 =	simm.s32 @!p0 $0x3  }
0x3af: {  	_ =	swait.ge @!p0 [sflag:s0], s1  }
0x3b0: {  	s1 =	ssub.s32 @!p0 $0x0, s1;
	[sflag:s0] =	ssyncset.done @!p0 $0x0  }
0x3b1: {  	[sflag:s0] =	ssyncadd.s32 @!p0 s1  }
0x3b2: {  	[bflag:$0x3] =	sbarrier.arrive $0xFFFF  }
0x3b3: {  	_ =	shalt  }

</sc_bundles>
